<compile_context>
chip_gen: v7x
topology: tpu7x:2x2x1
jax: 0.10.2.dev20260603
libtpu: 0.0.44.dev20260713+nightly
codegen_flags: <defaults>
</compile_context>

<pallas_src>
import functools

import jax
import jax.numpy as jnp
from jax import lax
from jax.experimental import pallas as pl
from jax.experimental.pallas import tpu as pltpu
from jax.experimental.pallas import tpu_sc as plsc

N_TRIAL = 16384
N_STIM = 100000
N_DIM = 128
N_REF = 8
NSLOT = N_REF + 1
N_GROUP = 4
GAMMA = 0.001

NC = 2
NS = 16
NW = NC * NS
TPW = N_TRIAL // NW
GPW = TPW // 16
ROWS_G = 16 * NSLOT
HALF_G = ROWS_G // 2
NBUF = 4


def _sqrt16(x):
    i = plsc.bitcast(x, jnp.int32)
    y = plsc.bitcast(jnp.int32(0x5F3759DF) - (i >> 1), jnp.float32)
    xh = 0.5 * x
    y = y * (1.5 - xh * y * y)
    y = y * (1.5 - xh * y * y)
    y = y * (1.5 - xh * y * y)
    return x * y


def _sc_likelihood(stim_flat, group_id, config_idx, attn_table, z_table):
    mesh = plsc.VectorSubcoreMesh(core_axis_name="c", subcore_axis_name="s")

    @functools.partial(
        pl.kernel,
        out_type=jax.ShapeDtypeStruct((N_TRIAL,), jnp.float32),
        mesh=mesh,
        compiler_params=pltpu.CompilerParams(
            use_tc_tiling_on_sc=False, needs_layout_passes=False),
        scratch_types=[
            pltpu.VMEM((TPW * NSLOT,), jnp.int32),
            pltpu.VMEM((TPW,), jnp.int32),
            pltpu.VMEM((TPW,), jnp.int32),
            pltpu.VMEM((N_GROUP, N_DIM), jnp.float32),
            pltpu.VMEM((ROWS_G, N_DIM), jnp.float32),
            pltpu.VMEM((ROWS_G, N_DIM), jnp.float32),
            pltpu.VMEM((ROWS_G, N_DIM), jnp.float32),
            pltpu.VMEM((ROWS_G, N_DIM), jnp.float32),
            pltpu.VMEM((TPW,), jnp.float32),
            pltpu.SemaphoreType.DMA,
            pltpu.SemaphoreType.DMA,
            pltpu.SemaphoreType.DMA,
            pltpu.SemaphoreType.DMA,
        ],
    )
    def body(stim_hbm, group_hbm, cfg_hbm, attn_hbm, z_hbm, out_hbm,
             stim_v, group_v, cfg_v, attn_v, rows_a, rows_b, rows_c, rows_d,
             out_v, sem_a, sem_b, sem_c, sem_d):
        wid = lax.axis_index("s") * NC + lax.axis_index("c")
        base = pl.multiple_of(wid * TPW, 8)
        sbase = pl.multiple_of(wid * (TPW * NSLOT), 8)

        sems = (sem_a, sem_b, sem_c, sem_d)
        bufs = (rows_a, rows_b, rows_c, rows_d)

        pltpu.sync_copy(stim_hbm.at[pl.ds(sbase, TPW * NSLOT)], stim_v)

        def gather_descs(g, b):
            off = pl.multiple_of(g * ROWS_G, 8)
            rows2d = bufs[b]
            return [
                pltpu.make_async_copy(
                    z_hbm.at[stim_v.at[pl.ds(off + k * HALF_G, HALF_G)]],
                    rows2d.at[pl.ds(k * HALF_G, HALF_G)], sems[b])
                for k in range(2)
            ]

        def start_gather(g, b):
            for d in gather_descs(g, b):
                d.start()

        def wait_gather(g, b):
            for d in gather_descs(g, b):
                d.wait()

        lane = lax.iota(jnp.int32, 16)
        row_ids = [lane * NSLOT + s for s in range(NSLOT)]

        def compute(g, b):
            rows = bufs[b]
            goff = pl.multiple_of(g * 16, 8)
            grp = group_v[pl.ds(goff, 16)]
            cfg = cfg_v[pl.ds(goff, 16)]

            def dim_body(d, accs):
                dv = (jnp.full((16,), d, dtype=jnp.int32) + lane) & (N_DIM - 1)
                q = plsc.load_gather(rows, [row_ids[0], dv])
                a = plsc.load_gather(attn_v, [grp, dv])
                out = []
                for s in range(1, NSLOT):
                    r = plsc.load_gather(rows, [row_ids[s], dv])
                    t = q - r
                    out.append(accs[s - 1] + a * t * t)
                return tuple(out)

            zero = jnp.zeros((16,), jnp.float32)
            accs = lax.fori_loop(0, N_DIM, dim_body, (zero,) * N_REF)

            sims = [jnp.exp(-_sqrt16(acc)) + GAMMA for acc in accs]
            total = sims[0]
            for s in sims[1:]:
                total = total + s
            p0 = sims[0] / total
            p_rank2 = p0 * sims[1] / (total - sims[0])
            out_v[pl.ds(goff, 16)] = jnp.where(cfg == 1, p_rank2, p0)

        for b in range(NBUF):
            start_gather(b, b)
        pltpu.sync_copy(group_hbm.at[pl.ds(base, TPW)], group_v)
        pltpu.sync_copy(cfg_hbm.at[pl.ds(base, TPW)], cfg_v)
        pltpu.sync_copy(attn_hbm, attn_v)

        def outer(i, _):
            g0 = i * NBUF
            for b in range(NBUF):
                g = g0 + b
                wait_gather(g, b)
                compute(g, b)

                @pl.when(g + NBUF < GPW)
                def _():
                    start_gather(g + NBUF, b)

            return 0

        lax.fori_loop(0, GPW // NBUF, outer, 0)
        pltpu.sync_copy(out_v, out_hbm.at[pl.ds(base, TPW)])

    return body(stim_flat, group_id, config_idx, attn_table, z_table)


@jax.jit
def kernel(stimulus_set, config_idx, group_id, weight, is_present,
           z_table, attn_table):
    del weight, is_present
    stim_flat = stimulus_set.reshape(N_TRIAL * NSLOT)
    return _sc_likelihood(stim_flat, group_id, config_idx,
                          attn_table, z_table)

# --- scband reference (transcript-rebuilt; emitter-appended) ---
"""Pipeline reference for scband-query-reference-12257836663096 (READ-ONLY COPY).

The authoritative reference and input builder live on the scoring server;
editing this copy changes nothing except your own understanding.
"""

import jax, jax.numpy as jnp
import numpy as np

N_TRIAL = 16384
N_STIM = 100000
N_DIM = 128
N_REF = 8
N_GROUP = 4
CONFIG_N_SELECT = [1, 2]
RHO, TAU, BETA, GAMMA = 2.0, 1.0, 1.0, 0.001


def _ranked_sequence_probability(sim_qr, n_select):
    # sim_qr: (n, n_ref). Probability of the ranked selection sequence.
    denom = jnp.sum(sim_qr[:, n_select - 1:], axis=1)
    seq_prob = jnp.ones(sim_qr.shape[0], dtype=jnp.float32)
    for i_selected in range(n_select - 1, -1, -1):
        prob = sim_qr[:, i_selected] / denom
        seq_prob = seq_prob * prob
        if i_selected > 0:
            denom = denom + sim_qr[:, i_selected - 1]
    return seq_prob


def setup_inputs(seed: int = 0):
    key = jax.random.key(seed)
    k1, k2, k3, k4, k5, k6 = jax.random.split(key, 6)
    stimulus_set = jax.random.randint(k1, (N_TRIAL, N_REF + 1), 0, N_STIM, dtype=jnp.int32)
    config_idx = jax.random.randint(k2, (N_TRIAL,), 0, len(CONFIG_N_SELECT), dtype=jnp.int32)
    group_id = jax.random.randint(k3, (N_TRIAL,), 0, N_GROUP, dtype=jnp.int32)
    weight = jax.random.uniform(k4, (N_TRIAL,), dtype=jnp.float32)
    is_present = jnp.ones((N_TRIAL, N_REF + 1), dtype=bool)
    # learned parameters
    z_table = jax.random.normal(k5, (N_STIM, N_DIM), dtype=jnp.float32) * 0.1
    attn_table = jax.nn.softmax(jax.random.normal(k6, (N_GROUP, N_DIM), dtype=jnp.float32), axis=1) * N_DIM
    return {
        "stimulus_set": stimulus_set,
        "config_idx": config_idx,
        "group_id": group_id,
        "weight": weight,
        "is_present": is_present,
        "z_table": z_table,
        "attn_table": attn_table,
    }


def reference(stimulus_set, config_idx, group_id, weight, is_present, z_table, attn_table):
    # attention lookup per trial (group embedding gather)
    attention = jnp.take(attn_table, group_id, axis=0)  # (n_trial, n_dim)
    # coordinate lookup (stimulus embedding gather)
    z = jnp.take(z_table, stimulus_set, axis=0)  # (n_trial, n_ref+1, n_dim)
    z = jnp.transpose(z, (0, 2, 1))  # (n_trial, n_dim, n_ref+1)
    z_q = z[:, :, :1]
    z_r = z[:, :, 1:]
    # exponential-family similarity kernel with attention-weighted Minkowski distance
    d = jnp.sum(attention[:, :, None] * jnp.abs(z_q - z_r) ** RHO, axis=1) ** (1.0 / RHO)
    sim_qr = jnp.exp(-BETA * d ** TAU) + GAMMA  # (n_trial, n_ref)
    sim_qr = sim_qr * is_present[:, 1:].astype(jnp.float32)
    n_trial = stimulus_set.shape[0]
    likelihood = jnp.zeros((n_trial,), dtype=jnp.float32)
    for i_config, n_select in enumerate(CONFIG_N_SELECT):
        prob_config = _ranked_sequence_probability(sim_qr, int(n_select))
        likelihood = jnp.where(config_idx == i_config, prob_config, likelihood)
    return likelihood


if False:  # reference __main__ guard neutralized (emitter)
    out = reference(**setup_inputs())
    print(out.shape, out.dtype)

if __name__ == "__main__":
    import jax
    _d = setup_inputs()
    print(jax.jit(kernel)(*tuple(_d.values())))

</pallas_src>

<mosaic_0001>
#map = affine_map<(d0, d1) -> (0)>
#map1 = affine_map<(d0, d1) -> (0, 0)>
module attributes {stable_mosaic.version = 14 : i64} {
  func.func @body(%arg0: i32, %arg1: i32, %arg2: memref<147456xi32, #tpu.memory_space<hbm>>, %arg3: memref<16384xi32, #tpu.memory_space<hbm>>, %arg4: memref<16384xi32, #tpu.memory_space<hbm>>, %arg5: memref<4x128xf32, #tpu.memory_space<hbm>>, %arg6: memref<100000x128xf32, #tpu.memory_space<hbm>>, %arg7: memref<16384xf32, #tpu.memory_space<hbm>>, %arg8: memref<4608xi32, #tpu.memory_space<vmem>>, %arg9: memref<512xi32, #tpu.memory_space<vmem>>, %arg10: memref<512xi32, #tpu.memory_space<vmem>>, %arg11: memref<4x128xf32, #tpu.memory_space<vmem>>, %arg12: memref<144x128xf32, #tpu.memory_space<vmem>>, %arg13: memref<144x128xf32, #tpu.memory_space<vmem>>, %arg14: memref<144x128xf32, #tpu.memory_space<vmem>>, %arg15: memref<144x128xf32, #tpu.memory_space<vmem>>, %arg16: memref<512xf32, #tpu.memory_space<vmem>>, %arg17: memref<!tpu.dma_semaphore, #tpu.memory_space<semaphore_mem>>, %arg18: memref<!tpu.dma_semaphore, #tpu.memory_space<semaphore_mem>>, %arg19: memref<!tpu.dma_semaphore, #tpu.memory_space<semaphore_mem>>, %arg20: memref<!tpu.dma_semaphore, #tpu.memory_space<semaphore_mem>>) attributes {dimension_semantics = [#tpu.dimension_semantics<core_parallel>, #tpu.dimension_semantics<subcore_parallel>], iteration_bounds = array<i64: 2, 16>, scalar_prefetch = 0 : i64, scratch_operands = 13 : i64, tpu.core_type = #tpu.core_type<sc_vector_subcore>, window_params = [{transform_indices = #map}, {transform_indices = #map}, {transform_indices = #map}, {transform_indices = #map1}, {transform_indices = #map1}, {transform_indices = #map}]} {
    %mul3A = arith.constant 2 : i32
    %mul3A_0 = arith.muli %arg1, %mul3A : i32
    %add3A = arith.addi %mul3A_0, %arg0 : i32
    %mul3A_1 = arith.constant 512 : i32
    %mul3A_2 = arith.muli %add3A, %mul3A_1 : i32
    %multiple_of3A = tpu.assume_multiple %mul3A_2, 8 : i32
    %mul3A_3 = arith.constant 4608 : i32
    %mul3A_4 = arith.muli %add3A, %mul3A_3 : i32
    %multiple_of3A_5 = tpu.assume_multiple %mul3A_4, 8 : i32
    "tpu.region"() ({
      %run_scoped3A = tpu.sem_alloc : memref<!tpu.dma_semaphore, #tpu.memory_space<semaphore_mem>>
      %dma_start3A_145 = tpu.memref_slice %arg2[%multiple_of3A_5] : memref<147456xi32, #tpu.memory_space<hbm>> -> memref<4608xi32, #tpu.memory_space<hbm>>
      %dma_start3A_146 = tpu.memref_slice %arg2[%multiple_of3A_5] : memref<147456xi32, #tpu.memory_space<hbm>> -> memref<4608xi32, #tpu.memory_space<hbm>>
      tpu.enqueue_dma source(%dma_start3A_146 : memref<4608xi32, #tpu.memory_space<hbm>>) target(%arg8 : memref<4608xi32, #tpu.memory_space<vmem>>) target_semaphore(%run_scoped3A : memref<!tpu.dma_semaphore, #tpu.memory_space<semaphore_mem>>)
      %dma_wait3A = tpu.memref_slice %arg2[%multiple_of3A_5] : memref<147456xi32, #tpu.memory_space<hbm>> -> memref<4608xi32, #tpu.memory_space<hbm>>
      %dma_wait3A_147 = tpu.memref_slice %arg2[%multiple_of3A_5] : memref<147456xi32, #tpu.memory_space<hbm>> -> memref<4608xi32, #tpu.memory_space<hbm>>
      tpu.wait_dma2 semaphore(%run_scoped3A : memref<!tpu.dma_semaphore, #tpu.memory_space<semaphore_mem>>) src(%dma_wait3A_147 : memref<4608xi32, #tpu.memory_space<hbm>>) dst(%arg8 : memref<4608xi32, #tpu.memory_space<vmem>>)
      tpu.yield
    }) : () -> ()
    %iota3A = tpu.iota {dimensions = array<i32: 0>} : vector<16xi32>
    %mul3A_6 = arith.constant 9 : i32
    %mul3A_7 = vector.broadcast %mul3A_6 : i32 to vector<16xi32>
    %mul3A_8 = arith.muli %iota3A, %mul3A_7 : vector<16xi32>
    %add3A_9 = arith.constant 0 : i32
    %add3A_10 = vector.broadcast %add3A_9 : i32 to vector<16xi32>
    %add3A_11 = arith.addi %mul3A_8, %add3A_10 : vector<16xi32>
    %mul3A_12 = arith.constant 9 : i32
    %mul3A_13 = vector.broadcast %mul3A_12 : i32 to vector<16xi32>
    %mul3A_14 = arith.muli %iota3A, %mul3A_13 : vector<16xi32>
    %add3A_15 = arith.constant 1 : i32
    %add3A_16 = vector.broadcast %add3A_15 : i32 to vector<16xi32>
    %add3A_17 = arith.addi %mul3A_14, %add3A_16 : vector<16xi32>
    %mul3A_18 = arith.constant 9 : i32
    %mul3A_19 = vector.broadcast %mul3A_18 : i32 to vector<16xi32>
    %mul3A_20 = arith.muli %iota3A, %mul3A_19 : vector<16xi32>
    %add3A_21 = arith.constant 2 : i32
    %add3A_22 = vector.broadcast %add3A_21 : i32 to vector<16xi32>
    %add3A_23 = arith.addi %mul3A_20, %add3A_22 : vector<16xi32>
    %mul3A_24 = arith.constant 9 : i32
    %mul3A_25 = vector.broadcast %mul3A_24 : i32 to vector<16xi32>
    %mul3A_26 = arith.muli %iota3A, %mul3A_25 : vector<16xi32>
    %add3A_27 = arith.constant 3 : i32
    %add3A_28 = vector.broadcast %add3A_27 : i32 to vector<16xi32>
    %add3A_29 = arith.addi %mul3A_26, %add3A_28 : vector<16xi32>
    %mul3A_30 = arith.constant 9 : i32
    %mul3A_31 = vector.broadcast %mul3A_30 : i32 to vector<16xi32>
    %mul3A_32 = arith.muli %iota3A, %mul3A_31 : vector<16xi32>
    %add3A_33 = arith.constant 4 : i32
    %add3A_34 = vector.broadcast %add3A_33 : i32 to vector<16xi32>
    %add3A_35 = arith.addi %mul3A_32, %add3A_34 : vector<16xi32>
    %mul3A_36 = arith.constant 9 : i32
    %mul3A_37 = vector.broadcast %mul3A_36 : i32 to vector<16xi32>
    %mul3A_38 = arith.muli %iota3A, %mul3A_37 : vector<16xi32>
    %add3A_39 = arith.constant 5 : i32
    %add3A_40 = vector.broadcast %add3A_39 : i32 to vector<16xi32>
    %add3A_41 = arith.addi %mul3A_38, %add3A_40 : vector<16xi32>
    %mul3A_42 = arith.constant 9 : i32
    %mul3A_43 = vector.broadcast %mul3A_42 : i32 to vector<16xi32>
    %mul3A_44 = arith.muli %iota3A, %mul3A_43 : vector<16xi32>
    %add3A_45 = arith.constant 6 : i32
    %add3A_46 = vector.broadcast %add3A_45 : i32 to vector<16xi32>
    %add3A_47 = arith.addi %mul3A_44, %add3A_46 : vector<16xi32>
    %mul3A_48 = arith.constant 9 : i32
    %mul3A_49 = vector.broadcast %mul3A_48 : i32 to vector<16xi32>
    %mul3A_50 = arith.muli %iota3A, %mul3A_49 : vector<16xi32>
    %add3A_51 = arith.constant 7 : i32
    %add3A_52 = vector.broadcast %add3A_51 : i32 to vector<16xi32>
    %add3A_53 = arith.addi %mul3A_50, %add3A_52 : vector<16xi32>
    %mul3A_54 = arith.constant 9 : i32
    %mul3A_55 = vector.broadcast %mul3A_54 : i32 to vector<16xi32>
    %mul3A_56 = arith.muli %iota3A, %mul3A_55 : vector<16xi32>
    %add3A_57 = arith.constant 8 : i32
    %add3A_58 = vector.broadcast %add3A_57 : i32 to vector<16xi32>
    %add3A_59 = arith.addi %mul3A_56, %add3A_58 : vector<16xi32>
    %multiple_of3A_60 = arith.constant 0 : i32
    %multiple_of3A_61 = tpu.assume_multiple %multiple_of3A_60, 8 : i32
    %add3A_62 = arith.constant 0 : i32
    %add3A_63 = arith.addi %multiple_of3A_61, %add3A_62 : i32
    %add3A_64 = arith.constant 72 : i32
    %add3A_65 = arith.addi %multiple_of3A_61, %add3A_64 : i32
    %dma_start3A = arith.constant 0 : i32
    %dma_start3A_66 = arith.constant 0 : i32
    %dma_start3A_67 = tpu.memref_slice %arg12[%dma_start3A, %dma_start3A_66] : memref<144x128xf32, #tpu.memory_space<vmem>> -> memref<72x128xf32, #tpu.memory_space<vmem>>
    %dma_start3A_68 = tpu.memref_slice %arg8[%add3A_63] : memref<4608xi32, #tpu.memory_space<vmem>> -> memref<72xi32, #tpu.memory_space<vmem>>
    %dma_start3A_69 = arith.constant 0 : i32
    %dma_start3A_70 = arith.constant 0 : i32
    %dma_start3A_71 = tpu.memref_slice %arg6[%dma_start3A_69, %dma_start3A_70] : memref<100000x128xf32, #tpu.memory_space<hbm>> -> memref<100000x128xf32, #tpu.memory_space<hbm>>
    tpu.enqueue_indirect_dma source(%dma_start3A_71 : memref<100000x128xf32, #tpu.memory_space<hbm>>) target(%dma_start3A_67 : memref<72x128xf32, #tpu.memory_space<vmem>>) offsets(%dma_start3A_68 : memref<72xi32, #tpu.memory_space<vmem>>) semaphore(%arg17 : memref<!tpu.dma_semaphore, #tpu.memory_space<semaphore_mem>>)
    %dma_start3A_72 = arith.constant 72 : i32
    %dma_start3A_73 = arith.constant 0 : i32
    %dma_start3A_74 = tpu.memref_slice %arg12[%dma_start3A_72, %dma_start3A_73] : memref<144x128xf32, #tpu.memory_space<vmem>> -> memref<72x128xf32, #tpu.memory_space<vmem>>
    %dma_start3A_75 = tpu.memref_slice %arg8[%add3A_65] : memref<4608xi32, #tpu.memory_space<vmem>> -> memref<72xi32, #tpu.memory_space<vmem>>
    %dma_start3A_76 = arith.constant 0 : i32
    %dma_start3A_77 = arith.constant 0 : i32
    %dma_start3A_78 = tpu.memref_slice %arg6[%dma_start3A_76, %dma_start3A_77] : memref<100000x128xf32, #tpu.memory_space<hbm>> -> memref<100000x128xf32, #tpu.memory_space<hbm>>
    tpu.enqueue_indirect_dma source(%dma_start3A_78 : memref<100000x128xf32, #tpu.memory_space<hbm>>) target(%dma_start3A_74 : memref<72x128xf32, #tpu.memory_space<vmem>>) offsets(%dma_start3A_75 : memref<72xi32, #tpu.memory_space<vmem>>) semaphore(%arg17 : memref<!tpu.dma_semaphore, #tpu.memory_space<semaphore_mem>>)
    %multiple_of3A_79 = arith.constant 144 : i32
    %multiple_of3A_80 = tpu.assume_multiple %multiple_of3A_79, 8 : i32
    %add3A_81 = arith.constant 0 : i32
    %add3A_82 = arith.addi %multiple_of3A_80, %add3A_81 : i32
    %add3A_83 = arith.constant 72 : i32
    %add3A_84 = arith.addi %multiple_of3A_80, %add3A_83 : i32
    %dma_start3A_85 = arith.constant 0 : i32
    %dma_start3A_86 = arith.constant 0 : i32
    %dma_start3A_87 = tpu.memref_slice %arg13[%dma_start3A_85, %dma_start3A_86] : memref<144x128xf32, #tpu.memory_space<vmem>> -> memref<72x128xf32, #tpu.memory_space<vmem>>
    %dma_start3A_88 = tpu.memref_slice %arg8[%add3A_82] : memref<4608xi32, #tpu.memory_space<vmem>> -> memref<72xi32, #tpu.memory_space<vmem>>
    %dma_start3A_89 = arith.constant 0 : i32
    %dma_start3A_90 = arith.constant 0 : i32
    %dma_start3A_91 = tpu.memref_slice %arg6[%dma_start3A_89, %dma_start3A_90] : memref<100000x128xf32, #tpu.memory_space<hbm>> -> memref<100000x128xf32, #tpu.memory_space<hbm>>
    tpu.enqueue_indirect_dma source(%dma_start3A_91 : memref<100000x128xf32, #tpu.memory_space<hbm>>) target(%dma_start3A_87 : memref<72x128xf32, #tpu.memory_space<vmem>>) offsets(%dma_start3A_88 : memref<72xi32, #tpu.memory_space<vmem>>) semaphore(%arg18 : memref<!tpu.dma_semaphore, #tpu.memory_space<semaphore_mem>>)
    %dma_start3A_92 = arith.constant 72 : i32
    %dma_start3A_93 = arith.constant 0 : i32
    %dma_start3A_94 = tpu.memref_slice %arg13[%dma_start3A_92, %dma_start3A_93] : memref<144x128xf32, #tpu.memory_space<vmem>> -> memref<72x128xf32, #tpu.memory_space<vmem>>
    %dma_start3A_95 = tpu.memref_slice %arg8[%add3A_84] : memref<4608xi32, #tpu.memory_space<vmem>> -> memref<72xi32, #tpu.memory_space<vmem>>
    %dma_start3A_96 = arith.constant 0 : i32
    %dma_start3A_97 = arith.constant 0 : i32
    %dma_start3A_98 = tpu.memref_slice %arg6[%dma_start3A_96, %dma_start3A_97] : memref<100000x128xf32, #tpu.memory_space<hbm>> -> memref<100000x128xf32, #tpu.memory_space<hbm>>
    tpu.enqueue_indirect_dma source(%dma_start3A_98 : memref<100000x128xf32, #tpu.memory_space<hbm>>) target(%dma_start3A_94 : memref<72x128xf32, #tpu.memory_space<vmem>>) offsets(%dma_start3A_95 : memref<72xi32, #tpu.memory_space<vmem>>) semaphore(%arg18 : memref<!tpu.dma_semaphore, #tpu.memory_space<semaphore_mem>>)
    %multiple_of3A_99 = arith.constant 288 : i32
    %multiple_of3A_100 = tpu.assume_multiple %multiple_of3A_99, 8 : i32
    %add3A_101 = arith.constant 0 : i32
    %add3A_102 = arith.addi %multiple_of3A_100, %add3A_101 : i32
    %add3A_103 = arith.constant 72 : i32
    %add3A_104 = arith.addi %multiple_of3A_100, %add3A_103 : i32
    %dma_start3A_105 = arith.constant 0 : i32
    %dma_start3A_106 = arith.constant 0 : i32
    %dma_start3A_107 = tpu.memref_slice %arg14[%dma_start3A_105, %dma_start3A_106] : memref<144x128xf32, #tpu.memory_space<vmem>> -> memref<72x128xf32, #tpu.memory_space<vmem>>
    %dma_start3A_108 = tpu.memref_slice %arg8[%add3A_102] : memref<4608xi32, #tpu.memory_space<vmem>> -> memref<72xi32, #tpu.memory_space<vmem>>
    %dma_start3A_109 = arith.constant 0 : i32
    %dma_start3A_110 = arith.constant 0 : i32
    %dma_start3A_111 = tpu.memref_slice %arg6[%dma_start3A_109, %dma_start3A_110] : memref<100000x128xf32, #tpu.memory_space<hbm>> -> memref<100000x128xf32, #tpu.memory_space<hbm>>
    tpu.enqueue_indirect_dma source(%dma_start3A_111 : memref<100000x128xf32, #tpu.memory_space<hbm>>) target(%dma_start3A_107 : memref<72x128xf32, #tpu.memory_space<vmem>>) offsets(%dma_start3A_108 : memref<72xi32, #tpu.memory_space<vmem>>) semaphore(%arg19 : memref<!tpu.dma_semaphore, #tpu.memory_space<semaphore_mem>>)
    %dma_start3A_112 = arith.constant 72 : i32
    %dma_start3A_113 = arith.constant 0 : i32
    %dma_start3A_114 = tpu.memref_slice %arg14[%dma_start3A_112, %dma_start3A_113] : memref<144x128xf32, #tpu.memory_space<vmem>> -> memref<72x128xf32, #tpu.memory_space<vmem>>
    %dma_start3A_115 = tpu.memref_slice %arg8[%add3A_104] : memref<4608xi32, #tpu.memory_space<vmem>> -> memref<72xi32, #tpu.memory_space<vmem>>
    %dma_start3A_116 = arith.constant 0 : i32
    %dma_start3A_117 = arith.constant 0 : i32
    %dma_start3A_118 = tpu.memref_slice %arg6[%dma_start3A_116, %dma_start3A_117] : memref<100000x128xf32, #tpu.memory_space<hbm>> -> memref<100000x128xf32, #tpu.memory_space<hbm>>
    tpu.enqueue_indirect_dma source(%dma_start3A_118 : memref<100000x128xf32, #tpu.memory_space<hbm>>) target(%dma_start3A_114 : memref<72x128xf32, #tpu.memory_space<vmem>>) offsets(%dma_start3A_115 : memref<72xi32, #tpu.memory_space<vmem>>) semaphore(%arg19 : memref<!tpu.dma_semaphore, #tpu.memory_space<semaphore_mem>>)
    %multiple_of3A_119 = arith.constant 432 : i32
    %multiple_of3A_120 = tpu.assume_multiple %multiple_of3A_119, 8 : i32
    %add3A_121 = arith.constant 0 : i32
    %add3A_122 = arith.addi %multiple_of3A_120, %add3A_121 : i32
    %add3A_123 = arith.constant 72 : i32
    %add3A_124 = arith.addi %multiple_of3A_120, %add3A_123 : i32
    %dma_start3A_125 = arith.constant 0 : i32
    %dma_start3A_126 = arith.constant 0 : i32
    %dma_start3A_127 = tpu.memref_slice %arg15[%dma_start3A_125, %dma_start3A_126] : memref<144x128xf32, #tpu.memory_space<vmem>> -> memref<72x128xf32, #tpu.memory_space<vmem>>
    %dma_start3A_128 = tpu.memref_slice %arg8[%add3A_122] : memref<4608xi32, #tpu.memory_space<vmem>> -> memref<72xi32, #tpu.memory_space<vmem>>
    %dma_start3A_129 = arith.constant 0 : i32
    %dma_start3A_130 = arith.constant 0 : i32
    %dma_start3A_131 = tpu.memref_slice %arg6[%dma_start3A_129, %dma_start3A_130] : memref<100000x128xf32, #tpu.memory_space<hbm>> -> memref<100000x128xf32, #tpu.memory_space<hbm>>
    tpu.enqueue_indirect_dma source(%dma_start3A_131 : memref<100000x128xf32, #tpu.memory_space<hbm>>) target(%dma_start3A_127 : memref<72x128xf32, #tpu.memory_space<vmem>>) offsets(%dma_start3A_128 : memref<72xi32, #tpu.memory_space<vmem>>) semaphore(%arg20 : memref<!tpu.dma_semaphore, #tpu.memory_space<semaphore_mem>>)
    %dma_start3A_132 = arith.constant 72 : i32
    %dma_start3A_133 = arith.constant 0 : i32
    %dma_start3A_134 = tpu.memref_slice %arg15[%dma_start3A_132, %dma_start3A_133] : memref<144x128xf32, #tpu.memory_space<vmem>> -> memref<72x128xf32, #tpu.memory_space<vmem>>
    %dma_start3A_135 = tpu.memref_slice %arg8[%add3A_124] : memref<4608xi32, #tpu.memory_space<vmem>> -> memref<72xi32, #tpu.memory_space<vmem>>
    %dma_start3A_136 = arith.constant 0 : i32
    %dma_start3A_137 = arith.constant 0 : i32
    %dma_start3A_138 = tpu.memref_slice %arg6[%dma_start3A_136, %dma_start3A_137] : memref<100000x128xf32, #tpu.memory_space<hbm>> -> memref<100000x128xf32, #tpu.memory_space<hbm>>
    tpu.enqueue_indirect_dma source(%dma_start3A_138 : memref<100000x128xf32, #tpu.memory_space<hbm>>) target(%dma_start3A_134 : memref<72x128xf32, #tpu.memory_space<vmem>>) offsets(%dma_start3A_135 : memref<72xi32, #tpu.memory_space<vmem>>) semaphore(%arg20 : memref<!tpu.dma_semaphore, #tpu.memory_space<semaphore_mem>>)
    "tpu.region"() ({
      %run_scoped3A = tpu.sem_alloc : memref<!tpu.dma_semaphore, #tpu.memory_space<semaphore_mem>>
      %dma_start3A_145 = tpu.memref_slice %arg3[%multiple_of3A] : memref<16384xi32, #tpu.memory_space<hbm>> -> memref<512xi32, #tpu.memory_space<hbm>>
      %dma_start3A_146 = tpu.memref_slice %arg3[%multiple_of3A] : memref<16384xi32, #tpu.memory_space<hbm>> -> memref<512xi32, #tpu.memory_space<hbm>>
      tpu.enqueue_dma source(%dma_start3A_146 : memref<512xi32, #tpu.memory_space<hbm>>) target(%arg9 : memref<512xi32, #tpu.memory_space<vmem>>) target_semaphore(%run_scoped3A : memref<!tpu.dma_semaphore, #tpu.memory_space<semaphore_mem>>)
      %dma_wait3A = tpu.memref_slice %arg3[%multiple_of3A] : memref<16384xi32, #tpu.memory_space<hbm>> -> memref<512xi32, #tpu.memory_space<hbm>>
      %dma_wait3A_147 = tpu.memref_slice %arg3[%multiple_of3A] : memref<16384xi32, #tpu.memory_space<hbm>> -> memref<512xi32, #tpu.memory_space<hbm>>
      tpu.wait_dma2 semaphore(%run_scoped3A : memref<!tpu.dma_semaphore, #tpu.memory_space<semaphore_mem>>) src(%dma_wait3A_147 : memref<512xi32, #tpu.memory_space<hbm>>) dst(%arg9 : memref<512xi32, #tpu.memory_space<vmem>>)
      tpu.yield
    }) : () -> ()
    "tpu.region"() ({
      %run_scoped3A = tpu.sem_alloc : memref<!tpu.dma_semaphore, #tpu.memory_space<semaphore_mem>>
      %dma_start3A_145 = tpu.memref_slice %arg4[%multiple_of3A] : memref<16384xi32, #tpu.memory_space<hbm>> -> memref<512xi32, #tpu.memory_space<hbm>>
      %dma_start3A_146 = tpu.memref_slice %arg4[%multiple_of3A] : memref<16384xi32, #tpu.memory_space<hbm>> -> memref<512xi32, #tpu.memory_space<hbm>>
      tpu.enqueue_dma source(%dma_start3A_146 : memref<512xi32, #tpu.memory_space<hbm>>) target(%arg10 : memref<512xi32, #tpu.memory_space<vmem>>) target_semaphore(%run_scoped3A : memref<!tpu.dma_semaphore, #tpu.memory_space<semaphore_mem>>)
      %dma_wait3A = tpu.memref_slice %arg4[%multiple_of3A] : memref<16384xi32, #tpu.memory_space<hbm>> -> memref<512xi32, #tpu.memory_space<hbm>>
      %dma_wait3A_147 = tpu.memref_slice %arg4[%multiple_of3A] : memref<16384xi32, #tpu.memory_space<hbm>> -> memref<512xi32, #tpu.memory_space<hbm>>
      tpu.wait_dma2 semaphore(%run_scoped3A : memref<!tpu.dma_semaphore, #tpu.memory_space<semaphore_mem>>) src(%dma_wait3A_147 : memref<512xi32, #tpu.memory_space<hbm>>) dst(%arg10 : memref<512xi32, #tpu.memory_space<vmem>>)
      tpu.yield
    }) : () -> ()
    "tpu.region"() ({
      %run_scoped3A = tpu.sem_alloc : memref<!tpu.dma_semaphore, #tpu.memory_space<semaphore_mem>>
      tpu.enqueue_dma source(%arg5 : memref<4x128xf32, #tpu.memory_space<hbm>>) target(%arg11 : memref<4x128xf32, #tpu.memory_space<vmem>>) target_semaphore(%run_scoped3A : memref<!tpu.dma_semaphore, #tpu.memory_space<semaphore_mem>>)
      tpu.wait_dma2 semaphore(%run_scoped3A : memref<!tpu.dma_semaphore, #tpu.memory_space<semaphore_mem>>) src(%arg5 : memref<4x128xf32, #tpu.memory_space<hbm>>) dst(%arg11 : memref<4x128xf32, #tpu.memory_space<vmem>>)
      tpu.yield
    }) : () -> ()
    %scan3A = arith.constant 0 : i32
    %scan3A_139 = arith.constant 0 : i32
    %scan3A_140 = arith.constant 8 : i32
    %scan3A_141 = arith.addi %scan3A_139, %scan3A_140 : i32
    %scan3A_142 = arith.constant 1 : i32
    %scan3A_143 = scf.for %scan3A_145 = %scan3A_139 to %scan3A_141 step %scan3A_142 iter_args(%scan3A_146 = %scan3A) -> (i32)  : i32 {
      %mul3A_147 = arith.constant 4 : i32
      %mul3A_148 = arith.muli %scan3A_145, %mul3A_147 : i32
      %add3A_149 = arith.constant 0 : i32
      %add3A_150 = arith.addi %mul3A_148, %add3A_149 : i32
      %mul3A_151 = arith.constant 144 : i32
      %mul3A_152 = arith.muli %add3A_150, %mul3A_151 : i32
      %multiple_of3A_153 = tpu.assume_multiple %mul3A_152, 8 : i32
      %add3A_154 = arith.constant 0 : i32
      %add3A_155 = arith.addi %multiple_of3A_153, %add3A_154 : i32
      %add3A_156 = arith.constant 72 : i32
      %add3A_157 = arith.addi %multiple_of3A_153, %add3A_156 : i32
      %dma_wait3A = arith.constant 0 : i32
      %dma_wait3A_158 = arith.constant 0 : i32
      %dma_wait3A_159 = tpu.memref_slice %arg12[%dma_wait3A, %dma_wait3A_158] : memref<144x128xf32, #tpu.memory_space<vmem>> -> memref<72x128xf32, #tpu.memory_space<vmem>>
      %dma_wait3A_160 = tpu.memref_slice %arg8[%add3A_155] : memref<4608xi32, #tpu.memory_space<vmem>> -> memref<72xi32, #tpu.memory_space<vmem>>
      %dma_wait3A_161 = arith.constant 0 : i32
      %dma_wait3A_162 = arith.constant 0 : i32
      %dma_wait3A_163 = tpu.memref_slice %arg6[%dma_wait3A_161, %dma_wait3A_162] : memref<100000x128xf32, #tpu.memory_space<hbm>> -> memref<100000x128xf32, #tpu.memory_space<hbm>>
      tpu.wait_indirect_dma semaphore(%arg17 : memref<!tpu.dma_semaphore, #tpu.memory_space<semaphore_mem>>) src(%dma_wait3A_163 : memref<100000x128xf32, #tpu.memory_space<hbm>>) dst(%dma_wait3A_159 : memref<72x128xf32, #tpu.memory_space<vmem>>)
      %dma_wait3A_164 = arith.constant 72 : i32
      %dma_wait3A_165 = arith.constant 0 : i32
      %dma_wait3A_166 = tpu.memref_slice %arg12[%dma_wait3A_164, %dma_wait3A_165] : memref<144x128xf32, #tpu.memory_space<vmem>> -> memref<72x128xf32, #tpu.memory_space<vmem>>
      %dma_wait3A_167 = tpu.memref_slice %arg8[%add3A_157] : memref<4608xi32, #tpu.memory_space<vmem>> -> memref<72xi32, #tpu.memory_space<vmem>>
      %dma_wait3A_168 = arith.constant 0 : i32
      %dma_wait3A_169 = arith.constant 0 : i32
      %dma_wait3A_170 = tpu.memref_slice %arg6[%dma_wait3A_168, %dma_wait3A_169] : memref<100000x128xf32, #tpu.memory_space<hbm>> -> memref<100000x128xf32, #tpu.memory_space<hbm>>
      tpu.wait_indirect_dma semaphore(%arg17 : memref<!tpu.dma_semaphore, #tpu.memory_space<semaphore_mem>>) src(%dma_wait3A_170 : memref<100000x128xf32, #tpu.memory_space<hbm>>) dst(%dma_wait3A_166 : memref<72x128xf32, #tpu.memory_space<vmem>>)
      %mul3A_171 = arith.constant 16 : i32
      %mul3A_172 = arith.muli %add3A_150, %mul3A_171 : i32
      %multiple_of3A_173 = tpu.assume_multiple %mul3A_172, 8 : i32
      %get3A = arith.index_cast %multiple_of3A_173 : i32 to index
      %get3A_174 = tpu.vector_load %arg9[%get3A] {strides = array<i32>} : memref<512xi32, #tpu.memory_space<vmem>>, vector<16xi32>,
      %get3A_175 = arith.index_cast %multiple_of3A_173 : i32 to index
      %get3A_176 = tpu.vector_load %arg10[%get3A_175] {strides = array<i32>} : memref<512xi32, #tpu.memory_space<vmem>>, vector<16xi32>,
      %broadcast_in_dim3A = arith.constant 0.000000e+00 : f32
      %broadcast_in_dim3A_177 = vector.broadcast %broadcast_in_dim3A : f32 to vector<16xf32>
      %scan3A_178 = arith.constant 0 : i32
      %scan3A_179 = arith.constant 128 : i32
      %scan3A_180 = arith.addi %scan3A_178, %scan3A_179 : i32
      %scan3A_181 = arith.constant 1 : i32
      %scan3A_182:8 = scf.for %scan3A_1567 = %scan3A_178 to %scan3A_180 step %scan3A_181 iter_args(%scan3A_1568 = %broadcast_in_dim3A_177, %scan3A_1569 = %broadcast_in_dim3A_177, %scan3A_1570 = %broadcast_in_dim3A_177, %scan3A_1571 = %broadcast_in_dim3A_177, %scan3A_1572 = %broadcast_in_dim3A_177, %scan3A_1573 = %broadcast_in_dim3A_177, %scan3A_1574 = %broadcast_in_dim3A_177, %scan3A_1575 = %broadcast_in_dim3A_177) -> (vector<16xf32>, vector<16xf32>, vector<16xf32>, vector<16xf32>, vector<16xf32>, vector<16xf32>, vector<16xf32>, vector<16xf32>)  : i32 {
        %broadcast_in_dim3A_1576 = vector.broadcast %scan3A_1567 : i32 to vector<16xi32>
        %add3A_1577 = arith.addi %broadcast_in_dim3A_1576, %iota3A : vector<16xi32>
        %and3A = arith.constant 127 : i32
        %and3A_1578 = vector.broadcast %and3A : i32 to vector<16xi32>
        %and3A_1579 = arith.andi %add3A_1577, %and3A_1578 : vector<16xi32>
        %gather3A = tpu.vector_load_idx %arg12[%add3A_11, %and3A_1579] : memref<144x128xf32, #tpu.memory_space<vmem>>[vector<16xi32>, vector<16xi32>], vector<16xf32>,
        %gather3A_1580 = tpu.vector_load_idx %arg11[%get3A_174, %and3A_1579] : memref<4x128xf32, #tpu.memory_space<vmem>>[vector<16xi32>, vector<16xi32>], vector<16xf32>,
        %gather3A_1581 = tpu.vector_load_idx %arg12[%add3A_17, %and3A_1579] : memref<144x128xf32, #tpu.memory_space<vmem>>[vector<16xi32>, vector<16xi32>], vector<16xf32>,
        %sub3A_1582 = arith.subf %gather3A, %gather3A_1581 : vector<16xf32>
        %mul3A_1583 = arith.mulf %gather3A_1580, %sub3A_1582 : vector<16xf32>
        %mul3A_1584 = arith.mulf %mul3A_1583, %sub3A_1582 : vector<16xf32>
        %add3A_1585 = arith.addf %scan3A_1568, %mul3A_1584 : vector<16xf32>
        %gather3A_1586 = tpu.vector_load_idx %arg12[%add3A_23, %and3A_1579] : memref<144x128xf32, #tpu.memory_space<vmem>>[vector<16xi32>, vector<16xi32>], vector<16xf32>,
        %sub3A_1587 = arith.subf %gather3A, %gather3A_1586 : vector<16xf32>
        %mul3A_1588 = arith.mulf %gather3A_1580, %sub3A_1587 : vector<16xf32>
        %mul3A_1589 = arith.mulf %mul3A_1588, %sub3A_1587 : vector<16xf32>
        %add3A_1590 = arith.addf %scan3A_1569, %mul3A_1589 : vector<16xf32>
        %gather3A_1591 = tpu.vector_load_idx %arg12[%add3A_29, %and3A_1579] : memref<144x128xf32, #tpu.memory_space<vmem>>[vector<16xi32>, vector<16xi32>], vector<16xf32>,
        %sub3A_1592 = arith.subf %gather3A, %gather3A_1591 : vector<16xf32>
        %mul3A_1593 = arith.mulf %gather3A_1580, %sub3A_1592 : vector<16xf32>
        %mul3A_1594 = arith.mulf %mul3A_1593, %sub3A_1592 : vector<16xf32>
        %add3A_1595 = arith.addf %scan3A_1570, %mul3A_1594 : vector<16xf32>
        %gather3A_1596 = tpu.vector_load_idx %arg12[%add3A_35, %and3A_1579] : memref<144x128xf32, #tpu.memory_space<vmem>>[vector<16xi32>, vector<16xi32>], vector<16xf32>,
        %sub3A_1597 = arith.subf %gather3A, %gather3A_1596 : vector<16xf32>
        %mul3A_1598 = arith.mulf %gather3A_1580, %sub3A_1597 : vector<16xf32>
        %mul3A_1599 = arith.mulf %mul3A_1598, %sub3A_1597 : vector<16xf32>
        %add3A_1600 = arith.addf %scan3A_1571, %mul3A_1599 : vector<16xf32>
        %gather3A_1601 = tpu.vector_load_idx %arg12[%add3A_41, %and3A_1579] : memref<144x128xf32, #tpu.memory_space<vmem>>[vector<16xi32>, vector<16xi32>], vector<16xf32>,
        %sub3A_1602 = arith.subf %gather3A, %gather3A_1601 : vector<16xf32>
        %mul3A_1603 = arith.mulf %gather3A_1580, %sub3A_1602 : vector<16xf32>
        %mul3A_1604 = arith.mulf %mul3A_1603, %sub3A_1602 : vector<16xf32>
        %add3A_1605 = arith.addf %scan3A_1572, %mul3A_1604 : vector<16xf32>
        %gather3A_1606 = tpu.vector_load_idx %arg12[%add3A_47, %and3A_1579] : memref<144x128xf32, #tpu.memory_space<vmem>>[vector<16xi32>, vector<16xi32>], vector<16xf32>,
        %sub3A_1607 = arith.subf %gather3A, %gather3A_1606 : vector<16xf32>
        %mul3A_1608 = arith.mulf %gather3A_1580, %sub3A_1607 : vector<16xf32>
        %mul3A_1609 = arith.mulf %mul3A_1608, %sub3A_1607 : vector<16xf32>
        %add3A_1610 = arith.addf %scan3A_1573, %mul3A_1609 : vector<16xf32>
        %gather3A_1611 = tpu.vector_load_idx %arg12[%add3A_53, %and3A_1579] : memref<144x128xf32, #tpu.memory_space<vmem>>[vector<16xi32>, vector<16xi32>], vector<16xf32>,
        %sub3A_1612 = arith.subf %gather3A, %gather3A_1611 : vector<16xf32>
        %mul3A_1613 = arith.mulf %gather3A_1580, %sub3A_1612 : vector<16xf32>
        %mul3A_1614 = arith.mulf %mul3A_1613, %sub3A_1612 : vector<16xf32>
        %add3A_1615 = arith.addf %scan3A_1574, %mul3A_1614 : vector<16xf32>
        %gather3A_1616 = tpu.vector_load_idx %arg12[%add3A_59, %and3A_1579] : memref<144x128xf32, #tpu.memory_space<vmem>>[vector<16xi32>, vector<16xi32>], vector<16xf32>,
        %sub3A_1617 = arith.subf %gather3A, %gather3A_1616 : vector<16xf32>
        %mul3A_1618 = arith.mulf %gather3A_1580, %sub3A_1617 : vector<16xf32>
        %mul3A_1619 = arith.mulf %mul3A_1618, %sub3A_1617 : vector<16xf32>
        %add3A_1620 = arith.addf %scan3A_1575, %mul3A_1619 : vector<16xf32>
        scf.yield %add3A_1585, %add3A_1590, %add3A_1595, %add3A_1600, %add3A_1605, %add3A_1610, %add3A_1615, %add3A_1620 : vector<16xf32>, vector<16xf32>, vector<16xf32>, vector<16xf32>, vector<16xf32>, vector<16xf32>, vector<16xf32>, vector<16xf32>
      }
      %scan3A_183 = arith.constant 128 : i32
      %bitcast3A = vector.bitcast %scan3A_182#0 : vector<16xf32> to vector<16xi32>
      %shift_right_arithmetic3A = arith.constant 1 : i32
      %shift_right_arithmetic3A_184 = vector.broadcast %shift_right_arithmetic3A : i32 to vector<16xi32>
      %shift_right_arithmetic3A_185 = arith.shrsi %bitcast3A, %shift_right_arithmetic3A_184 : vector<16xi32>
      %sub3A = arith.constant 1597463007 : i32
      %sub3A_186 = vector.broadcast %sub3A : i32 to vector<16xi32>
      %sub3A_187 = arith.subi %sub3A_186, %shift_right_arithmetic3A_185 : vector<16xi32>
      %bitcast3A_188 = vector.bitcast %sub3A_187 : vector<16xi32> to vector<16xf32>
      %mul3A_189 = arith.constant 5.000000e-01 : f32
      %mul3A_190 = vector.broadcast %mul3A_189 : f32 to vector<16xf32>
      %mul3A_191 = arith.mulf %mul3A_190, %scan3A_182#0 : vector<16xf32>
      %mul3A_192 = arith.mulf %mul3A_191, %bitcast3A_188 : vector<16xf32>
      %mul3A_193 = arith.mulf %mul3A_192, %bitcast3A_188 : vector<16xf32>
      %sub3A_194 = arith.constant 1.500000e+00 : f32
      %sub3A_195 = vector.broadcast %sub3A_194 : f32 to vector<16xf32>
      %sub3A_196 = arith.subf %sub3A_195, %mul3A_193 : vector<16xf32>
      %mul3A_197 = arith.mulf %bitcast3A_188, %sub3A_196 : vector<16xf32>
      %mul3A_198 = arith.mulf %mul3A_191, %mul3A_197 : vector<16xf32>
      %mul3A_199 = arith.mulf %mul3A_198, %mul3A_197 : vector<16xf32>
      %sub3A_200 = arith.constant 1.500000e+00 : f32
      %sub3A_201 = vector.broadcast %sub3A_200 : f32 to vector<16xf32>
      %sub3A_202 = arith.subf %sub3A_201, %mul3A_199 : vector<16xf32>
      %mul3A_203 = arith.mulf %mul3A_197, %sub3A_202 : vector<16xf32>
      %mul3A_204 = arith.mulf %mul3A_191, %mul3A_203 : vector<16xf32>
      %mul3A_205 = arith.mulf %mul3A_204, %mul3A_203 : vector<16xf32>
      %sub3A_206 = arith.constant 1.500000e+00 : f32
      %sub3A_207 = vector.broadcast %sub3A_206 : f32 to vector<16xf32>
      %sub3A_208 = arith.subf %sub3A_207, %mul3A_205 : vector<16xf32>
      %mul3A_209 = arith.mulf %mul3A_203, %sub3A_208 : vector<16xf32>
      %mul3A_210 = arith.mulf %scan3A_182#0, %mul3A_209 : vector<16xf32>
      %neg3A = arith.constant 0.000000e+00 : f32
      %neg3A_211 = vector.broadcast %neg3A : f32 to vector<16xf32>
      %neg3A_212 = arith.subf %neg3A_211, %mul3A_210 : vector<16xf32>
      %exp3A = math.exp %neg3A_212 : vector<16xf32>
      %add3A_213 = arith.constant 1.000000e-03 : f32
      %add3A_214 = vector.broadcast %add3A_213 : f32 to vector<16xf32>
      %add3A_215 = arith.addf %exp3A, %add3A_214 : vector<16xf32>
      %bitcast3A_216 = vector.bitcast %scan3A_182#1 : vector<16xf32> to vector<16xi32>
      %shift_right_arithmetic3A_217 = arith.constant 1 : i32
      %shift_right_arithmetic3A_218 = vector.broadcast %shift_right_arithmetic3A_217 : i32 to vector<16xi32>
      %shift_right_arithmetic3A_219 = arith.shrsi %bitcast3A_216, %shift_right_arithmetic3A_218 : vector<16xi32>
      %sub3A_220 = arith.constant 1597463007 : i32
      %sub3A_221 = vector.broadcast %sub3A_220 : i32 to vector<16xi32>
      %sub3A_222 = arith.subi %sub3A_221, %shift_right_arithmetic3A_219 : vector<16xi32>
      %bitcast3A_223 = vector.bitcast %sub3A_222 : vector<16xi32> to vector<16xf32>
      %mul3A_224 = arith.constant 5.000000e-01 : f32
      %mul3A_225 = vector.broadcast %mul3A_224 : f32 to vector<16xf32>
      %mul3A_226 = arith.mulf %mul3A_225, %scan3A_182#1 : vector<16xf32>
      %mul3A_227 = arith.mulf %mul3A_226, %bitcast3A_223 : vector<16xf32>
      %mul3A_228 = arith.mulf %mul3A_227, %bitcast3A_223 : vector<16xf32>
      %sub3A_229 = arith.constant 1.500000e+00 : f32
      %sub3A_230 = vector.broadcast %sub3A_229 : f32 to vector<16xf32>
      %sub3A_231 = arith.subf %sub3A_230, %mul3A_228 : vector<16xf32>
      %mul3A_232 = arith.mulf %bitcast3A_223, %sub3A_231 : vector<16xf32>
      %mul3A_233 = arith.mulf %mul3A_226, %mul3A_232 : vector<16xf32>
      %mul3A_234 = arith.mulf %mul3A_233, %mul3A_232 : vector<16xf32>
      %sub3A_235 = arith.constant 1.500000e+00 : f32
      %sub3A_236 = vector.broadcast %sub3A_235 : f32 to vector<16xf32>
      %sub3A_237 = arith.subf %sub3A_236, %mul3A_234 : vector<16xf32>
      %mul3A_238 = arith.mulf %mul3A_232, %sub3A_237 : vector<16xf32>
      %mul3A_239 = arith.mulf %mul3A_226, %mul3A_238 : vector<16xf32>
      %mul3A_240 = arith.mulf %mul3A_239, %mul3A_238 : vector<16xf32>
      %sub3A_241 = arith.constant 1.500000e+00 : f32
      %sub3A_242 = vector.broadcast %sub3A_241 : f32 to vector<16xf32>
      %sub3A_243 = arith.subf %sub3A_242, %mul3A_240 : vector<16xf32>
      %mul3A_244 = arith.mulf %mul3A_238, %sub3A_243 : vector<16xf32>
      %mul3A_245 = arith.mulf %scan3A_182#1, %mul3A_244 : vector<16xf32>
      %neg3A_246 = arith.constant 0.000000e+00 : f32
      %neg3A_247 = vector.broadcast %neg3A_246 : f32 to vector<16xf32>
      %neg3A_248 = arith.subf %neg3A_247, %mul3A_245 : vector<16xf32>
      %exp3A_249 = math.exp %neg3A_248 : vector<16xf32>
      %add3A_250 = arith.constant 1.000000e-03 : f32
      %add3A_251 = vector.broadcast %add3A_250 : f32 to vector<16xf32>
      %add3A_252 = arith.addf %exp3A_249, %add3A_251 : vector<16xf32>
      %bitcast3A_253 = vector.bitcast %scan3A_182#2 : vector<16xf32> to vector<16xi32>
      %shift_right_arithmetic3A_254 = arith.constant 1 : i32
      %shift_right_arithmetic3A_255 = vector.broadcast %shift_right_arithmetic3A_254 : i32 to vector<16xi32>
      %shift_right_arithmetic3A_256 = arith.shrsi %bitcast3A_253, %shift_right_arithmetic3A_255 : vector<16xi32>
      %sub3A_257 = arith.constant 1597463007 : i32
      %sub3A_258 = vector.broadcast %sub3A_257 : i32 to vector<16xi32>
      %sub3A_259 = arith.subi %sub3A_258, %shift_right_arithmetic3A_256 : vector<16xi32>
      %bitcast3A_260 = vector.bitcast %sub3A_259 : vector<16xi32> to vector<16xf32>
      %mul3A_261 = arith.constant 5.000000e-01 : f32
      %mul3A_262 = vector.broadcast %mul3A_261 : f32 to vector<16xf32>
      %mul3A_263 = arith.mulf %mul3A_262, %scan3A_182#2 : vector<16xf32>
      %mul3A_264 = arith.mulf %mul3A_263, %bitcast3A_260 : vector<16xf32>
      %mul3A_265 = arith.mulf %mul3A_264, %bitcast3A_260 : vector<16xf32>
      %sub3A_266 = arith.constant 1.500000e+00 : f32
      %sub3A_267 = vector.broadcast %sub3A_266 : f32 to vector<16xf32>
      %sub3A_268 = arith.subf %sub3A_267, %mul3A_265 : vector<16xf32>
      %mul3A_269 = arith.mulf %bitcast3A_260, %sub3A_268 : vector<16xf32>
      %mul3A_270 = arith.mulf %mul3A_263, %mul3A_269 : vector<16xf32>
      %mul3A_271 = arith.mulf %mul3A_270, %mul3A_269 : vector<16xf32>
      %sub3A_272 = arith.constant 1.500000e+00 : f32
      %sub3A_273 = vector.broadcast %sub3A_272 : f32 to vector<16xf32>
      %sub3A_274 = arith.subf %sub3A_273, %mul3A_271 : vector<16xf32>
      %mul3A_275 = arith.mulf %mul3A_269, %sub3A_274 : vector<16xf32>
      %mul3A_276 = arith.mulf %mul3A_263, %mul3A_275 : vector<16xf32>
      %mul3A_277 = arith.mulf %mul3A_276, %mul3A_275 : vector<16xf32>
      %sub3A_278 = arith.constant 1.500000e+00 : f32
      %sub3A_279 = vector.broadcast %sub3A_278 : f32 to vector<16xf32>
      %sub3A_280 = arith.subf %sub3A_279, %mul3A_277 : vector<16xf32>
      %mul3A_281 = arith.mulf %mul3A_275, %sub3A_280 : vector<16xf32>
      %mul3A_282 = arith.mulf %scan3A_182#2, %mul3A_281 : vector<16xf32>
      %neg3A_283 = arith.constant 0.000000e+00 : f32
      %neg3A_284 = vector.broadcast %neg3A_283 : f32 to vector<16xf32>
      %neg3A_285 = arith.subf %neg3A_284, %mul3A_282 : vector<16xf32>
      %exp3A_286 = math.exp %neg3A_285 : vector<16xf32>
      %add3A_287 = arith.constant 1.000000e-03 : f32
      %add3A_288 = vector.broadcast %add3A_287 : f32 to vector<16xf32>
      %add3A_289 = arith.addf %exp3A_286, %add3A_288 : vector<16xf32>
      %bitcast3A_290 = vector.bitcast %scan3A_182#3 : vector<16xf32> to vector<16xi32>
      %shift_right_arithmetic3A_291 = arith.constant 1 : i32
      %shift_right_arithmetic3A_292 = vector.broadcast %shift_right_arithmetic3A_291 : i32 to vector<16xi32>
      %shift_right_arithmetic3A_293 = arith.shrsi %bitcast3A_290, %shift_right_arithmetic3A_292 : vector<16xi32>
      %sub3A_294 = arith.constant 1597463007 : i32
      %sub3A_295 = vector.broadcast %sub3A_294 : i32 to vector<16xi32>
      %sub3A_296 = arith.subi %sub3A_295, %shift_right_arithmetic3A_293 : vector<16xi32>
      %bitcast3A_297 = vector.bitcast %sub3A_296 : vector<16xi32> to vector<16xf32>
      %mul3A_298 = arith.constant 5.000000e-01 : f32
      %mul3A_299 = vector.broadcast %mul3A_298 : f32 to vector<16xf32>
      %mul3A_300 = arith.mulf %mul3A_299, %scan3A_182#3 : vector<16xf32>
      %mul3A_301 = arith.mulf %mul3A_300, %bitcast3A_297 : vector<16xf32>
      %mul3A_302 = arith.mulf %mul3A_301, %bitcast3A_297 : vector<16xf32>
      %sub3A_303 = arith.constant 1.500000e+00 : f32
      %sub3A_304 = vector.broadcast %sub3A_303 : f32 to vector<16xf32>
      %sub3A_305 = arith.subf %sub3A_304, %mul3A_302 : vector<16xf32>
      %mul3A_306 = arith.mulf %bitcast3A_297, %sub3A_305 : vector<16xf32>
      %mul3A_307 = arith.mulf %mul3A_300, %mul3A_306 : vector<16xf32>
      %mul3A_308 = arith.mulf %mul3A_307, %mul3A_306 : vector<16xf32>
      %sub3A_309 = arith.constant 1.500000e+00 : f32
      %sub3A_310 = vector.broadcast %sub3A_309 : f32 to vector<16xf32>
      %sub3A_311 = arith.subf %sub3A_310, %mul3A_308 : vector<16xf32>
      %mul3A_312 = arith.mulf %mul3A_306, %sub3A_311 : vector<16xf32>
      %mul3A_313 = arith.mulf %mul3A_300, %mul3A_312 : vector<16xf32>
      %mul3A_314 = arith.mulf %mul3A_313, %mul3A_312 : vector<16xf32>
      %sub3A_315 = arith.constant 1.500000e+00 : f32
      %sub3A_316 = vector.broadcast %sub3A_315 : f32 to vector<16xf32>
      %sub3A_317 = arith.subf %sub3A_316, %mul3A_314 : vector<16xf32>
      %mul3A_318 = arith.mulf %mul3A_312, %sub3A_317 : vector<16xf32>
      %mul3A_319 = arith.mulf %scan3A_182#3, %mul3A_318 : vector<16xf32>
      %neg3A_320 = arith.constant 0.000000e+00 : f32
      %neg3A_321 = vector.broadcast %neg3A_320 : f32 to vector<16xf32>
      %neg3A_322 = arith.subf %neg3A_321, %mul3A_319 : vector<16xf32>
      %exp3A_323 = math.exp %neg3A_322 : vector<16xf32>
      %add3A_324 = arith.constant 1.000000e-03 : f32
      %add3A_325 = vector.broadcast %add3A_324 : f32 to vector<16xf32>
      %add3A_326 = arith.addf %exp3A_323, %add3A_325 : vector<16xf32>
      %bitcast3A_327 = vector.bitcast %scan3A_182#4 : vector<16xf32> to vector<16xi32>
      %shift_right_arithmetic3A_328 = arith.constant 1 : i32
      %shift_right_arithmetic3A_329 = vector.broadcast %shift_right_arithmetic3A_328 : i32 to vector<16xi32>
      %shift_right_arithmetic3A_330 = arith.shrsi %bitcast3A_327, %shift_right_arithmetic3A_329 : vector<16xi32>
      %sub3A_331 = arith.constant 1597463007 : i32
      %sub3A_332 = vector.broadcast %sub3A_331 : i32 to vector<16xi32>
      %sub3A_333 = arith.subi %sub3A_332, %shift_right_arithmetic3A_330 : vector<16xi32>
      %bitcast3A_334 = vector.bitcast %sub3A_333 : vector<16xi32> to vector<16xf32>
      %mul3A_335 = arith.constant 5.000000e-01 : f32
      %mul3A_336 = vector.broadcast %mul3A_335 : f32 to vector<16xf32>
      %mul3A_337 = arith.mulf %mul3A_336, %scan3A_182#4 : vector<16xf32>
      %mul3A_338 = arith.mulf %mul3A_337, %bitcast3A_334 : vector<16xf32>
      %mul3A_339 = arith.mulf %mul3A_338, %bitcast3A_334 : vector<16xf32>
      %sub3A_340 = arith.constant 1.500000e+00 : f32
      %sub3A_341 = vector.broadcast %sub3A_340 : f32 to vector<16xf32>
      %sub3A_342 = arith.subf %sub3A_341, %mul3A_339 : vector<16xf32>
      %mul3A_343 = arith.mulf %bitcast3A_334, %sub3A_342 : vector<16xf32>
      %mul3A_344 = arith.mulf %mul3A_337, %mul3A_343 : vector<16xf32>
      %mul3A_345 = arith.mulf %mul3A_344, %mul3A_343 : vector<16xf32>
      %sub3A_346 = arith.constant 1.500000e+00 : f32
      %sub3A_347 = vector.broadcast %sub3A_346 : f32 to vector<16xf32>
      %sub3A_348 = arith.subf %sub3A_347, %mul3A_345 : vector<16xf32>
      %mul3A_349 = arith.mulf %mul3A_343, %sub3A_348 : vector<16xf32>
      %mul3A_350 = arith.mulf %mul3A_337, %mul3A_349 : vector<16xf32>
      %mul3A_351 = arith.mulf %mul3A_350, %mul3A_349 : vector<16xf32>
      %sub3A_352 = arith.constant 1.500000e+00 : f32
      %sub3A_353 = vector.broadcast %sub3A_352 : f32 to vector<16xf32>
      %sub3A_354 = arith.subf %sub3A_353, %mul3A_351 : vector<16xf32>
      %mul3A_355 = arith.mulf %mul3A_349, %sub3A_354 : vector<16xf32>
      %mul3A_356 = arith.mulf %scan3A_182#4, %mul3A_355 : vector<16xf32>
      %neg3A_357 = arith.constant 0.000000e+00 : f32
      %neg3A_358 = vector.broadcast %neg3A_357 : f32 to vector<16xf32>
      %neg3A_359 = arith.subf %neg3A_358, %mul3A_356 : vector<16xf32>
      %exp3A_360 = math.exp %neg3A_359 : vector<16xf32>
      %add3A_361 = arith.constant 1.000000e-03 : f32
      %add3A_362 = vector.broadcast %add3A_361 : f32 to vector<16xf32>
      %add3A_363 = arith.addf %exp3A_360, %add3A_362 : vector<16xf32>
      %bitcast3A_364 = vector.bitcast %scan3A_182#5 : vector<16xf32> to vector<16xi32>
      %shift_right_arithmetic3A_365 = arith.constant 1 : i32
      %shift_right_arithmetic3A_366 = vector.broadcast %shift_right_arithmetic3A_365 : i32 to vector<16xi32>
      %shift_right_arithmetic3A_367 = arith.shrsi %bitcast3A_364, %shift_right_arithmetic3A_366 : vector<16xi32>
      %sub3A_368 = arith.constant 1597463007 : i32
      %sub3A_369 = vector.broadcast %sub3A_368 : i32 to vector<16xi32>
      %sub3A_370 = arith.subi %sub3A_369, %shift_right_arithmetic3A_367 : vector<16xi32>
      %bitcast3A_371 = vector.bitcast %sub3A_370 : vector<16xi32> to vector<16xf32>
      %mul3A_372 = arith.constant 5.000000e-01 : f32
      %mul3A_373 = vector.broadcast %mul3A_372 : f32 to vector<16xf32>
      %mul3A_374 = arith.mulf %mul3A_373, %scan3A_182#5 : vector<16xf32>
      %mul3A_375 = arith.mulf %mul3A_374, %bitcast3A_371 : vector<16xf32>
      %mul3A_376 = arith.mulf %mul3A_375, %bitcast3A_371 : vector<16xf32>
      %sub3A_377 = arith.constant 1.500000e+00 : f32
      %sub3A_378 = vector.broadcast %sub3A_377 : f32 to vector<16xf32>
      %sub3A_379 = arith.subf %sub3A_378, %mul3A_376 : vector<16xf32>
      %mul3A_380 = arith.mulf %bitcast3A_371, %sub3A_379 : vector<16xf32>
      %mul3A_381 = arith.mulf %mul3A_374, %mul3A_380 : vector<16xf32>
      %mul3A_382 = arith.mulf %mul3A_381, %mul3A_380 : vector<16xf32>
      %sub3A_383 = arith.constant 1.500000e+00 : f32
      %sub3A_384 = vector.broadcast %sub3A_383 : f32 to vector<16xf32>
      %sub3A_385 = arith.subf %sub3A_384, %mul3A_382 : vector<16xf32>
      %mul3A_386 = arith.mulf %mul3A_380, %sub3A_385 : vector<16xf32>
      %mul3A_387 = arith.mulf %mul3A_374, %mul3A_386 : vector<16xf32>
      %mul3A_388 = arith.mulf %mul3A_387, %mul3A_386 : vector<16xf32>
      %sub3A_389 = arith.constant 1.500000e+00 : f32
      %sub3A_390 = vector.broadcast %sub3A_389 : f32 to vector<16xf32>
      %sub3A_391 = arith.subf %sub3A_390, %mul3A_388 : vector<16xf32>
      %mul3A_392 = arith.mulf %mul3A_386, %sub3A_391 : vector<16xf32>
      %mul3A_393 = arith.mulf %scan3A_182#5, %mul3A_392 : vector<16xf32>
      %neg3A_394 = arith.constant 0.000000e+00 : f32
      %neg3A_395 = vector.broadcast %neg3A_394 : f32 to vector<16xf32>
      %neg3A_396 = arith.subf %neg3A_395, %mul3A_393 : vector<16xf32>
      %exp3A_397 = math.exp %neg3A_396 : vector<16xf32>
      %add3A_398 = arith.constant 1.000000e-03 : f32
      %add3A_399 = vector.broadcast %add3A_398 : f32 to vector<16xf32>
      %add3A_400 = arith.addf %exp3A_397, %add3A_399 : vector<16xf32>
      %bitcast3A_401 = vector.bitcast %scan3A_182#6 : vector<16xf32> to vector<16xi32>
      %shift_right_arithmetic3A_402 = arith.constant 1 : i32
      %shift_right_arithmetic3A_403 = vector.broadcast %shift_right_arithmetic3A_402 : i32 to vector<16xi32>
      %shift_right_arithmetic3A_404 = arith.shrsi %bitcast3A_401, %shift_right_arithmetic3A_403 : vector<16xi32>
      %sub3A_405 = arith.constant 1597463007 : i32
      %sub3A_406 = vector.broadcast %sub3A_405 : i32 to vector<16xi32>
      %sub3A_407 = arith.subi %sub3A_406, %shift_right_arithmetic3A_404 : vector<16xi32>
      %bitcast3A_408 = vector.bitcast %sub3A_407 : vector<16xi32> to vector<16xf32>
      %mul3A_409 = arith.constant 5.000000e-01 : f32
      %mul3A_410 = vector.broadcast %mul3A_409 : f32 to vector<16xf32>
      %mul3A_411 = arith.mulf %mul3A_410, %scan3A_182#6 : vector<16xf32>
      %mul3A_412 = arith.mulf %mul3A_411, %bitcast3A_408 : vector<16xf32>
      %mul3A_413 = arith.mulf %mul3A_412, %bitcast3A_408 : vector<16xf32>
      %sub3A_414 = arith.constant 1.500000e+00 : f32
      %sub3A_415 = vector.broadcast %sub3A_414 : f32 to vector<16xf32>
      %sub3A_416 = arith.subf %sub3A_415, %mul3A_413 : vector<16xf32>
      %mul3A_417 = arith.mulf %bitcast3A_408, %sub3A_416 : vector<16xf32>
      %mul3A_418 = arith.mulf %mul3A_411, %mul3A_417 : vector<16xf32>
      %mul3A_419 = arith.mulf %mul3A_418, %mul3A_417 : vector<16xf32>
      %sub3A_420 = arith.constant 1.500000e+00 : f32
      %sub3A_421 = vector.broadcast %sub3A_420 : f32 to vector<16xf32>
      %sub3A_422 = arith.subf %sub3A_421, %mul3A_419 : vector<16xf32>
      %mul3A_423 = arith.mulf %mul3A_417, %sub3A_422 : vector<16xf32>
      %mul3A_424 = arith.mulf %mul3A_411, %mul3A_423 : vector<16xf32>
      %mul3A_425 = arith.mulf %mul3A_424, %mul3A_423 : vector<16xf32>
      %sub3A_426 = arith.constant 1.500000e+00 : f32
      %sub3A_427 = vector.broadcast %sub3A_426 : f32 to vector<16xf32>
      %sub3A_428 = arith.subf %sub3A_427, %mul3A_425 : vector<16xf32>
      %mul3A_429 = arith.mulf %mul3A_423, %sub3A_428 : vector<16xf32>
      %mul3A_430 = arith.mulf %scan3A_182#6, %mul3A_429 : vector<16xf32>
      %neg3A_431 = arith.constant 0.000000e+00 : f32
      %neg3A_432 = vector.broadcast %neg3A_431 : f32 to vector<16xf32>
      %neg3A_433 = arith.subf %neg3A_432, %mul3A_430 : vector<16xf32>
      %exp3A_434 = math.exp %neg3A_433 : vector<16xf32>
      %add3A_435 = arith.constant 1.000000e-03 : f32
      %add3A_436 = vector.broadcast %add3A_435 : f32 to vector<16xf32>
      %add3A_437 = arith.addf %exp3A_434, %add3A_436 : vector<16xf32>
      %bitcast3A_438 = vector.bitcast %scan3A_182#7 : vector<16xf32> to vector<16xi32>
      %shift_right_arithmetic3A_439 = arith.constant 1 : i32
      %shift_right_arithmetic3A_440 = vector.broadcast %shift_right_arithmetic3A_439 : i32 to vector<16xi32>
      %shift_right_arithmetic3A_441 = arith.shrsi %bitcast3A_438, %shift_right_arithmetic3A_440 : vector<16xi32>
      %sub3A_442 = arith.constant 1597463007 : i32
      %sub3A_443 = vector.broadcast %sub3A_442 : i32 to vector<16xi32>
      %sub3A_444 = arith.subi %sub3A_443, %shift_right_arithmetic3A_441 : vector<16xi32>
      %bitcast3A_445 = vector.bitcast %sub3A_444 : vector<16xi32> to vector<16xf32>
      %mul3A_446 = arith.constant 5.000000e-01 : f32
      %mul3A_447 = vector.broadcast %mul3A_446 : f32 to vector<16xf32>
      %mul3A_448 = arith.mulf %mul3A_447, %scan3A_182#7 : vector<16xf32>
      %mul3A_449 = arith.mulf %mul3A_448, %bitcast3A_445 : vector<16xf32>
      %mul3A_450 = arith.mulf %mul3A_449, %bitcast3A_445 : vector<16xf32>
      %sub3A_451 = arith.constant 1.500000e+00 : f32
      %sub3A_452 = vector.broadcast %sub3A_451 : f32 to vector<16xf32>
      %sub3A_453 = arith.subf %sub3A_452, %mul3A_450 : vector<16xf32>
      %mul3A_454 = arith.mulf %bitcast3A_445, %sub3A_453 : vector<16xf32>
      %mul3A_455 = arith.mulf %mul3A_448, %mul3A_454 : vector<16xf32>
      %mul3A_456 = arith.mulf %mul3A_455, %mul3A_454 : vector<16xf32>
      %sub3A_457 = arith.constant 1.500000e+00 : f32
      %sub3A_458 = vector.broadcast %sub3A_457 : f32 to vector<16xf32>
      %sub3A_459 = arith.subf %sub3A_458, %mul3A_456 : vector<16xf32>
      %mul3A_460 = arith.mulf %mul3A_454, %sub3A_459 : vector<16xf32>
      %mul3A_461 = arith.mulf %mul3A_448, %mul3A_460 : vector<16xf32>
      %mul3A_462 = arith.mulf %mul3A_461, %mul3A_460 : vector<16xf32>
      %sub3A_463 = arith.constant 1.500000e+00 : f32
      %sub3A_464 = vector.broadcast %sub3A_463 : f32 to vector<16xf32>
      %sub3A_465 = arith.subf %sub3A_464, %mul3A_462 : vector<16xf32>
      %mul3A_466 = arith.mulf %mul3A_460, %sub3A_465 : vector<16xf32>
      %mul3A_467 = arith.mulf %scan3A_182#7, %mul3A_466 : vector<16xf32>
      %neg3A_468 = arith.constant 0.000000e+00 : f32
      %neg3A_469 = vector.broadcast %neg3A_468 : f32 to vector<16xf32>
      %neg3A_470 = arith.subf %neg3A_469, %mul3A_467 : vector<16xf32>
      %exp3A_471 = math.exp %neg3A_470 : vector<16xf32>
      %add3A_472 = arith.constant 1.000000e-03 : f32
      %add3A_473 = vector.broadcast %add3A_472 : f32 to vector<16xf32>
      %add3A_474 = arith.addf %exp3A_471, %add3A_473 : vector<16xf32>
      %add3A_475 = arith.addf %add3A_215, %add3A_252 : vector<16xf32>
      %add3A_476 = arith.addf %add3A_475, %add3A_289 : vector<16xf32>
      %add3A_477 = arith.addf %add3A_476, %add3A_326 : vector<16xf32>
      %add3A_478 = arith.addf %add3A_477, %add3A_363 : vector<16xf32>
      %add3A_479 = arith.addf %add3A_478, %add3A_400 : vector<16xf32>
      %add3A_480 = arith.addf %add3A_479, %add3A_437 : vector<16xf32>
      %add3A_481 = arith.addf %add3A_480, %add3A_474 : vector<16xf32>
      %div3A = arith.divf %add3A_215, %add3A_481 : vector<16xf32>
      %mul3A_482 = arith.mulf %div3A, %add3A_252 : vector<16xf32>
      %sub3A_483 = arith.subf %add3A_481, %add3A_215 : vector<16xf32>
      %div3A_484 = arith.divf %mul3A_482, %sub3A_483 : vector<16xf32>
      %eq3A = arith.constant 1 : i32
      %eq3A_485 = vector.broadcast %eq3A : i32 to vector<16xi32>
      %eq3A_486 = arith.cmpi eq, %get3A_176, %eq3A_485 : vector<16xi32>
      %select_n3A = arith.select %eq3A_486, %div3A_484, %div3A : vector<16xi1>, vector<16xf32>
      %swap3A = arith.index_cast %multiple_of3A_173 : i32 to index
      %swap3A_487 = tpu.vector_load %arg16[%swap3A] {strides = array<i32>} : memref<512xf32, #tpu.memory_space<vmem>>, vector<16xf32>,
      tpu.vector_store %arg16[%swap3A], %select_n3A {strides = array<i32>} : memref<512xf32, #tpu.memory_space<vmem>>, vector<16xf32>,
      %add3A_488 = arith.constant 4 : i32
      %add3A_489 = arith.addi %add3A_150, %add3A_488 : i32
      %lt3A = arith.constant 32 : i32
      %lt3A_490 = arith.cmpi slt, %add3A_489, %lt3A : i32
      %convert_element_type3A = arith.extui %lt3A_490 : i1 to i32
      %cond3A = arith.constant 0 : i32
      %cond3A_491 = arith.cmpi ne, %convert_element_type3A, %cond3A : i32
      scf.if %cond3A_491 {
        %add3A_1567 = arith.constant 4 : i32
        %add3A_1568 = arith.addi %add3A_150, %add3A_1567 : i32
        %mul3A_1569 = arith.constant 144 : i32
        %mul3A_1570 = arith.muli %add3A_1568, %mul3A_1569 : i32
        %multiple_of3A_1571 = tpu.assume_multiple %mul3A_1570, 8 : i32
        %add3A_1572 = arith.constant 0 : i32
        %add3A_1573 = arith.addi %multiple_of3A_1571, %add3A_1572 : i32
        %add3A_1574 = arith.constant 72 : i32
        %add3A_1575 = arith.addi %multiple_of3A_1571, %add3A_1574 : i32
        %dma_start3A_1576 = arith.constant 0 : i32
        %dma_start3A_1577 = arith.constant 0 : i32
        %dma_start3A_1578 = tpu.memref_slice %arg12[%dma_start3A_1576, %dma_start3A_1577] : memref<144x128xf32, #tpu.memory_space<vmem>> -> memref<72x128xf32, #tpu.memory_space<vmem>>
        %dma_start3A_1579 = tpu.memref_slice %arg8[%add3A_1573] : memref<4608xi32, #tpu.memory_space<vmem>> -> memref<72xi32, #tpu.memory_space<vmem>>
        %dma_start3A_1580 = arith.constant 0 : i32
        %dma_start3A_1581 = arith.constant 0 : i32
        %dma_start3A_1582 = tpu.memref_slice %arg6[%dma_start3A_1580, %dma_start3A_1581] : memref<100000x128xf32, #tpu.memory_space<hbm>> -> memref<100000x128xf32, #tpu.memory_space<hbm>>
        tpu.enqueue_indirect_dma source(%dma_start3A_1582 : memref<100000x128xf32, #tpu.memory_space<hbm>>) target(%dma_start3A_1578 : memref<72x128xf32, #tpu.memory_space<vmem>>) offsets(%dma_start3A_1579 : memref<72xi32, #tpu.memory_space<vmem>>) semaphore(%arg17 : memref<!tpu.dma_semaphore, #tpu.memory_space<semaphore_mem>>)
        %dma_start3A_1583 = arith.constant 72 : i32
        %dma_start3A_1584 = arith.constant 0 : i32
        %dma_start3A_1585 = tpu.memref_slice %arg12[%dma_start3A_1583, %dma_start3A_1584] : memref<144x128xf32, #tpu.memory_space<vmem>> -> memref<72x128xf32, #tpu.memory_space<vmem>>
        %dma_start3A_1586 = tpu.memref_slice %arg8[%add3A_1575] : memref<4608xi32, #tpu.memory_space<vmem>> -> memref<72xi32, #tpu.memory_space<vmem>>
        %dma_start3A_1587 = arith.constant 0 : i32
        %dma_start3A_1588 = arith.constant 0 : i32
        %dma_start3A_1589 = tpu.memref_slice %arg6[%dma_start3A_1587, %dma_start3A_1588] : memref<100000x128xf32, #tpu.memory_space<hbm>> -> memref<100000x128xf32, #tpu.memory_space<hbm>>
        tpu.enqueue_indirect_dma source(%dma_start3A_1589 : memref<100000x128xf32, #tpu.memory_space<hbm>>) target(%dma_start3A_1585 : memref<72x128xf32, #tpu.memory_space<vmem>>) offsets(%dma_start3A_1586 : memref<72xi32, #tpu.memory_space<vmem>>) semaphore(%arg17 : memref<!tpu.dma_semaphore, #tpu.memory_space<semaphore_mem>>)
      } else {
      }
      %add3A_492 = arith.constant 1 : i32
      %add3A_493 = arith.addi %mul3A_148, %add3A_492 : i32
      %mul3A_494 = arith.constant 144 : i32
      %mul3A_495 = arith.muli %add3A_493, %mul3A_494 : i32
      %multiple_of3A_496 = tpu.assume_multiple %mul3A_495, 8 : i32
      %add3A_497 = arith.constant 0 : i32
      %add3A_498 = arith.addi %multiple_of3A_496, %add3A_497 : i32
      %add3A_499 = arith.constant 72 : i32
      %add3A_500 = arith.addi %multiple_of3A_496, %add3A_499 : i32
      %dma_wait3A_501 = arith.constant 0 : i32
      %dma_wait3A_502 = arith.constant 0 : i32
      %dma_wait3A_503 = tpu.memref_slice %arg13[%dma_wait3A_501, %dma_wait3A_502] : memref<144x128xf32, #tpu.memory_space<vmem>> -> memref<72x128xf32, #tpu.memory_space<vmem>>
      %dma_wait3A_504 = tpu.memref_slice %arg8[%add3A_498] : memref<4608xi32, #tpu.memory_space<vmem>> -> memref<72xi32, #tpu.memory_space<vmem>>
      %dma_wait3A_505 = arith.constant 0 : i32
      %dma_wait3A_506 = arith.constant 0 : i32
      %dma_wait3A_507 = tpu.memref_slice %arg6[%dma_wait3A_505, %dma_wait3A_506] : memref<100000x128xf32, #tpu.memory_space<hbm>> -> memref<100000x128xf32, #tpu.memory_space<hbm>>
      tpu.wait_indirect_dma semaphore(%arg18 : memref<!tpu.dma_semaphore, #tpu.memory_space<semaphore_mem>>) src(%dma_wait3A_507 : memref<100000x128xf32, #tpu.memory_space<hbm>>) dst(%dma_wait3A_503 : memref<72x128xf32, #tpu.memory_space<vmem>>)
      %dma_wait3A_508 = arith.constant 72 : i32
      %dma_wait3A_509 = arith.constant 0 : i32
      %dma_wait3A_510 = tpu.memref_slice %arg13[%dma_wait3A_508, %dma_wait3A_509] : memref<144x128xf32, #tpu.memory_space<vmem>> -> memref<72x128xf32, #tpu.memory_space<vmem>>
      %dma_wait3A_511 = tpu.memref_slice %arg8[%add3A_500] : memref<4608xi32, #tpu.memory_space<vmem>> -> memref<72xi32, #tpu.memory_space<vmem>>
      %dma_wait3A_512 = arith.constant 0 : i32
      %dma_wait3A_513 = arith.constant 0 : i32
      %dma_wait3A_514 = tpu.memref_slice %arg6[%dma_wait3A_512, %dma_wait3A_513] : memref<100000x128xf32, #tpu.memory_space<hbm>> -> memref<100000x128xf32, #tpu.memory_space<hbm>>
      tpu.wait_indirect_dma semaphore(%arg18 : memref<!tpu.dma_semaphore, #tpu.memory_space<semaphore_mem>>) src(%dma_wait3A_514 : memref<100000x128xf32, #tpu.memory_space<hbm>>) dst(%dma_wait3A_510 : memref<72x128xf32, #tpu.memory_space<vmem>>)
      %mul3A_515 = arith.constant 16 : i32
      %mul3A_516 = arith.muli %add3A_493, %mul3A_515 : i32
      %multiple_of3A_517 = tpu.assume_multiple %mul3A_516, 8 : i32
      %get3A_518 = arith.index_cast %multiple_of3A_517 : i32 to index
      %get3A_519 = tpu.vector_load %arg9[%get3A_518] {strides = array<i32>} : memref<512xi32, #tpu.memory_space<vmem>>, vector<16xi32>,
      %get3A_520 = arith.index_cast %multiple_of3A_517 : i32 to index
      %get3A_521 = tpu.vector_load %arg10[%get3A_520] {strides = array<i32>} : memref<512xi32, #tpu.memory_space<vmem>>, vector<16xi32>,
      %broadcast_in_dim3A_522 = arith.constant 0.000000e+00 : f32
      %broadcast_in_dim3A_523 = vector.broadcast %broadcast_in_dim3A_522 : f32 to vector<16xf32>
      %scan3A_524 = arith.constant 0 : i32
      %scan3A_525 = arith.constant 128 : i32
      %scan3A_526 = arith.addi %scan3A_524, %scan3A_525 : i32
      %scan3A_527 = arith.constant 1 : i32
      %scan3A_528:8 = scf.for %scan3A_1567 = %scan3A_524 to %scan3A_526 step %scan3A_527 iter_args(%scan3A_1568 = %broadcast_in_dim3A_523, %scan3A_1569 = %broadcast_in_dim3A_523, %scan3A_1570 = %broadcast_in_dim3A_523, %scan3A_1571 = %broadcast_in_dim3A_523, %scan3A_1572 = %broadcast_in_dim3A_523, %scan3A_1573 = %broadcast_in_dim3A_523, %scan3A_1574 = %broadcast_in_dim3A_523, %scan3A_1575 = %broadcast_in_dim3A_523) -> (vector<16xf32>, vector<16xf32>, vector<16xf32>, vector<16xf32>, vector<16xf32>, vector<16xf32>, vector<16xf32>, vector<16xf32>)  : i32 {
        %broadcast_in_dim3A_1576 = vector.broadcast %scan3A_1567 : i32 to vector<16xi32>
        %add3A_1577 = arith.addi %broadcast_in_dim3A_1576, %iota3A : vector<16xi32>
        %and3A = arith.constant 127 : i32
        %and3A_1578 = vector.broadcast %and3A : i32 to vector<16xi32>
        %and3A_1579 = arith.andi %add3A_1577, %and3A_1578 : vector<16xi32>
        %gather3A = tpu.vector_load_idx %arg13[%add3A_11, %and3A_1579] : memref<144x128xf32, #tpu.memory_space<vmem>>[vector<16xi32>, vector<16xi32>], vector<16xf32>,
        %gather3A_1580 = tpu.vector_load_idx %arg11[%get3A_519, %and3A_1579] : memref<4x128xf32, #tpu.memory_space<vmem>>[vector<16xi32>, vector<16xi32>], vector<16xf32>,
        %gather3A_1581 = tpu.vector_load_idx %arg13[%add3A_17, %and3A_1579] : memref<144x128xf32, #tpu.memory_space<vmem>>[vector<16xi32>, vector<16xi32>], vector<16xf32>,
        %sub3A_1582 = arith.subf %gather3A, %gather3A_1581 : vector<16xf32>
        %mul3A_1583 = arith.mulf %gather3A_1580, %sub3A_1582 : vector<16xf32>
        %mul3A_1584 = arith.mulf %mul3A_1583, %sub3A_1582 : vector<16xf32>
        %add3A_1585 = arith.addf %scan3A_1568, %mul3A_1584 : vector<16xf32>
        %gather3A_1586 = tpu.vector_load_idx %arg13[%add3A_23, %and3A_1579] : memref<144x128xf32, #tpu.memory_space<vmem>>[vector<16xi32>, vector<16xi32>], vector<16xf32>,
        %sub3A_1587 = arith.subf %gather3A, %gather3A_1586 : vector<16xf32>
        %mul3A_1588 = arith.mulf %gather3A_1580, %sub3A_1587 : vector<16xf32>
        %mul3A_1589 = arith.mulf %mul3A_1588, %sub3A_1587 : vector<16xf32>
        %add3A_1590 = arith.addf %scan3A_1569, %mul3A_1589 : vector<16xf32>
        %gather3A_1591 = tpu.vector_load_idx %arg13[%add3A_29, %and3A_1579] : memref<144x128xf32, #tpu.memory_space<vmem>>[vector<16xi32>, vector<16xi32>], vector<16xf32>,
        %sub3A_1592 = arith.subf %gather3A, %gather3A_1591 : vector<16xf32>
        %mul3A_1593 = arith.mulf %gather3A_1580, %sub3A_1592 : vector<16xf32>
        %mul3A_1594 = arith.mulf %mul3A_1593, %sub3A_1592 : vector<16xf32>
        %add3A_1595 = arith.addf %scan3A_1570, %mul3A_1594 : vector<16xf32>
        %gather3A_1596 = tpu.vector_load_idx %arg13[%add3A_35, %and3A_1579] : memref<144x128xf32, #tpu.memory_space<vmem>>[vector<16xi32>, vector<16xi32>], vector<16xf32>,
        %sub3A_1597 = arith.subf %gather3A, %gather3A_1596 : vector<16xf32>
        %mul3A_1598 = arith.mulf %gather3A_1580, %sub3A_1597 : vector<16xf32>
        %mul3A_1599 = arith.mulf %mul3A_1598, %sub3A_1597 : vector<16xf32>
        %add3A_1600 = arith.addf %scan3A_1571, %mul3A_1599 : vector<16xf32>
        %gather3A_1601 = tpu.vector_load_idx %arg13[%add3A_41, %and3A_1579] : memref<144x128xf32, #tpu.memory_space<vmem>>[vector<16xi32>, vector<16xi32>], vector<16xf32>,
        %sub3A_1602 = arith.subf %gather3A, %gather3A_1601 : vector<16xf32>
        %mul3A_1603 = arith.mulf %gather3A_1580, %sub3A_1602 : vector<16xf32>
        %mul3A_1604 = arith.mulf %mul3A_1603, %sub3A_1602 : vector<16xf32>
        %add3A_1605 = arith.addf %scan3A_1572, %mul3A_1604 : vector<16xf32>
        %gather3A_1606 = tpu.vector_load_idx %arg13[%add3A_47, %and3A_1579] : memref<144x128xf32, #tpu.memory_space<vmem>>[vector<16xi32>, vector<16xi32>], vector<16xf32>,
        %sub3A_1607 = arith.subf %gather3A, %gather3A_1606 : vector<16xf32>
        %mul3A_1608 = arith.mulf %gather3A_1580, %sub3A_1607 : vector<16xf32>
        %mul3A_1609 = arith.mulf %mul3A_1608, %sub3A_1607 : vector<16xf32>
        %add3A_1610 = arith.addf %scan3A_1573, %mul3A_1609 : vector<16xf32>
        %gather3A_1611 = tpu.vector_load_idx %arg13[%add3A_53, %and3A_1579] : memref<144x128xf32, #tpu.memory_space<vmem>>[vector<16xi32>, vector<16xi32>], vector<16xf32>,
        %sub3A_1612 = arith.subf %gather3A, %gather3A_1611 : vector<16xf32>
        %mul3A_1613 = arith.mulf %gather3A_1580, %sub3A_1612 : vector<16xf32>
        %mul3A_1614 = arith.mulf %mul3A_1613, %sub3A_1612 : vector<16xf32>
        %add3A_1615 = arith.addf %scan3A_1574, %mul3A_1614 : vector<16xf32>
        %gather3A_1616 = tpu.vector_load_idx %arg13[%add3A_59, %and3A_1579] : memref<144x128xf32, #tpu.memory_space<vmem>>[vector<16xi32>, vector<16xi32>], vector<16xf32>,
        %sub3A_1617 = arith.subf %gather3A, %gather3A_1616 : vector<16xf32>
        %mul3A_1618 = arith.mulf %gather3A_1580, %sub3A_1617 : vector<16xf32>
        %mul3A_1619 = arith.mulf %mul3A_1618, %sub3A_1617 : vector<16xf32>
        %add3A_1620 = arith.addf %scan3A_1575, %mul3A_1619 : vector<16xf32>
        scf.yield %add3A_1585, %add3A_1590, %add3A_1595, %add3A_1600, %add3A_1605, %add3A_1610, %add3A_1615, %add3A_1620 : vector<16xf32>, vector<16xf32>, vector<16xf32>, vector<16xf32>, vector<16xf32>, vector<16xf32>, vector<16xf32>, vector<16xf32>
      }
      %scan3A_529 = arith.constant 128 : i32
      %bitcast3A_530 = vector.bitcast %scan3A_528#0 : vector<16xf32> to vector<16xi32>
      %shift_right_arithmetic3A_531 = arith.constant 1 : i32
      %shift_right_arithmetic3A_532 = vector.broadcast %shift_right_arithmetic3A_531 : i32 to vector<16xi32>
      %shift_right_arithmetic3A_533 = arith.shrsi %bitcast3A_530, %shift_right_arithmetic3A_532 : vector<16xi32>
      %sub3A_534 = arith.constant 1597463007 : i32
      %sub3A_535 = vector.broadcast %sub3A_534 : i32 to vector<16xi32>
      %sub3A_536 = arith.subi %sub3A_535, %shift_right_arithmetic3A_533 : vector<16xi32>
      %bitcast3A_537 = vector.bitcast %sub3A_536 : vector<16xi32> to vector<16xf32>
      %mul3A_538 = arith.constant 5.000000e-01 : f32
      %mul3A_539 = vector.broadcast %mul3A_538 : f32 to vector<16xf32>
      %mul3A_540 = arith.mulf %mul3A_539, %scan3A_528#0 : vector<16xf32>
      %mul3A_541 = arith.mulf %mul3A_540, %bitcast3A_537 : vector<16xf32>
      %mul3A_542 = arith.mulf %mul3A_541, %bitcast3A_537 : vector<16xf32>
      %sub3A_543 = arith.constant 1.500000e+00 : f32
      %sub3A_544 = vector.broadcast %sub3A_543 : f32 to vector<16xf32>
      %sub3A_545 = arith.subf %sub3A_544, %mul3A_542 : vector<16xf32>
      %mul3A_546 = arith.mulf %bitcast3A_537, %sub3A_545 : vector<16xf32>
      %mul3A_547 = arith.mulf %mul3A_540, %mul3A_546 : vector<16xf32>
      %mul3A_548 = arith.mulf %mul3A_547, %mul3A_546 : vector<16xf32>
      %sub3A_549 = arith.constant 1.500000e+00 : f32
      %sub3A_550 = vector.broadcast %sub3A_549 : f32 to vector<16xf32>
      %sub3A_551 = arith.subf %sub3A_550, %mul3A_548 : vector<16xf32>
      %mul3A_552 = arith.mulf %mul3A_546, %sub3A_551 : vector<16xf32>
      %mul3A_553 = arith.mulf %mul3A_540, %mul3A_552 : vector<16xf32>
      %mul3A_554 = arith.mulf %mul3A_553, %mul3A_552 : vector<16xf32>
      %sub3A_555 = arith.constant 1.500000e+00 : f32
      %sub3A_556 = vector.broadcast %sub3A_555 : f32 to vector<16xf32>
      %sub3A_557 = arith.subf %sub3A_556, %mul3A_554 : vector<16xf32>
      %mul3A_558 = arith.mulf %mul3A_552, %sub3A_557 : vector<16xf32>
      %mul3A_559 = arith.mulf %scan3A_528#0, %mul3A_558 : vector<16xf32>
      %neg3A_560 = arith.constant 0.000000e+00 : f32
      %neg3A_561 = vector.broadcast %neg3A_560 : f32 to vector<16xf32>
      %neg3A_562 = arith.subf %neg3A_561, %mul3A_559 : vector<16xf32>
      %exp3A_563 = math.exp %neg3A_562 : vector<16xf32>
      %add3A_564 = arith.constant 1.000000e-03 : f32
      %add3A_565 = vector.broadcast %add3A_564 : f32 to vector<16xf32>
      %add3A_566 = arith.addf %exp3A_563, %add3A_565 : vector<16xf32>
      %bitcast3A_567 = vector.bitcast %scan3A_528#1 : vector<16xf32> to vector<16xi32>
      %shift_right_arithmetic3A_568 = arith.constant 1 : i32
      %shift_right_arithmetic3A_569 = vector.broadcast %shift_right_arithmetic3A_568 : i32 to vector<16xi32>
      %shift_right_arithmetic3A_570 = arith.shrsi %bitcast3A_567, %shift_right_arithmetic3A_569 : vector<16xi32>
      %sub3A_571 = arith.constant 1597463007 : i32
      %sub3A_572 = vector.broadcast %sub3A_571 : i32 to vector<16xi32>
      %sub3A_573 = arith.subi %sub3A_572, %shift_right_arithmetic3A_570 : vector<16xi32>
      %bitcast3A_574 = vector.bitcast %sub3A_573 : vector<16xi32> to vector<16xf32>
      %mul3A_575 = arith.constant 5.000000e-01 : f32
      %mul3A_576 = vector.broadcast %mul3A_575 : f32 to vector<16xf32>
      %mul3A_577 = arith.mulf %mul3A_576, %scan3A_528#1 : vector<16xf32>
      %mul3A_578 = arith.mulf %mul3A_577, %bitcast3A_574 : vector<16xf32>
      %mul3A_579 = arith.mulf %mul3A_578, %bitcast3A_574 : vector<16xf32>
      %sub3A_580 = arith.constant 1.500000e+00 : f32
      %sub3A_581 = vector.broadcast %sub3A_580 : f32 to vector<16xf32>
      %sub3A_582 = arith.subf %sub3A_581, %mul3A_579 : vector<16xf32>
      %mul3A_583 = arith.mulf %bitcast3A_574, %sub3A_582 : vector<16xf32>
      %mul3A_584 = arith.mulf %mul3A_577, %mul3A_583 : vector<16xf32>
      %mul3A_585 = arith.mulf %mul3A_584, %mul3A_583 : vector<16xf32>
      %sub3A_586 = arith.constant 1.500000e+00 : f32
      %sub3A_587 = vector.broadcast %sub3A_586 : f32 to vector<16xf32>
      %sub3A_588 = arith.subf %sub3A_587, %mul3A_585 : vector<16xf32>
      %mul3A_589 = arith.mulf %mul3A_583, %sub3A_588 : vector<16xf32>
      %mul3A_590 = arith.mulf %mul3A_577, %mul3A_589 : vector<16xf32>
      %mul3A_591 = arith.mulf %mul3A_590, %mul3A_589 : vector<16xf32>
      %sub3A_592 = arith.constant 1.500000e+00 : f32
      %sub3A_593 = vector.broadcast %sub3A_592 : f32 to vector<16xf32>
      %sub3A_594 = arith.subf %sub3A_593, %mul3A_591 : vector<16xf32>
      %mul3A_595 = arith.mulf %mul3A_589, %sub3A_594 : vector<16xf32>
      %mul3A_596 = arith.mulf %scan3A_528#1, %mul3A_595 : vector<16xf32>
      %neg3A_597 = arith.constant 0.000000e+00 : f32
      %neg3A_598 = vector.broadcast %neg3A_597 : f32 to vector<16xf32>
      %neg3A_599 = arith.subf %neg3A_598, %mul3A_596 : vector<16xf32>
      %exp3A_600 = math.exp %neg3A_599 : vector<16xf32>
      %add3A_601 = arith.constant 1.000000e-03 : f32
      %add3A_602 = vector.broadcast %add3A_601 : f32 to vector<16xf32>
      %add3A_603 = arith.addf %exp3A_600, %add3A_602 : vector<16xf32>
      %bitcast3A_604 = vector.bitcast %scan3A_528#2 : vector<16xf32> to vector<16xi32>
      %shift_right_arithmetic3A_605 = arith.constant 1 : i32
      %shift_right_arithmetic3A_606 = vector.broadcast %shift_right_arithmetic3A_605 : i32 to vector<16xi32>
      %shift_right_arithmetic3A_607 = arith.shrsi %bitcast3A_604, %shift_right_arithmetic3A_606 : vector<16xi32>
      %sub3A_608 = arith.constant 1597463007 : i32
      %sub3A_609 = vector.broadcast %sub3A_608 : i32 to vector<16xi32>
      %sub3A_610 = arith.subi %sub3A_609, %shift_right_arithmetic3A_607 : vector<16xi32>
      %bitcast3A_611 = vector.bitcast %sub3A_610 : vector<16xi32> to vector<16xf32>
      %mul3A_612 = arith.constant 5.000000e-01 : f32
      %mul3A_613 = vector.broadcast %mul3A_612 : f32 to vector<16xf32>
      %mul3A_614 = arith.mulf %mul3A_613, %scan3A_528#2 : vector<16xf32>
      %mul3A_615 = arith.mulf %mul3A_614, %bitcast3A_611 : vector<16xf32>
      %mul3A_616 = arith.mulf %mul3A_615, %bitcast3A_611 : vector<16xf32>
      %sub3A_617 = arith.constant 1.500000e+00 : f32
      %sub3A_618 = vector.broadcast %sub3A_617 : f32 to vector<16xf32>
      %sub3A_619 = arith.subf %sub3A_618, %mul3A_616 : vector<16xf32>
      %mul3A_620 = arith.mulf %bitcast3A_611, %sub3A_619 : vector<16xf32>
      %mul3A_621 = arith.mulf %mul3A_614, %mul3A_620 : vector<16xf32>
      %mul3A_622 = arith.mulf %mul3A_621, %mul3A_620 : vector<16xf32>
      %sub3A_623 = arith.constant 1.500000e+00 : f32
      %sub3A_624 = vector.broadcast %sub3A_623 : f32 to vector<16xf32>
      %sub3A_625 = arith.subf %sub3A_624, %mul3A_622 : vector<16xf32>
      %mul3A_626 = arith.mulf %mul3A_620, %sub3A_625 : vector<16xf32>
      %mul3A_627 = arith.mulf %mul3A_614, %mul3A_626 : vector<16xf32>
      %mul3A_628 = arith.mulf %mul3A_627, %mul3A_626 : vector<16xf32>
      %sub3A_629 = arith.constant 1.500000e+00 : f32
      %sub3A_630 = vector.broadcast %sub3A_629 : f32 to vector<16xf32>
      %sub3A_631 = arith.subf %sub3A_630, %mul3A_628 : vector<16xf32>
      %mul3A_632 = arith.mulf %mul3A_626, %sub3A_631 : vector<16xf32>
      %mul3A_633 = arith.mulf %scan3A_528#2, %mul3A_632 : vector<16xf32>
      %neg3A_634 = arith.constant 0.000000e+00 : f32
      %neg3A_635 = vector.broadcast %neg3A_634 : f32 to vector<16xf32>
      %neg3A_636 = arith.subf %neg3A_635, %mul3A_633 : vector<16xf32>
      %exp3A_637 = math.exp %neg3A_636 : vector<16xf32>
      %add3A_638 = arith.constant 1.000000e-03 : f32
      %add3A_639 = vector.broadcast %add3A_638 : f32 to vector<16xf32>
      %add3A_640 = arith.addf %exp3A_637, %add3A_639 : vector<16xf32>
      %bitcast3A_641 = vector.bitcast %scan3A_528#3 : vector<16xf32> to vector<16xi32>
      %shift_right_arithmetic3A_642 = arith.constant 1 : i32
      %shift_right_arithmetic3A_643 = vector.broadcast %shift_right_arithmetic3A_642 : i32 to vector<16xi32>
      %shift_right_arithmetic3A_644 = arith.shrsi %bitcast3A_641, %shift_right_arithmetic3A_643 : vector<16xi32>
      %sub3A_645 = arith.constant 1597463007 : i32
      %sub3A_646 = vector.broadcast %sub3A_645 : i32 to vector<16xi32>
      %sub3A_647 = arith.subi %sub3A_646, %shift_right_arithmetic3A_644 : vector<16xi32>
      %bitcast3A_648 = vector.bitcast %sub3A_647 : vector<16xi32> to vector<16xf32>
      %mul3A_649 = arith.constant 5.000000e-01 : f32
      %mul3A_650 = vector.broadcast %mul3A_649 : f32 to vector<16xf32>
      %mul3A_651 = arith.mulf %mul3A_650, %scan3A_528#3 : vector<16xf32>
      %mul3A_652 = arith.mulf %mul3A_651, %bitcast3A_648 : vector<16xf32>
      %mul3A_653 = arith.mulf %mul3A_652, %bitcast3A_648 : vector<16xf32>
      %sub3A_654 = arith.constant 1.500000e+00 : f32
      %sub3A_655 = vector.broadcast %sub3A_654 : f32 to vector<16xf32>
      %sub3A_656 = arith.subf %sub3A_655, %mul3A_653 : vector<16xf32>
      %mul3A_657 = arith.mulf %bitcast3A_648, %sub3A_656 : vector<16xf32>
      %mul3A_658 = arith.mulf %mul3A_651, %mul3A_657 : vector<16xf32>
      %mul3A_659 = arith.mulf %mul3A_658, %mul3A_657 : vector<16xf32>
      %sub3A_660 = arith.constant 1.500000e+00 : f32
      %sub3A_661 = vector.broadcast %sub3A_660 : f32 to vector<16xf32>
      %sub3A_662 = arith.subf %sub3A_661, %mul3A_659 : vector<16xf32>
      %mul3A_663 = arith.mulf %mul3A_657, %sub3A_662 : vector<16xf32>
      %mul3A_664 = arith.mulf %mul3A_651, %mul3A_663 : vector<16xf32>
      %mul3A_665 = arith.mulf %mul3A_664, %mul3A_663 : vector<16xf32>
      %sub3A_666 = arith.constant 1.500000e+00 : f32
      %sub3A_667 = vector.broadcast %sub3A_666 : f32 to vector<16xf32>
      %sub3A_668 = arith.subf %sub3A_667, %mul3A_665 : vector<16xf32>
      %mul3A_669 = arith.mulf %mul3A_663, %sub3A_668 : vector<16xf32>
      %mul3A_670 = arith.mulf %scan3A_528#3, %mul3A_669 : vector<16xf32>
      %neg3A_671 = arith.constant 0.000000e+00 : f32
      %neg3A_672 = vector.broadcast %neg3A_671 : f32 to vector<16xf32>
      %neg3A_673 = arith.subf %neg3A_672, %mul3A_670 : vector<16xf32>
      %exp3A_674 = math.exp %neg3A_673 : vector<16xf32>
      %add3A_675 = arith.constant 1.000000e-03 : f32
      %add3A_676 = vector.broadcast %add3A_675 : f32 to vector<16xf32>
      %add3A_677 = arith.addf %exp3A_674, %add3A_676 : vector<16xf32>
      %bitcast3A_678 = vector.bitcast %scan3A_528#4 : vector<16xf32> to vector<16xi32>
      %shift_right_arithmetic3A_679 = arith.constant 1 : i32
      %shift_right_arithmetic3A_680 = vector.broadcast %shift_right_arithmetic3A_679 : i32 to vector<16xi32>
      %shift_right_arithmetic3A_681 = arith.shrsi %bitcast3A_678, %shift_right_arithmetic3A_680 : vector<16xi32>
      %sub3A_682 = arith.constant 1597463007 : i32
      %sub3A_683 = vector.broadcast %sub3A_682 : i32 to vector<16xi32>
      %sub3A_684 = arith.subi %sub3A_683, %shift_right_arithmetic3A_681 : vector<16xi32>
      %bitcast3A_685 = vector.bitcast %sub3A_684 : vector<16xi32> to vector<16xf32>
      %mul3A_686 = arith.constant 5.000000e-01 : f32
      %mul3A_687 = vector.broadcast %mul3A_686 : f32 to vector<16xf32>
      %mul3A_688 = arith.mulf %mul3A_687, %scan3A_528#4 : vector<16xf32>
      %mul3A_689 = arith.mulf %mul3A_688, %bitcast3A_685 : vector<16xf32>
      %mul3A_690 = arith.mulf %mul3A_689, %bitcast3A_685 : vector<16xf32>
      %sub3A_691 = arith.constant 1.500000e+00 : f32
      %sub3A_692 = vector.broadcast %sub3A_691 : f32 to vector<16xf32>
      %sub3A_693 = arith.subf %sub3A_692, %mul3A_690 : vector<16xf32>
      %mul3A_694 = arith.mulf %bitcast3A_685, %sub3A_693 : vector<16xf32>
      %mul3A_695 = arith.mulf %mul3A_688, %mul3A_694 : vector<16xf32>
      %mul3A_696 = arith.mulf %mul3A_695, %mul3A_694 : vector<16xf32>
      %sub3A_697 = arith.constant 1.500000e+00 : f32
      %sub3A_698 = vector.broadcast %sub3A_697 : f32 to vector<16xf32>
      %sub3A_699 = arith.subf %sub3A_698, %mul3A_696 : vector<16xf32>
      %mul3A_700 = arith.mulf %mul3A_694, %sub3A_699 : vector<16xf32>
      %mul3A_701 = arith.mulf %mul3A_688, %mul3A_700 : vector<16xf32>
      %mul3A_702 = arith.mulf %mul3A_701, %mul3A_700 : vector<16xf32>
      %sub3A_703 = arith.constant 1.500000e+00 : f32
      %sub3A_704 = vector.broadcast %sub3A_703 : f32 to vector<16xf32>
      %sub3A_705 = arith.subf %sub3A_704, %mul3A_702 : vector<16xf32>
      %mul3A_706 = arith.mulf %mul3A_700, %sub3A_705 : vector<16xf32>
      %mul3A_707 = arith.mulf %scan3A_528#4, %mul3A_706 : vector<16xf32>
      %neg3A_708 = arith.constant 0.000000e+00 : f32
      %neg3A_709 = vector.broadcast %neg3A_708 : f32 to vector<16xf32>
      %neg3A_710 = arith.subf %neg3A_709, %mul3A_707 : vector<16xf32>
      %exp3A_711 = math.exp %neg3A_710 : vector<16xf32>
      %add3A_712 = arith.constant 1.000000e-03 : f32
      %add3A_713 = vector.broadcast %add3A_712 : f32 to vector<16xf32>
      %add3A_714 = arith.addf %exp3A_711, %add3A_713 : vector<16xf32>
      %bitcast3A_715 = vector.bitcast %scan3A_528#5 : vector<16xf32> to vector<16xi32>
      %shift_right_arithmetic3A_716 = arith.constant 1 : i32
      %shift_right_arithmetic3A_717 = vector.broadcast %shift_right_arithmetic3A_716 : i32 to vector<16xi32>
      %shift_right_arithmetic3A_718 = arith.shrsi %bitcast3A_715, %shift_right_arithmetic3A_717 : vector<16xi32>
      %sub3A_719 = arith.constant 1597463007 : i32
      %sub3A_720 = vector.broadcast %sub3A_719 : i32 to vector<16xi32>
      %sub3A_721 = arith.subi %sub3A_720, %shift_right_arithmetic3A_718 : vector<16xi32>
      %bitcast3A_722 = vector.bitcast %sub3A_721 : vector<16xi32> to vector<16xf32>
      %mul3A_723 = arith.constant 5.000000e-01 : f32
      %mul3A_724 = vector.broadcast %mul3A_723 : f32 to vector<16xf32>
      %mul3A_725 = arith.mulf %mul3A_724, %scan3A_528#5 : vector<16xf32>
      %mul3A_726 = arith.mulf %mul3A_725, %bitcast3A_722 : vector<16xf32>
      %mul3A_727 = arith.mulf %mul3A_726, %bitcast3A_722 : vector<16xf32>
      %sub3A_728 = arith.constant 1.500000e+00 : f32
      %sub3A_729 = vector.broadcast %sub3A_728 : f32 to vector<16xf32>
      %sub3A_730 = arith.subf %sub3A_729, %mul3A_727 : vector<16xf32>
      %mul3A_731 = arith.mulf %bitcast3A_722, %sub3A_730 : vector<16xf32>
      %mul3A_732 = arith.mulf %mul3A_725, %mul3A_731 : vector<16xf32>
      %mul3A_733 = arith.mulf %mul3A_732, %mul3A_731 : vector<16xf32>
      %sub3A_734 = arith.constant 1.500000e+00 : f32
      %sub3A_735 = vector.broadcast %sub3A_734 : f32 to vector<16xf32>
      %sub3A_736 = arith.subf %sub3A_735, %mul3A_733 : vector<16xf32>
      %mul3A_737 = arith.mulf %mul3A_731, %sub3A_736 : vector<16xf32>
      %mul3A_738 = arith.mulf %mul3A_725, %mul3A_737 : vector<16xf32>
      %mul3A_739 = arith.mulf %mul3A_738, %mul3A_737 : vector<16xf32>
      %sub3A_740 = arith.constant 1.500000e+00 : f32
      %sub3A_741 = vector.broadcast %sub3A_740 : f32 to vector<16xf32>
      %sub3A_742 = arith.subf %sub3A_741, %mul3A_739 : vector<16xf32>
      %mul3A_743 = arith.mulf %mul3A_737, %sub3A_742 : vector<16xf32>
      %mul3A_744 = arith.mulf %scan3A_528#5, %mul3A_743 : vector<16xf32>
      %neg3A_745 = arith.constant 0.000000e+00 : f32
      %neg3A_746 = vector.broadcast %neg3A_745 : f32 to vector<16xf32>
      %neg3A_747 = arith.subf %neg3A_746, %mul3A_744 : vector<16xf32>
      %exp3A_748 = math.exp %neg3A_747 : vector<16xf32>
      %add3A_749 = arith.constant 1.000000e-03 : f32
      %add3A_750 = vector.broadcast %add3A_749 : f32 to vector<16xf32>
      %add3A_751 = arith.addf %exp3A_748, %add3A_750 : vector<16xf32>
      %bitcast3A_752 = vector.bitcast %scan3A_528#6 : vector<16xf32> to vector<16xi32>
      %shift_right_arithmetic3A_753 = arith.constant 1 : i32
      %shift_right_arithmetic3A_754 = vector.broadcast %shift_right_arithmetic3A_753 : i32 to vector<16xi32>
      %shift_right_arithmetic3A_755 = arith.shrsi %bitcast3A_752, %shift_right_arithmetic3A_754 : vector<16xi32>
      %sub3A_756 = arith.constant 1597463007 : i32
      %sub3A_757 = vector.broadcast %sub3A_756 : i32 to vector<16xi32>
      %sub3A_758 = arith.subi %sub3A_757, %shift_right_arithmetic3A_755 : vector<16xi32>
      %bitcast3A_759 = vector.bitcast %sub3A_758 : vector<16xi32> to vector<16xf32>
      %mul3A_760 = arith.constant 5.000000e-01 : f32
      %mul3A_761 = vector.broadcast %mul3A_760 : f32 to vector<16xf32>
      %mul3A_762 = arith.mulf %mul3A_761, %scan3A_528#6 : vector<16xf32>
      %mul3A_763 = arith.mulf %mul3A_762, %bitcast3A_759 : vector<16xf32>
      %mul3A_764 = arith.mulf %mul3A_763, %bitcast3A_759 : vector<16xf32>
      %sub3A_765 = arith.constant 1.500000e+00 : f32
      %sub3A_766 = vector.broadcast %sub3A_765 : f32 to vector<16xf32>
      %sub3A_767 = arith.subf %sub3A_766, %mul3A_764 : vector<16xf32>
      %mul3A_768 = arith.mulf %bitcast3A_759, %sub3A_767 : vector<16xf32>
      %mul3A_769 = arith.mulf %mul3A_762, %mul3A_768 : vector<16xf32>
      %mul3A_770 = arith.mulf %mul3A_769, %mul3A_768 : vector<16xf32>
      %sub3A_771 = arith.constant 1.500000e+00 : f32
      %sub3A_772 = vector.broadcast %sub3A_771 : f32 to vector<16xf32>
      %sub3A_773 = arith.subf %sub3A_772, %mul3A_770 : vector<16xf32>
      %mul3A_774 = arith.mulf %mul3A_768, %sub3A_773 : vector<16xf32>
      %mul3A_775 = arith.mulf %mul3A_762, %mul3A_774 : vector<16xf32>
      %mul3A_776 = arith.mulf %mul3A_775, %mul3A_774 : vector<16xf32>
      %sub3A_777 = arith.constant 1.500000e+00 : f32
      %sub3A_778 = vector.broadcast %sub3A_777 : f32 to vector<16xf32>
      %sub3A_779 = arith.subf %sub3A_778, %mul3A_776 : vector<16xf32>
      %mul3A_780 = arith.mulf %mul3A_774, %sub3A_779 : vector<16xf32>
      %mul3A_781 = arith.mulf %scan3A_528#6, %mul3A_780 : vector<16xf32>
      %neg3A_782 = arith.constant 0.000000e+00 : f32
      %neg3A_783 = vector.broadcast %neg3A_782 : f32 to vector<16xf32>
      %neg3A_784 = arith.subf %neg3A_783, %mul3A_781 : vector<16xf32>
      %exp3A_785 = math.exp %neg3A_784 : vector<16xf32>
      %add3A_786 = arith.constant 1.000000e-03 : f32
      %add3A_787 = vector.broadcast %add3A_786 : f32 to vector<16xf32>
      %add3A_788 = arith.addf %exp3A_785, %add3A_787 : vector<16xf32>
      %bitcast3A_789 = vector.bitcast %scan3A_528#7 : vector<16xf32> to vector<16xi32>
      %shift_right_arithmetic3A_790 = arith.constant 1 : i32
      %shift_right_arithmetic3A_791 = vector.broadcast %shift_right_arithmetic3A_790 : i32 to vector<16xi32>
      %shift_right_arithmetic3A_792 = arith.shrsi %bitcast3A_789, %shift_right_arithmetic3A_791 : vector<16xi32>
      %sub3A_793 = arith.constant 1597463007 : i32
      %sub3A_794 = vector.broadcast %sub3A_793 : i32 to vector<16xi32>
      %sub3A_795 = arith.subi %sub3A_794, %shift_right_arithmetic3A_792 : vector<16xi32>
      %bitcast3A_796 = vector.bitcast %sub3A_795 : vector<16xi32> to vector<16xf32>
      %mul3A_797 = arith.constant 5.000000e-01 : f32
      %mul3A_798 = vector.broadcast %mul3A_797 : f32 to vector<16xf32>
      %mul3A_799 = arith.mulf %mul3A_798, %scan3A_528#7 : vector<16xf32>
      %mul3A_800 = arith.mulf %mul3A_799, %bitcast3A_796 : vector<16xf32>
      %mul3A_801 = arith.mulf %mul3A_800, %bitcast3A_796 : vector<16xf32>
      %sub3A_802 = arith.constant 1.500000e+00 : f32
      %sub3A_803 = vector.broadcast %sub3A_802 : f32 to vector<16xf32>
      %sub3A_804 = arith.subf %sub3A_803, %mul3A_801 : vector<16xf32>
      %mul3A_805 = arith.mulf %bitcast3A_796, %sub3A_804 : vector<16xf32>
      %mul3A_806 = arith.mulf %mul3A_799, %mul3A_805 : vector<16xf32>
      %mul3A_807 = arith.mulf %mul3A_806, %mul3A_805 : vector<16xf32>
      %sub3A_808 = arith.constant 1.500000e+00 : f32
      %sub3A_809 = vector.broadcast %sub3A_808 : f32 to vector<16xf32>
      %sub3A_810 = arith.subf %sub3A_809, %mul3A_807 : vector<16xf32>
      %mul3A_811 = arith.mulf %mul3A_805, %sub3A_810 : vector<16xf32>
      %mul3A_812 = arith.mulf %mul3A_799, %mul3A_811 : vector<16xf32>
      %mul3A_813 = arith.mulf %mul3A_812, %mul3A_811 : vector<16xf32>
      %sub3A_814 = arith.constant 1.500000e+00 : f32
      %sub3A_815 = vector.broadcast %sub3A_814 : f32 to vector<16xf32>
      %sub3A_816 = arith.subf %sub3A_815, %mul3A_813 : vector<16xf32>
      %mul3A_817 = arith.mulf %mul3A_811, %sub3A_816 : vector<16xf32>
      %mul3A_818 = arith.mulf %scan3A_528#7, %mul3A_817 : vector<16xf32>
      %neg3A_819 = arith.constant 0.000000e+00 : f32
      %neg3A_820 = vector.broadcast %neg3A_819 : f32 to vector<16xf32>
      %neg3A_821 = arith.subf %neg3A_820, %mul3A_818 : vector<16xf32>
      %exp3A_822 = math.exp %neg3A_821 : vector<16xf32>
      %add3A_823 = arith.constant 1.000000e-03 : f32
      %add3A_824 = vector.broadcast %add3A_823 : f32 to vector<16xf32>
      %add3A_825 = arith.addf %exp3A_822, %add3A_824 : vector<16xf32>
      %add3A_826 = arith.addf %add3A_566, %add3A_603 : vector<16xf32>
      %add3A_827 = arith.addf %add3A_826, %add3A_640 : vector<16xf32>
      %add3A_828 = arith.addf %add3A_827, %add3A_677 : vector<16xf32>
      %add3A_829 = arith.addf %add3A_828, %add3A_714 : vector<16xf32>
      %add3A_830 = arith.addf %add3A_829, %add3A_751 : vector<16xf32>
      %add3A_831 = arith.addf %add3A_830, %add3A_788 : vector<16xf32>
      %add3A_832 = arith.addf %add3A_831, %add3A_825 : vector<16xf32>
      %div3A_833 = arith.divf %add3A_566, %add3A_832 : vector<16xf32>
      %mul3A_834 = arith.mulf %div3A_833, %add3A_603 : vector<16xf32>
      %sub3A_835 = arith.subf %add3A_832, %add3A_566 : vector<16xf32>
      %div3A_836 = arith.divf %mul3A_834, %sub3A_835 : vector<16xf32>
      %eq3A_837 = arith.constant 1 : i32
      %eq3A_838 = vector.broadcast %eq3A_837 : i32 to vector<16xi32>
      %eq3A_839 = arith.cmpi eq, %get3A_521, %eq3A_838 : vector<16xi32>
      %select_n3A_840 = arith.select %eq3A_839, %div3A_836, %div3A_833 : vector<16xi1>, vector<16xf32>
      %swap3A_841 = arith.index_cast %multiple_of3A_517 : i32 to index
      %swap3A_842 = tpu.vector_load %arg16[%swap3A_841] {strides = array<i32>} : memref<512xf32, #tpu.memory_space<vmem>>, vector<16xf32>,
      tpu.vector_store %arg16[%swap3A_841], %select_n3A_840 {strides = array<i32>} : memref<512xf32, #tpu.memory_space<vmem>>, vector<16xf32>,
      %add3A_843 = arith.constant 4 : i32
      %add3A_844 = arith.addi %add3A_493, %add3A_843 : i32
      %lt3A_845 = arith.constant 32 : i32
      %lt3A_846 = arith.cmpi slt, %add3A_844, %lt3A_845 : i32
      %convert_element_type3A_847 = arith.extui %lt3A_846 : i1 to i32
      %cond3A_848 = arith.constant 0 : i32
      %cond3A_849 = arith.cmpi ne, %convert_element_type3A_847, %cond3A_848 : i32
      scf.if %cond3A_849 {
        %add3A_1567 = arith.constant 4 : i32
        %add3A_1568 = arith.addi %add3A_493, %add3A_1567 : i32
        %mul3A_1569 = arith.constant 144 : i32
        %mul3A_1570 = arith.muli %add3A_1568, %mul3A_1569 : i32
        %multiple_of3A_1571 = tpu.assume_multiple %mul3A_1570, 8 : i32
        %add3A_1572 = arith.constant 0 : i32
        %add3A_1573 = arith.addi %multiple_of3A_1571, %add3A_1572 : i32
        %add3A_1574 = arith.constant 72 : i32
        %add3A_1575 = arith.addi %multiple_of3A_1571, %add3A_1574 : i32
        %dma_start3A_1576 = arith.constant 0 : i32
        %dma_start3A_1577 = arith.constant 0 : i32
        %dma_start3A_1578 = tpu.memref_slice %arg13[%dma_start3A_1576, %dma_start3A_1577] : memref<144x128xf32, #tpu.memory_space<vmem>> -> memref<72x128xf32, #tpu.memory_space<vmem>>
        %dma_start3A_1579 = tpu.memref_slice %arg8[%add3A_1573] : memref<4608xi32, #tpu.memory_space<vmem>> -> memref<72xi32, #tpu.memory_space<vmem>>
        %dma_start3A_1580 = arith.constant 0 : i32
        %dma_start3A_1581 = arith.constant 0 : i32
        %dma_start3A_1582 = tpu.memref_slice %arg6[%dma_start3A_1580, %dma_start3A_1581] : memref<100000x128xf32, #tpu.memory_space<hbm>> -> memref<100000x128xf32, #tpu.memory_space<hbm>>
        tpu.enqueue_indirect_dma source(%dma_start3A_1582 : memref<100000x128xf32, #tpu.memory_space<hbm>>) target(%dma_start3A_1578 : memref<72x128xf32, #tpu.memory_space<vmem>>) offsets(%dma_start3A_1579 : memref<72xi32, #tpu.memory_space<vmem>>) semaphore(%arg18 : memref<!tpu.dma_semaphore, #tpu.memory_space<semaphore_mem>>)
        %dma_start3A_1583 = arith.constant 72 : i32
        %dma_start3A_1584 = arith.constant 0 : i32
        %dma_start3A_1585 = tpu.memref_slice %arg13[%dma_start3A_1583, %dma_start3A_1584] : memref<144x128xf32, #tpu.memory_space<vmem>> -> memref<72x128xf32, #tpu.memory_space<vmem>>
        %dma_start3A_1586 = tpu.memref_slice %arg8[%add3A_1575] : memref<4608xi32, #tpu.memory_space<vmem>> -> memref<72xi32, #tpu.memory_space<vmem>>
        %dma_start3A_1587 = arith.constant 0 : i32
        %dma_start3A_1588 = arith.constant 0 : i32
        %dma_start3A_1589 = tpu.memref_slice %arg6[%dma_start3A_1587, %dma_start3A_1588] : memref<100000x128xf32, #tpu.memory_space<hbm>> -> memref<100000x128xf32, #tpu.memory_space<hbm>>
        tpu.enqueue_indirect_dma source(%dma_start3A_1589 : memref<100000x128xf32, #tpu.memory_space<hbm>>) target(%dma_start3A_1585 : memref<72x128xf32, #tpu.memory_space<vmem>>) offsets(%dma_start3A_1586 : memref<72xi32, #tpu.memory_space<vmem>>) semaphore(%arg18 : memref<!tpu.dma_semaphore, #tpu.memory_space<semaphore_mem>>)
      } else {
      }
      %add3A_850 = arith.constant 2 : i32
      %add3A_851 = arith.addi %mul3A_148, %add3A_850 : i32
      %mul3A_852 = arith.constant 144 : i32
      %mul3A_853 = arith.muli %add3A_851, %mul3A_852 : i32
      %multiple_of3A_854 = tpu.assume_multiple %mul3A_853, 8 : i32
      %add3A_855 = arith.constant 0 : i32
      %add3A_856 = arith.addi %multiple_of3A_854, %add3A_855 : i32
      %add3A_857 = arith.constant 72 : i32
      %add3A_858 = arith.addi %multiple_of3A_854, %add3A_857 : i32
      %dma_wait3A_859 = arith.constant 0 : i32
      %dma_wait3A_860 = arith.constant 0 : i32
      %dma_wait3A_861 = tpu.memref_slice %arg14[%dma_wait3A_859, %dma_wait3A_860] : memref<144x128xf32, #tpu.memory_space<vmem>> -> memref<72x128xf32, #tpu.memory_space<vmem>>
      %dma_wait3A_862 = tpu.memref_slice %arg8[%add3A_856] : memref<4608xi32, #tpu.memory_space<vmem>> -> memref<72xi32, #tpu.memory_space<vmem>>
      %dma_wait3A_863 = arith.constant 0 : i32
      %dma_wait3A_864 = arith.constant 0 : i32
      %dma_wait3A_865 = tpu.memref_slice %arg6[%dma_wait3A_863, %dma_wait3A_864] : memref<100000x128xf32, #tpu.memory_space<hbm>> -> memref<100000x128xf32, #tpu.memory_space<hbm>>
      tpu.wait_indirect_dma semaphore(%arg19 : memref<!tpu.dma_semaphore, #tpu.memory_space<semaphore_mem>>) src(%dma_wait3A_865 : memref<100000x128xf32, #tpu.memory_space<hbm>>) dst(%dma_wait3A_861 : memref<72x128xf32, #tpu.memory_space<vmem>>)
      %dma_wait3A_866 = arith.constant 72 : i32
      %dma_wait3A_867 = arith.constant 0 : i32
      %dma_wait3A_868 = tpu.memref_slice %arg14[%dma_wait3A_866, %dma_wait3A_867] : memref<144x128xf32, #tpu.memory_space<vmem>> -> memref<72x128xf32, #tpu.memory_space<vmem>>
      %dma_wait3A_869 = tpu.memref_slice %arg8[%add3A_858] : memref<4608xi32, #tpu.memory_space<vmem>> -> memref<72xi32, #tpu.memory_space<vmem>>
      %dma_wait3A_870 = arith.constant 0 : i32
      %dma_wait3A_871 = arith.constant 0 : i32
      %dma_wait3A_872 = tpu.memref_slice %arg6[%dma_wait3A_870, %dma_wait3A_871] : memref<100000x128xf32, #tpu.memory_space<hbm>> -> memref<100000x128xf32, #tpu.memory_space<hbm>>
      tpu.wait_indirect_dma semaphore(%arg19 : memref<!tpu.dma_semaphore, #tpu.memory_space<semaphore_mem>>) src(%dma_wait3A_872 : memref<100000x128xf32, #tpu.memory_space<hbm>>) dst(%dma_wait3A_868 : memref<72x128xf32, #tpu.memory_space<vmem>>)
      %mul3A_873 = arith.constant 16 : i32
      %mul3A_874 = arith.muli %add3A_851, %mul3A_873 : i32
      %multiple_of3A_875 = tpu.assume_multiple %mul3A_874, 8 : i32
      %get3A_876 = arith.index_cast %multiple_of3A_875 : i32 to index
      %get3A_877 = tpu.vector_load %arg9[%get3A_876] {strides = array<i32>} : memref<512xi32, #tpu.memory_space<vmem>>, vector<16xi32>,
      %get3A_878 = arith.index_cast %multiple_of3A_875 : i32 to index
      %get3A_879 = tpu.vector_load %arg10[%get3A_878] {strides = array<i32>} : memref<512xi32, #tpu.memory_space<vmem>>, vector<16xi32>,
      %broadcast_in_dim3A_880 = arith.constant 0.000000e+00 : f32
      %broadcast_in_dim3A_881 = vector.broadcast %broadcast_in_dim3A_880 : f32 to vector<16xf32>
      %scan3A_882 = arith.constant 0 : i32
      %scan3A_883 = arith.constant 128 : i32
      %scan3A_884 = arith.addi %scan3A_882, %scan3A_883 : i32
      %scan3A_885 = arith.constant 1 : i32
      %scan3A_886:8 = scf.for %scan3A_1567 = %scan3A_882 to %scan3A_884 step %scan3A_885 iter_args(%scan3A_1568 = %broadcast_in_dim3A_881, %scan3A_1569 = %broadcast_in_dim3A_881, %scan3A_1570 = %broadcast_in_dim3A_881, %scan3A_1571 = %broadcast_in_dim3A_881, %scan3A_1572 = %broadcast_in_dim3A_881, %scan3A_1573 = %broadcast_in_dim3A_881, %scan3A_1574 = %broadcast_in_dim3A_881, %scan3A_1575 = %broadcast_in_dim3A_881) -> (vector<16xf32>, vector<16xf32>, vector<16xf32>, vector<16xf32>, vector<16xf32>, vector<16xf32>, vector<16xf32>, vector<16xf32>)  : i32 {
        %broadcast_in_dim3A_1576 = vector.broadcast %scan3A_1567 : i32 to vector<16xi32>
        %add3A_1577 = arith.addi %broadcast_in_dim3A_1576, %iota3A : vector<16xi32>
        %and3A = arith.constant 127 : i32
        %and3A_1578 = vector.broadcast %and3A : i32 to vector<16xi32>
        %and3A_1579 = arith.andi %add3A_1577, %and3A_1578 : vector<16xi32>
        %gather3A = tpu.vector_load_idx %arg14[%add3A_11, %and3A_1579] : memref<144x128xf32, #tpu.memory_space<vmem>>[vector<16xi32>, vector<16xi32>], vector<16xf32>,
        %gather3A_1580 = tpu.vector_load_idx %arg11[%get3A_877, %and3A_1579] : memref<4x128xf32, #tpu.memory_space<vmem>>[vector<16xi32>, vector<16xi32>], vector<16xf32>,
        %gather3A_1581 = tpu.vector_load_idx %arg14[%add3A_17, %and3A_1579] : memref<144x128xf32, #tpu.memory_space<vmem>>[vector<16xi32>, vector<16xi32>], vector<16xf32>,
        %sub3A_1582 = arith.subf %gather3A, %gather3A_1581 : vector<16xf32>
        %mul3A_1583 = arith.mulf %gather3A_1580, %sub3A_1582 : vector<16xf32>
        %mul3A_1584 = arith.mulf %mul3A_1583, %sub3A_1582 : vector<16xf32>
        %add3A_1585 = arith.addf %scan3A_1568, %mul3A_1584 : vector<16xf32>
        %gather3A_1586 = tpu.vector_load_idx %arg14[%add3A_23, %and3A_1579] : memref<144x128xf32, #tpu.memory_space<vmem>>[vector<16xi32>, vector<16xi32>], vector<16xf32>,
        %sub3A_1587 = arith.subf %gather3A, %gather3A_1586 : vector<16xf32>
        %mul3A_1588 = arith.mulf %gather3A_1580, %sub3A_1587 : vector<16xf32>
        %mul3A_1589 = arith.mulf %mul3A_1588, %sub3A_1587 : vector<16xf32>
        %add3A_1590 = arith.addf %scan3A_1569, %mul3A_1589 : vector<16xf32>
        %gather3A_1591 = tpu.vector_load_idx %arg14[%add3A_29, %and3A_1579] : memref<144x128xf32, #tpu.memory_space<vmem>>[vector<16xi32>, vector<16xi32>], vector<16xf32>,
        %sub3A_1592 = arith.subf %gather3A, %gather3A_1591 : vector<16xf32>
        %mul3A_1593 = arith.mulf %gather3A_1580, %sub3A_1592 : vector<16xf32>
        %mul3A_1594 = arith.mulf %mul3A_1593, %sub3A_1592 : vector<16xf32>
        %add3A_1595 = arith.addf %scan3A_1570, %mul3A_1594 : vector<16xf32>
        %gather3A_1596 = tpu.vector_load_idx %arg14[%add3A_35, %and3A_1579] : memref<144x128xf32, #tpu.memory_space<vmem>>[vector<16xi32>, vector<16xi32>], vector<16xf32>,
        %sub3A_1597 = arith.subf %gather3A, %gather3A_1596 : vector<16xf32>
        %mul3A_1598 = arith.mulf %gather3A_1580, %sub3A_1597 : vector<16xf32>
        %mul3A_1599 = arith.mulf %mul3A_1598, %sub3A_1597 : vector<16xf32>
        %add3A_1600 = arith.addf %scan3A_1571, %mul3A_1599 : vector<16xf32>
        %gather3A_1601 = tpu.vector_load_idx %arg14[%add3A_41, %and3A_1579] : memref<144x128xf32, #tpu.memory_space<vmem>>[vector<16xi32>, vector<16xi32>], vector<16xf32>,
        %sub3A_1602 = arith.subf %gather3A, %gather3A_1601 : vector<16xf32>
        %mul3A_1603 = arith.mulf %gather3A_1580, %sub3A_1602 : vector<16xf32>
        %mul3A_1604 = arith.mulf %mul3A_1603, %sub3A_1602 : vector<16xf32>
        %add3A_1605 = arith.addf %scan3A_1572, %mul3A_1604 : vector<16xf32>
        %gather3A_1606 = tpu.vector_load_idx %arg14[%add3A_47, %and3A_1579] : memref<144x128xf32, #tpu.memory_space<vmem>>[vector<16xi32>, vector<16xi32>], vector<16xf32>,
        %sub3A_1607 = arith.subf %gather3A, %gather3A_1606 : vector<16xf32>
        %mul3A_1608 = arith.mulf %gather3A_1580, %sub3A_1607 : vector<16xf32>
        %mul3A_1609 = arith.mulf %mul3A_1608, %sub3A_1607 : vector<16xf32>
        %add3A_1610 = arith.addf %scan3A_1573, %mul3A_1609 : vector<16xf32>
        %gather3A_1611 = tpu.vector_load_idx %arg14[%add3A_53, %and3A_1579] : memref<144x128xf32, #tpu.memory_space<vmem>>[vector<16xi32>, vector<16xi32>], vector<16xf32>,
        %sub3A_1612 = arith.subf %gather3A, %gather3A_1611 : vector<16xf32>
        %mul3A_1613 = arith.mulf %gather3A_1580, %sub3A_1612 : vector<16xf32>
        %mul3A_1614 = arith.mulf %mul3A_1613, %sub3A_1612 : vector<16xf32>
        %add3A_1615 = arith.addf %scan3A_1574, %mul3A_1614 : vector<16xf32>
        %gather3A_1616 = tpu.vector_load_idx %arg14[%add3A_59, %and3A_1579] : memref<144x128xf32, #tpu.memory_space<vmem>>[vector<16xi32>, vector<16xi32>], vector<16xf32>,
        %sub3A_1617 = arith.subf %gather3A, %gather3A_1616 : vector<16xf32>
        %mul3A_1618 = arith.mulf %gather3A_1580, %sub3A_1617 : vector<16xf32>
        %mul3A_1619 = arith.mulf %mul3A_1618, %sub3A_1617 : vector<16xf32>
        %add3A_1620 = arith.addf %scan3A_1575, %mul3A_1619 : vector<16xf32>
        scf.yield %add3A_1585, %add3A_1590, %add3A_1595, %add3A_1600, %add3A_1605, %add3A_1610, %add3A_1615, %add3A_1620 : vector<16xf32>, vector<16xf32>, vector<16xf32>, vector<16xf32>, vector<16xf32>, vector<16xf32>, vector<16xf32>, vector<16xf32>
      }
      %scan3A_887 = arith.constant 128 : i32
      %bitcast3A_888 = vector.bitcast %scan3A_886#0 : vector<16xf32> to vector<16xi32>
      %shift_right_arithmetic3A_889 = arith.constant 1 : i32
      %shift_right_arithmetic3A_890 = vector.broadcast %shift_right_arithmetic3A_889 : i32 to vector<16xi32>
      %shift_right_arithmetic3A_891 = arith.shrsi %bitcast3A_888, %shift_right_arithmetic3A_890 : vector<16xi32>
      %sub3A_892 = arith.constant 1597463007 : i32
      %sub3A_893 = vector.broadcast %sub3A_892 : i32 to vector<16xi32>
      %sub3A_894 = arith.subi %sub3A_893, %shift_right_arithmetic3A_891 : vector<16xi32>
      %bitcast3A_895 = vector.bitcast %sub3A_894 : vector<16xi32> to vector<16xf32>
      %mul3A_896 = arith.constant 5.000000e-01 : f32
      %mul3A_897 = vector.broadcast %mul3A_896 : f32 to vector<16xf32>
      %mul3A_898 = arith.mulf %mul3A_897, %scan3A_886#0 : vector<16xf32>
      %mul3A_899 = arith.mulf %mul3A_898, %bitcast3A_895 : vector<16xf32>
      %mul3A_900 = arith.mulf %mul3A_899, %bitcast3A_895 : vector<16xf32>
      %sub3A_901 = arith.constant 1.500000e+00 : f32
      %sub3A_902 = vector.broadcast %sub3A_901 : f32 to vector<16xf32>
      %sub3A_903 = arith.subf %sub3A_902, %mul3A_900 : vector<16xf32>
      %mul3A_904 = arith.mulf %bitcast3A_895, %sub3A_903 : vector<16xf32>
      %mul3A_905 = arith.mulf %mul3A_898, %mul3A_904 : vector<16xf32>
      %mul3A_906 = arith.mulf %mul3A_905, %mul3A_904 : vector<16xf32>
      %sub3A_907 = arith.constant 1.500000e+00 : f32
      %sub3A_908 = vector.broadcast %sub3A_907 : f32 to vector<16xf32>
      %sub3A_909 = arith.subf %sub3A_908, %mul3A_906 : vector<16xf32>
      %mul3A_910 = arith.mulf %mul3A_904, %sub3A_909 : vector<16xf32>
      %mul3A_911 = arith.mulf %mul3A_898, %mul3A_910 : vector<16xf32>
      %mul3A_912 = arith.mulf %mul3A_911, %mul3A_910 : vector<16xf32>
      %sub3A_913 = arith.constant 1.500000e+00 : f32
      %sub3A_914 = vector.broadcast %sub3A_913 : f32 to vector<16xf32>
      %sub3A_915 = arith.subf %sub3A_914, %mul3A_912 : vector<16xf32>
      %mul3A_916 = arith.mulf %mul3A_910, %sub3A_915 : vector<16xf32>
      %mul3A_917 = arith.mulf %scan3A_886#0, %mul3A_916 : vector<16xf32>
      %neg3A_918 = arith.constant 0.000000e+00 : f32
      %neg3A_919 = vector.broadcast %neg3A_918 : f32 to vector<16xf32>
      %neg3A_920 = arith.subf %neg3A_919, %mul3A_917 : vector<16xf32>
      %exp3A_921 = math.exp %neg3A_920 : vector<16xf32>
      %add3A_922 = arith.constant 1.000000e-03 : f32
      %add3A_923 = vector.broadcast %add3A_922 : f32 to vector<16xf32>
      %add3A_924 = arith.addf %exp3A_921, %add3A_923 : vector<16xf32>
      %bitcast3A_925 = vector.bitcast %scan3A_886#1 : vector<16xf32> to vector<16xi32>
      %shift_right_arithmetic3A_926 = arith.constant 1 : i32
      %shift_right_arithmetic3A_927 = vector.broadcast %shift_right_arithmetic3A_926 : i32 to vector<16xi32>
      %shift_right_arithmetic3A_928 = arith.shrsi %bitcast3A_925, %shift_right_arithmetic3A_927 : vector<16xi32>
      %sub3A_929 = arith.constant 1597463007 : i32
      %sub3A_930 = vector.broadcast %sub3A_929 : i32 to vector<16xi32>
      %sub3A_931 = arith.subi %sub3A_930, %shift_right_arithmetic3A_928 : vector<16xi32>
      %bitcast3A_932 = vector.bitcast %sub3A_931 : vector<16xi32> to vector<16xf32>
      %mul3A_933 = arith.constant 5.000000e-01 : f32
      %mul3A_934 = vector.broadcast %mul3A_933 : f32 to vector<16xf32>
      %mul3A_935 = arith.mulf %mul3A_934, %scan3A_886#1 : vector<16xf32>
      %mul3A_936 = arith.mulf %mul3A_935, %bitcast3A_932 : vector<16xf32>
      %mul3A_937 = arith.mulf %mul3A_936, %bitcast3A_932 : vector<16xf32>
      %sub3A_938 = arith.constant 1.500000e+00 : f32
      %sub3A_939 = vector.broadcast %sub3A_938 : f32 to vector<16xf32>
      %sub3A_940 = arith.subf %sub3A_939, %mul3A_937 : vector<16xf32>
      %mul3A_941 = arith.mulf %bitcast3A_932, %sub3A_940 : vector<16xf32>
      %mul3A_942 = arith.mulf %mul3A_935, %mul3A_941 : vector<16xf32>
      %mul3A_943 = arith.mulf %mul3A_942, %mul3A_941 : vector<16xf32>
      %sub3A_944 = arith.constant 1.500000e+00 : f32
      %sub3A_945 = vector.broadcast %sub3A_944 : f32 to vector<16xf32>
      %sub3A_946 = arith.subf %sub3A_945, %mul3A_943 : vector<16xf32>
      %mul3A_947 = arith.mulf %mul3A_941, %sub3A_946 : vector<16xf32>
      %mul3A_948 = arith.mulf %mul3A_935, %mul3A_947 : vector<16xf32>
      %mul3A_949 = arith.mulf %mul3A_948, %mul3A_947 : vector<16xf32>
      %sub3A_950 = arith.constant 1.500000e+00 : f32
      %sub3A_951 = vector.broadcast %sub3A_950 : f32 to vector<16xf32>
      %sub3A_952 = arith.subf %sub3A_951, %mul3A_949 : vector<16xf32>
      %mul3A_953 = arith.mulf %mul3A_947, %sub3A_952 : vector<16xf32>
      %mul3A_954 = arith.mulf %scan3A_886#1, %mul3A_953 : vector<16xf32>
      %neg3A_955 = arith.constant 0.000000e+00 : f32
      %neg3A_956 = vector.broadcast %neg3A_955 : f32 to vector<16xf32>
      %neg3A_957 = arith.subf %neg3A_956, %mul3A_954 : vector<16xf32>
      %exp3A_958 = math.exp %neg3A_957 : vector<16xf32>
      %add3A_959 = arith.constant 1.000000e-03 : f32
      %add3A_960 = vector.broadcast %add3A_959 : f32 to vector<16xf32>
      %add3A_961 = arith.addf %exp3A_958, %add3A_960 : vector<16xf32>
      %bitcast3A_962 = vector.bitcast %scan3A_886#2 : vector<16xf32> to vector<16xi32>
      %shift_right_arithmetic3A_963 = arith.constant 1 : i32
      %shift_right_arithmetic3A_964 = vector.broadcast %shift_right_arithmetic3A_963 : i32 to vector<16xi32>
      %shift_right_arithmetic3A_965 = arith.shrsi %bitcast3A_962, %shift_right_arithmetic3A_964 : vector<16xi32>
      %sub3A_966 = arith.constant 1597463007 : i32
      %sub3A_967 = vector.broadcast %sub3A_966 : i32 to vector<16xi32>
      %sub3A_968 = arith.subi %sub3A_967, %shift_right_arithmetic3A_965 : vector<16xi32>
      %bitcast3A_969 = vector.bitcast %sub3A_968 : vector<16xi32> to vector<16xf32>
      %mul3A_970 = arith.constant 5.000000e-01 : f32
      %mul3A_971 = vector.broadcast %mul3A_970 : f32 to vector<16xf32>
      %mul3A_972 = arith.mulf %mul3A_971, %scan3A_886#2 : vector<16xf32>
      %mul3A_973 = arith.mulf %mul3A_972, %bitcast3A_969 : vector<16xf32>
      %mul3A_974 = arith.mulf %mul3A_973, %bitcast3A_969 : vector<16xf32>
      %sub3A_975 = arith.constant 1.500000e+00 : f32
      %sub3A_976 = vector.broadcast %sub3A_975 : f32 to vector<16xf32>
      %sub3A_977 = arith.subf %sub3A_976, %mul3A_974 : vector<16xf32>
      %mul3A_978 = arith.mulf %bitcast3A_969, %sub3A_977 : vector<16xf32>
      %mul3A_979 = arith.mulf %mul3A_972, %mul3A_978 : vector<16xf32>
      %mul3A_980 = arith.mulf %mul3A_979, %mul3A_978 : vector<16xf32>
      %sub3A_981 = arith.constant 1.500000e+00 : f32
      %sub3A_982 = vector.broadcast %sub3A_981 : f32 to vector<16xf32>
      %sub3A_983 = arith.subf %sub3A_982, %mul3A_980 : vector<16xf32>
      %mul3A_984 = arith.mulf %mul3A_978, %sub3A_983 : vector<16xf32>
      %mul3A_985 = arith.mulf %mul3A_972, %mul3A_984 : vector<16xf32>
      %mul3A_986 = arith.mulf %mul3A_985, %mul3A_984 : vector<16xf32>
      %sub3A_987 = arith.constant 1.500000e+00 : f32
      %sub3A_988 = vector.broadcast %sub3A_987 : f32 to vector<16xf32>
      %sub3A_989 = arith.subf %sub3A_988, %mul3A_986 : vector<16xf32>
      %mul3A_990 = arith.mulf %mul3A_984, %sub3A_989 : vector<16xf32>
      %mul3A_991 = arith.mulf %scan3A_886#2, %mul3A_990 : vector<16xf32>
      %neg3A_992 = arith.constant 0.000000e+00 : f32
      %neg3A_993 = vector.broadcast %neg3A_992 : f32 to vector<16xf32>
      %neg3A_994 = arith.subf %neg3A_993, %mul3A_991 : vector<16xf32>
      %exp3A_995 = math.exp %neg3A_994 : vector<16xf32>
      %add3A_996 = arith.constant 1.000000e-03 : f32
      %add3A_997 = vector.broadcast %add3A_996 : f32 to vector<16xf32>
      %add3A_998 = arith.addf %exp3A_995, %add3A_997 : vector<16xf32>
      %bitcast3A_999 = vector.bitcast %scan3A_886#3 : vector<16xf32> to vector<16xi32>
      %shift_right_arithmetic3A_1000 = arith.constant 1 : i32
      %shift_right_arithmetic3A_1001 = vector.broadcast %shift_right_arithmetic3A_1000 : i32 to vector<16xi32>
      %shift_right_arithmetic3A_1002 = arith.shrsi %bitcast3A_999, %shift_right_arithmetic3A_1001 : vector<16xi32>
      %sub3A_1003 = arith.constant 1597463007 : i32
      %sub3A_1004 = vector.broadcast %sub3A_1003 : i32 to vector<16xi32>
      %sub3A_1005 = arith.subi %sub3A_1004, %shift_right_arithmetic3A_1002 : vector<16xi32>
      %bitcast3A_1006 = vector.bitcast %sub3A_1005 : vector<16xi32> to vector<16xf32>
      %mul3A_1007 = arith.constant 5.000000e-01 : f32
      %mul3A_1008 = vector.broadcast %mul3A_1007 : f32 to vector<16xf32>
      %mul3A_1009 = arith.mulf %mul3A_1008, %scan3A_886#3 : vector<16xf32>
      %mul3A_1010 = arith.mulf %mul3A_1009, %bitcast3A_1006 : vector<16xf32>
      %mul3A_1011 = arith.mulf %mul3A_1010, %bitcast3A_1006 : vector<16xf32>
      %sub3A_1012 = arith.constant 1.500000e+00 : f32
      %sub3A_1013 = vector.broadcast %sub3A_1012 : f32 to vector<16xf32>
      %sub3A_1014 = arith.subf %sub3A_1013, %mul3A_1011 : vector<16xf32>
      %mul3A_1015 = arith.mulf %bitcast3A_1006, %sub3A_1014 : vector<16xf32>
      %mul3A_1016 = arith.mulf %mul3A_1009, %mul3A_1015 : vector<16xf32>
      %mul3A_1017 = arith.mulf %mul3A_1016, %mul3A_1015 : vector<16xf32>
      %sub3A_1018 = arith.constant 1.500000e+00 : f32
      %sub3A_1019 = vector.broadcast %sub3A_1018 : f32 to vector<16xf32>
      %sub3A_1020 = arith.subf %sub3A_1019, %mul3A_1017 : vector<16xf32>
      %mul3A_1021 = arith.mulf %mul3A_1015, %sub3A_1020 : vector<16xf32>
      %mul3A_1022 = arith.mulf %mul3A_1009, %mul3A_1021 : vector<16xf32>
      %mul3A_1023 = arith.mulf %mul3A_1022, %mul3A_1021 : vector<16xf32>
      %sub3A_1024 = arith.constant 1.500000e+00 : f32
      %sub3A_1025 = vector.broadcast %sub3A_1024 : f32 to vector<16xf32>
      %sub3A_1026 = arith.subf %sub3A_1025, %mul3A_1023 : vector<16xf32>
      %mul3A_1027 = arith.mulf %mul3A_1021, %sub3A_1026 : vector<16xf32>
      %mul3A_1028 = arith.mulf %scan3A_886#3, %mul3A_1027 : vector<16xf32>
      %neg3A_1029 = arith.constant 0.000000e+00 : f32
      %neg3A_1030 = vector.broadcast %neg3A_1029 : f32 to vector<16xf32>
      %neg3A_1031 = arith.subf %neg3A_1030, %mul3A_1028 : vector<16xf32>
      %exp3A_1032 = math.exp %neg3A_1031 : vector<16xf32>
      %add3A_1033 = arith.constant 1.000000e-03 : f32
      %add3A_1034 = vector.broadcast %add3A_1033 : f32 to vector<16xf32>
      %add3A_1035 = arith.addf %exp3A_1032, %add3A_1034 : vector<16xf32>
      %bitcast3A_1036 = vector.bitcast %scan3A_886#4 : vector<16xf32> to vector<16xi32>
      %shift_right_arithmetic3A_1037 = arith.constant 1 : i32
      %shift_right_arithmetic3A_1038 = vector.broadcast %shift_right_arithmetic3A_1037 : i32 to vector<16xi32>
      %shift_right_arithmetic3A_1039 = arith.shrsi %bitcast3A_1036, %shift_right_arithmetic3A_1038 : vector<16xi32>
      %sub3A_1040 = arith.constant 1597463007 : i32
      %sub3A_1041 = vector.broadcast %sub3A_1040 : i32 to vector<16xi32>
      %sub3A_1042 = arith.subi %sub3A_1041, %shift_right_arithmetic3A_1039 : vector<16xi32>
      %bitcast3A_1043 = vector.bitcast %sub3A_1042 : vector<16xi32> to vector<16xf32>
      %mul3A_1044 = arith.constant 5.000000e-01 : f32
      %mul3A_1045 = vector.broadcast %mul3A_1044 : f32 to vector<16xf32>
      %mul3A_1046 = arith.mulf %mul3A_1045, %scan3A_886#4 : vector<16xf32>
      %mul3A_1047 = arith.mulf %mul3A_1046, %bitcast3A_1043 : vector<16xf32>
      %mul3A_1048 = arith.mulf %mul3A_1047, %bitcast3A_1043 : vector<16xf32>
      %sub3A_1049 = arith.constant 1.500000e+00 : f32
      %sub3A_1050 = vector.broadcast %sub3A_1049 : f32 to vector<16xf32>
      %sub3A_1051 = arith.subf %sub3A_1050, %mul3A_1048 : vector<16xf32>
      %mul3A_1052 = arith.mulf %bitcast3A_1043, %sub3A_1051 : vector<16xf32>
      %mul3A_1053 = arith.mulf %mul3A_1046, %mul3A_1052 : vector<16xf32>
      %mul3A_1054 = arith.mulf %mul3A_1053, %mul3A_1052 : vector<16xf32>
      %sub3A_1055 = arith.constant 1.500000e+00 : f32
      %sub3A_1056 = vector.broadcast %sub3A_1055 : f32 to vector<16xf32>
      %sub3A_1057 = arith.subf %sub3A_1056, %mul3A_1054 : vector<16xf32>
      %mul3A_1058 = arith.mulf %mul3A_1052, %sub3A_1057 : vector<16xf32>
      %mul3A_1059 = arith.mulf %mul3A_1046, %mul3A_1058 : vector<16xf32>
      %mul3A_1060 = arith.mulf %mul3A_1059, %mul3A_1058 : vector<16xf32>
      %sub3A_1061 = arith.constant 1.500000e+00 : f32
      %sub3A_1062 = vector.broadcast %sub3A_1061 : f32 to vector<16xf32>
      %sub3A_1063 = arith.subf %sub3A_1062, %mul3A_1060 : vector<16xf32>
      %mul3A_1064 = arith.mulf %mul3A_1058, %sub3A_1063 : vector<16xf32>
      %mul3A_1065 = arith.mulf %scan3A_886#4, %mul3A_1064 : vector<16xf32>
      %neg3A_1066 = arith.constant 0.000000e+00 : f32
      %neg3A_1067 = vector.broadcast %neg3A_1066 : f32 to vector<16xf32>
      %neg3A_1068 = arith.subf %neg3A_1067, %mul3A_1065 : vector<16xf32>
      %exp3A_1069 = math.exp %neg3A_1068 : vector<16xf32>
      %add3A_1070 = arith.constant 1.000000e-03 : f32
      %add3A_1071 = vector.broadcast %add3A_1070 : f32 to vector<16xf32>
      %add3A_1072 = arith.addf %exp3A_1069, %add3A_1071 : vector<16xf32>
      %bitcast3A_1073 = vector.bitcast %scan3A_886#5 : vector<16xf32> to vector<16xi32>
      %shift_right_arithmetic3A_1074 = arith.constant 1 : i32
      %shift_right_arithmetic3A_1075 = vector.broadcast %shift_right_arithmetic3A_1074 : i32 to vector<16xi32>
      %shift_right_arithmetic3A_1076 = arith.shrsi %bitcast3A_1073, %shift_right_arithmetic3A_1075 : vector<16xi32>
      %sub3A_1077 = arith.constant 1597463007 : i32
      %sub3A_1078 = vector.broadcast %sub3A_1077 : i32 to vector<16xi32>
      %sub3A_1079 = arith.subi %sub3A_1078, %shift_right_arithmetic3A_1076 : vector<16xi32>
      %bitcast3A_1080 = vector.bitcast %sub3A_1079 : vector<16xi32> to vector<16xf32>
      %mul3A_1081 = arith.constant 5.000000e-01 : f32
      %mul3A_1082 = vector.broadcast %mul3A_1081 : f32 to vector<16xf32>
      %mul3A_1083 = arith.mulf %mul3A_1082, %scan3A_886#5 : vector<16xf32>
      %mul3A_1084 = arith.mulf %mul3A_1083, %bitcast3A_1080 : vector<16xf32>
      %mul3A_1085 = arith.mulf %mul3A_1084, %bitcast3A_1080 : vector<16xf32>
      %sub3A_1086 = arith.constant 1.500000e+00 : f32
      %sub3A_1087 = vector.broadcast %sub3A_1086 : f32 to vector<16xf32>
      %sub3A_1088 = arith.subf %sub3A_1087, %mul3A_1085 : vector<16xf32>
      %mul3A_1089 = arith.mulf %bitcast3A_1080, %sub3A_1088 : vector<16xf32>
      %mul3A_1090 = arith.mulf %mul3A_1083, %mul3A_1089 : vector<16xf32>
      %mul3A_1091 = arith.mulf %mul3A_1090, %mul3A_1089 : vector<16xf32>
      %sub3A_1092 = arith.constant 1.500000e+00 : f32
      %sub3A_1093 = vector.broadcast %sub3A_1092 : f32 to vector<16xf32>
      %sub3A_1094 = arith.subf %sub3A_1093, %mul3A_1091 : vector<16xf32>
      %mul3A_1095 = arith.mulf %mul3A_1089, %sub3A_1094 : vector<16xf32>
      %mul3A_1096 = arith.mulf %mul3A_1083, %mul3A_1095 : vector<16xf32>
      %mul3A_1097 = arith.mulf %mul3A_1096, %mul3A_1095 : vector<16xf32>
      %sub3A_1098 = arith.constant 1.500000e+00 : f32
      %sub3A_1099 = vector.broadcast %sub3A_1098 : f32 to vector<16xf32>
      %sub3A_1100 = arith.subf %sub3A_1099, %mul3A_1097 : vector<16xf32>
      %mul3A_1101 = arith.mulf %mul3A_1095, %sub3A_1100 : vector<16xf32>
      %mul3A_1102 = arith.mulf %scan3A_886#5, %mul3A_1101 : vector<16xf32>
      %neg3A_1103 = arith.constant 0.000000e+00 : f32
      %neg3A_1104 = vector.broadcast %neg3A_1103 : f32 to vector<16xf32>
      %neg3A_1105 = arith.subf %neg3A_1104, %mul3A_1102 : vector<16xf32>
      %exp3A_1106 = math.exp %neg3A_1105 : vector<16xf32>
      %add3A_1107 = arith.constant 1.000000e-03 : f32
      %add3A_1108 = vector.broadcast %add3A_1107 : f32 to vector<16xf32>
      %add3A_1109 = arith.addf %exp3A_1106, %add3A_1108 : vector<16xf32>
      %bitcast3A_1110 = vector.bitcast %scan3A_886#6 : vector<16xf32> to vector<16xi32>
      %shift_right_arithmetic3A_1111 = arith.constant 1 : i32
      %shift_right_arithmetic3A_1112 = vector.broadcast %shift_right_arithmetic3A_1111 : i32 to vector<16xi32>
      %shift_right_arithmetic3A_1113 = arith.shrsi %bitcast3A_1110, %shift_right_arithmetic3A_1112 : vector<16xi32>
      %sub3A_1114 = arith.constant 1597463007 : i32
      %sub3A_1115 = vector.broadcast %sub3A_1114 : i32 to vector<16xi32>
      %sub3A_1116 = arith.subi %sub3A_1115, %shift_right_arithmetic3A_1113 : vector<16xi32>
      %bitcast3A_1117 = vector.bitcast %sub3A_1116 : vector<16xi32> to vector<16xf32>
      %mul3A_1118 = arith.constant 5.000000e-01 : f32
      %mul3A_1119 = vector.broadcast %mul3A_1118 : f32 to vector<16xf32>
      %mul3A_1120 = arith.mulf %mul3A_1119, %scan3A_886#6 : vector<16xf32>
      %mul3A_1121 = arith.mulf %mul3A_1120, %bitcast3A_1117 : vector<16xf32>
      %mul3A_1122 = arith.mulf %mul3A_1121, %bitcast3A_1117 : vector<16xf32>
      %sub3A_1123 = arith.constant 1.500000e+00 : f32
      %sub3A_1124 = vector.broadcast %sub3A_1123 : f32 to vector<16xf32>
      %sub3A_1125 = arith.subf %sub3A_1124, %mul3A_1122 : vector<16xf32>
      %mul3A_1126 = arith.mulf %bitcast3A_1117, %sub3A_1125 : vector<16xf32>
      %mul3A_1127 = arith.mulf %mul3A_1120, %mul3A_1126 : vector<16xf32>
      %mul3A_1128 = arith.mulf %mul3A_1127, %mul3A_1126 : vector<16xf32>
      %sub3A_1129 = arith.constant 1.500000e+00 : f32
      %sub3A_1130 = vector.broadcast %sub3A_1129 : f32 to vector<16xf32>
      %sub3A_1131 = arith.subf %sub3A_1130, %mul3A_1128 : vector<16xf32>
      %mul3A_1132 = arith.mulf %mul3A_1126, %sub3A_1131 : vector<16xf32>
      %mul3A_1133 = arith.mulf %mul3A_1120, %mul3A_1132 : vector<16xf32>
      %mul3A_1134 = arith.mulf %mul3A_1133, %mul3A_1132 : vector<16xf32>
      %sub3A_1135 = arith.constant 1.500000e+00 : f32
      %sub3A_1136 = vector.broadcast %sub3A_1135 : f32 to vector<16xf32>
      %sub3A_1137 = arith.subf %sub3A_1136, %mul3A_1134 : vector<16xf32>
      %mul3A_1138 = arith.mulf %mul3A_1132, %sub3A_1137 : vector<16xf32>
      %mul3A_1139 = arith.mulf %scan3A_886#6, %mul3A_1138 : vector<16xf32>
      %neg3A_1140 = arith.constant 0.000000e+00 : f32
      %neg3A_1141 = vector.broadcast %neg3A_1140 : f32 to vector<16xf32>
      %neg3A_1142 = arith.subf %neg3A_1141, %mul3A_1139 : vector<16xf32>
      %exp3A_1143 = math.exp %neg3A_1142 : vector<16xf32>
      %add3A_1144 = arith.constant 1.000000e-03 : f32
      %add3A_1145 = vector.broadcast %add3A_1144 : f32 to vector<16xf32>
      %add3A_1146 = arith.addf %exp3A_1143, %add3A_1145 : vector<16xf32>
      %bitcast3A_1147 = vector.bitcast %scan3A_886#7 : vector<16xf32> to vector<16xi32>
      %shift_right_arithmetic3A_1148 = arith.constant 1 : i32
      %shift_right_arithmetic3A_1149 = vector.broadcast %shift_right_arithmetic3A_1148 : i32 to vector<16xi32>
      %shift_right_arithmetic3A_1150 = arith.shrsi %bitcast3A_1147, %shift_right_arithmetic3A_1149 : vector<16xi32>
      %sub3A_1151 = arith.constant 1597463007 : i32
      %sub3A_1152 = vector.broadcast %sub3A_1151 : i32 to vector<16xi32>
      %sub3A_1153 = arith.subi %sub3A_1152, %shift_right_arithmetic3A_1150 : vector<16xi32>
      %bitcast3A_1154 = vector.bitcast %sub3A_1153 : vector<16xi32> to vector<16xf32>
      %mul3A_1155 = arith.constant 5.000000e-01 : f32
      %mul3A_1156 = vector.broadcast %mul3A_1155 : f32 to vector<16xf32>
      %mul3A_1157 = arith.mulf %mul3A_1156, %scan3A_886#7 : vector<16xf32>
      %mul3A_1158 = arith.mulf %mul3A_1157, %bitcast3A_1154 : vector<16xf32>
      %mul3A_1159 = arith.mulf %mul3A_1158, %bitcast3A_1154 : vector<16xf32>
      %sub3A_1160 = arith.constant 1.500000e+00 : f32
      %sub3A_1161 = vector.broadcast %sub3A_1160 : f32 to vector<16xf32>
      %sub3A_1162 = arith.subf %sub3A_1161, %mul3A_1159 : vector<16xf32>
      %mul3A_1163 = arith.mulf %bitcast3A_1154, %sub3A_1162 : vector<16xf32>
      %mul3A_1164 = arith.mulf %mul3A_1157, %mul3A_1163 : vector<16xf32>
      %mul3A_1165 = arith.mulf %mul3A_1164, %mul3A_1163 : vector<16xf32>
      %sub3A_1166 = arith.constant 1.500000e+00 : f32
      %sub3A_1167 = vector.broadcast %sub3A_1166 : f32 to vector<16xf32>
      %sub3A_1168 = arith.subf %sub3A_1167, %mul3A_1165 : vector<16xf32>
      %mul3A_1169 = arith.mulf %mul3A_1163, %sub3A_1168 : vector<16xf32>
      %mul3A_1170 = arith.mulf %mul3A_1157, %mul3A_1169 : vector<16xf32>
      %mul3A_1171 = arith.mulf %mul3A_1170, %mul3A_1169 : vector<16xf32>
      %sub3A_1172 = arith.constant 1.500000e+00 : f32
      %sub3A_1173 = vector.broadcast %sub3A_1172 : f32 to vector<16xf32>
      %sub3A_1174 = arith.subf %sub3A_1173, %mul3A_1171 : vector<16xf32>
      %mul3A_1175 = arith.mulf %mul3A_1169, %sub3A_1174 : vector<16xf32>
      %mul3A_1176 = arith.mulf %scan3A_886#7, %mul3A_1175 : vector<16xf32>
      %neg3A_1177 = arith.constant 0.000000e+00 : f32
      %neg3A_1178 = vector.broadcast %neg3A_1177 : f32 to vector<16xf32>
      %neg3A_1179 = arith.subf %neg3A_1178, %mul3A_1176 : vector<16xf32>
      %exp3A_1180 = math.exp %neg3A_1179 : vector<16xf32>
      %add3A_1181 = arith.constant 1.000000e-03 : f32
      %add3A_1182 = vector.broadcast %add3A_1181 : f32 to vector<16xf32>
      %add3A_1183 = arith.addf %exp3A_1180, %add3A_1182 : vector<16xf32>
      %add3A_1184 = arith.addf %add3A_924, %add3A_961 : vector<16xf32>
      %add3A_1185 = arith.addf %add3A_1184, %add3A_998 : vector<16xf32>
      %add3A_1186 = arith.addf %add3A_1185, %add3A_1035 : vector<16xf32>
      %add3A_1187 = arith.addf %add3A_1186, %add3A_1072 : vector<16xf32>
      %add3A_1188 = arith.addf %add3A_1187, %add3A_1109 : vector<16xf32>
      %add3A_1189 = arith.addf %add3A_1188, %add3A_1146 : vector<16xf32>
      %add3A_1190 = arith.addf %add3A_1189, %add3A_1183 : vector<16xf32>
      %div3A_1191 = arith.divf %add3A_924, %add3A_1190 : vector<16xf32>
      %mul3A_1192 = arith.mulf %div3A_1191, %add3A_961 : vector<16xf32>
      %sub3A_1193 = arith.subf %add3A_1190, %add3A_924 : vector<16xf32>
      %div3A_1194 = arith.divf %mul3A_1192, %sub3A_1193 : vector<16xf32>
      %eq3A_1195 = arith.constant 1 : i32
      %eq3A_1196 = vector.broadcast %eq3A_1195 : i32 to vector<16xi32>
      %eq3A_1197 = arith.cmpi eq, %get3A_879, %eq3A_1196 : vector<16xi32>
      %select_n3A_1198 = arith.select %eq3A_1197, %div3A_1194, %div3A_1191 : vector<16xi1>, vector<16xf32>
      %swap3A_1199 = arith.index_cast %multiple_of3A_875 : i32 to index
      %swap3A_1200 = tpu.vector_load %arg16[%swap3A_1199] {strides = array<i32>} : memref<512xf32, #tpu.memory_space<vmem>>, vector<16xf32>,
      tpu.vector_store %arg16[%swap3A_1199], %select_n3A_1198 {strides = array<i32>} : memref<512xf32, #tpu.memory_space<vmem>>, vector<16xf32>,
      %add3A_1201 = arith.constant 4 : i32
      %add3A_1202 = arith.addi %add3A_851, %add3A_1201 : i32
      %lt3A_1203 = arith.constant 32 : i32
      %lt3A_1204 = arith.cmpi slt, %add3A_1202, %lt3A_1203 : i32
      %convert_element_type3A_1205 = arith.extui %lt3A_1204 : i1 to i32
      %cond3A_1206 = arith.constant 0 : i32
      %cond3A_1207 = arith.cmpi ne, %convert_element_type3A_1205, %cond3A_1206 : i32
      scf.if %cond3A_1207 {
        %add3A_1567 = arith.constant 4 : i32
        %add3A_1568 = arith.addi %add3A_851, %add3A_1567 : i32
        %mul3A_1569 = arith.constant 144 : i32
        %mul3A_1570 = arith.muli %add3A_1568, %mul3A_1569 : i32
        %multiple_of3A_1571 = tpu.assume_multiple %mul3A_1570, 8 : i32
        %add3A_1572 = arith.constant 0 : i32
        %add3A_1573 = arith.addi %multiple_of3A_1571, %add3A_1572 : i32
        %add3A_1574 = arith.constant 72 : i32
        %add3A_1575 = arith.addi %multiple_of3A_1571, %add3A_1574 : i32
        %dma_start3A_1576 = arith.constant 0 : i32
        %dma_start3A_1577 = arith.constant 0 : i32
        %dma_start3A_1578 = tpu.memref_slice %arg14[%dma_start3A_1576, %dma_start3A_1577] : memref<144x128xf32, #tpu.memory_space<vmem>> -> memref<72x128xf32, #tpu.memory_space<vmem>>
        %dma_start3A_1579 = tpu.memref_slice %arg8[%add3A_1573] : memref<4608xi32, #tpu.memory_space<vmem>> -> memref<72xi32, #tpu.memory_space<vmem>>
        %dma_start3A_1580 = arith.constant 0 : i32
        %dma_start3A_1581 = arith.constant 0 : i32
        %dma_start3A_1582 = tpu.memref_slice %arg6[%dma_start3A_1580, %dma_start3A_1581] : memref<100000x128xf32, #tpu.memory_space<hbm>> -> memref<100000x128xf32, #tpu.memory_space<hbm>>
        tpu.enqueue_indirect_dma source(%dma_start3A_1582 : memref<100000x128xf32, #tpu.memory_space<hbm>>) target(%dma_start3A_1578 : memref<72x128xf32, #tpu.memory_space<vmem>>) offsets(%dma_start3A_1579 : memref<72xi32, #tpu.memory_space<vmem>>) semaphore(%arg19 : memref<!tpu.dma_semaphore, #tpu.memory_space<semaphore_mem>>)
        %dma_start3A_1583 = arith.constant 72 : i32
        %dma_start3A_1584 = arith.constant 0 : i32
        %dma_start3A_1585 = tpu.memref_slice %arg14[%dma_start3A_1583, %dma_start3A_1584] : memref<144x128xf32, #tpu.memory_space<vmem>> -> memref<72x128xf32, #tpu.memory_space<vmem>>
        %dma_start3A_1586 = tpu.memref_slice %arg8[%add3A_1575] : memref<4608xi32, #tpu.memory_space<vmem>> -> memref<72xi32, #tpu.memory_space<vmem>>
        %dma_start3A_1587 = arith.constant 0 : i32
        %dma_start3A_1588 = arith.constant 0 : i32
        %dma_start3A_1589 = tpu.memref_slice %arg6[%dma_start3A_1587, %dma_start3A_1588] : memref<100000x128xf32, #tpu.memory_space<hbm>> -> memref<100000x128xf32, #tpu.memory_space<hbm>>
        tpu.enqueue_indirect_dma source(%dma_start3A_1589 : memref<100000x128xf32, #tpu.memory_space<hbm>>) target(%dma_start3A_1585 : memref<72x128xf32, #tpu.memory_space<vmem>>) offsets(%dma_start3A_1586 : memref<72xi32, #tpu.memory_space<vmem>>) semaphore(%arg19 : memref<!tpu.dma_semaphore, #tpu.memory_space<semaphore_mem>>)
      } else {
      }
      %add3A_1208 = arith.constant 3 : i32
      %add3A_1209 = arith.addi %mul3A_148, %add3A_1208 : i32
      %mul3A_1210 = arith.constant 144 : i32
      %mul3A_1211 = arith.muli %add3A_1209, %mul3A_1210 : i32
      %multiple_of3A_1212 = tpu.assume_multiple %mul3A_1211, 8 : i32
      %add3A_1213 = arith.constant 0 : i32
      %add3A_1214 = arith.addi %multiple_of3A_1212, %add3A_1213 : i32
      %add3A_1215 = arith.constant 72 : i32
      %add3A_1216 = arith.addi %multiple_of3A_1212, %add3A_1215 : i32
      %dma_wait3A_1217 = arith.constant 0 : i32
      %dma_wait3A_1218 = arith.constant 0 : i32
      %dma_wait3A_1219 = tpu.memref_slice %arg15[%dma_wait3A_1217, %dma_wait3A_1218] : memref<144x128xf32, #tpu.memory_space<vmem>> -> memref<72x128xf32, #tpu.memory_space<vmem>>
      %dma_wait3A_1220 = tpu.memref_slice %arg8[%add3A_1214] : memref<4608xi32, #tpu.memory_space<vmem>> -> memref<72xi32, #tpu.memory_space<vmem>>
      %dma_wait3A_1221 = arith.constant 0 : i32
      %dma_wait3A_1222 = arith.constant 0 : i32
      %dma_wait3A_1223 = tpu.memref_slice %arg6[%dma_wait3A_1221, %dma_wait3A_1222] : memref<100000x128xf32, #tpu.memory_space<hbm>> -> memref<100000x128xf32, #tpu.memory_space<hbm>>
      tpu.wait_indirect_dma semaphore(%arg20 : memref<!tpu.dma_semaphore, #tpu.memory_space<semaphore_mem>>) src(%dma_wait3A_1223 : memref<100000x128xf32, #tpu.memory_space<hbm>>) dst(%dma_wait3A_1219 : memref<72x128xf32, #tpu.memory_space<vmem>>)
      %dma_wait3A_1224 = arith.constant 72 : i32
      %dma_wait3A_1225 = arith.constant 0 : i32
      %dma_wait3A_1226 = tpu.memref_slice %arg15[%dma_wait3A_1224, %dma_wait3A_1225] : memref<144x128xf32, #tpu.memory_space<vmem>> -> memref<72x128xf32, #tpu.memory_space<vmem>>
      %dma_wait3A_1227 = tpu.memref_slice %arg8[%add3A_1216] : memref<4608xi32, #tpu.memory_space<vmem>> -> memref<72xi32, #tpu.memory_space<vmem>>
      %dma_wait3A_1228 = arith.constant 0 : i32
      %dma_wait3A_1229 = arith.constant 0 : i32
      %dma_wait3A_1230 = tpu.memref_slice %arg6[%dma_wait3A_1228, %dma_wait3A_1229] : memref<100000x128xf32, #tpu.memory_space<hbm>> -> memref<100000x128xf32, #tpu.memory_space<hbm>>
      tpu.wait_indirect_dma semaphore(%arg20 : memref<!tpu.dma_semaphore, #tpu.memory_space<semaphore_mem>>) src(%dma_wait3A_1230 : memref<100000x128xf32, #tpu.memory_space<hbm>>) dst(%dma_wait3A_1226 : memref<72x128xf32, #tpu.memory_space<vmem>>)
      %mul3A_1231 = arith.constant 16 : i32
      %mul3A_1232 = arith.muli %add3A_1209, %mul3A_1231 : i32
      %multiple_of3A_1233 = tpu.assume_multiple %mul3A_1232, 8 : i32
      %get3A_1234 = arith.index_cast %multiple_of3A_1233 : i32 to index
      %get3A_1235 = tpu.vector_load %arg9[%get3A_1234] {strides = array<i32>} : memref<512xi32, #tpu.memory_space<vmem>>, vector<16xi32>,
      %get3A_1236 = arith.index_cast %multiple_of3A_1233 : i32 to index
      %get3A_1237 = tpu.vector_load %arg10[%get3A_1236] {strides = array<i32>} : memref<512xi32, #tpu.memory_space<vmem>>, vector<16xi32>,
      %broadcast_in_dim3A_1238 = arith.constant 0.000000e+00 : f32
      %broadcast_in_dim3A_1239 = vector.broadcast %broadcast_in_dim3A_1238 : f32 to vector<16xf32>
      %scan3A_1240 = arith.constant 0 : i32
      %scan3A_1241 = arith.constant 128 : i32
      %scan3A_1242 = arith.addi %scan3A_1240, %scan3A_1241 : i32
      %scan3A_1243 = arith.constant 1 : i32
      %scan3A_1244:8 = scf.for %scan3A_1567 = %scan3A_1240 to %scan3A_1242 step %scan3A_1243 iter_args(%scan3A_1568 = %broadcast_in_dim3A_1239, %scan3A_1569 = %broadcast_in_dim3A_1239, %scan3A_1570 = %broadcast_in_dim3A_1239, %scan3A_1571 = %broadcast_in_dim3A_1239, %scan3A_1572 = %broadcast_in_dim3A_1239, %scan3A_1573 = %broadcast_in_dim3A_1239, %scan3A_1574 = %broadcast_in_dim3A_1239, %scan3A_1575 = %broadcast_in_dim3A_1239) -> (vector<16xf32>, vector<16xf32>, vector<16xf32>, vector<16xf32>, vector<16xf32>, vector<16xf32>, vector<16xf32>, vector<16xf32>)  : i32 {
        %broadcast_in_dim3A_1576 = vector.broadcast %scan3A_1567 : i32 to vector<16xi32>
        %add3A_1577 = arith.addi %broadcast_in_dim3A_1576, %iota3A : vector<16xi32>
        %and3A = arith.constant 127 : i32
        %and3A_1578 = vector.broadcast %and3A : i32 to vector<16xi32>
        %and3A_1579 = arith.andi %add3A_1577, %and3A_1578 : vector<16xi32>
        %gather3A = tpu.vector_load_idx %arg15[%add3A_11, %and3A_1579] : memref<144x128xf32, #tpu.memory_space<vmem>>[vector<16xi32>, vector<16xi32>], vector<16xf32>,
        %gather3A_1580 = tpu.vector_load_idx %arg11[%get3A_1235, %and3A_1579] : memref<4x128xf32, #tpu.memory_space<vmem>>[vector<16xi32>, vector<16xi32>], vector<16xf32>,
        %gather3A_1581 = tpu.vector_load_idx %arg15[%add3A_17, %and3A_1579] : memref<144x128xf32, #tpu.memory_space<vmem>>[vector<16xi32>, vector<16xi32>], vector<16xf32>,
        %sub3A_1582 = arith.subf %gather3A, %gather3A_1581 : vector<16xf32>
        %mul3A_1583 = arith.mulf %gather3A_1580, %sub3A_1582 : vector<16xf32>
        %mul3A_1584 = arith.mulf %mul3A_1583, %sub3A_1582 : vector<16xf32>
        %add3A_1585 = arith.addf %scan3A_1568, %mul3A_1584 : vector<16xf32>
        %gather3A_1586 = tpu.vector_load_idx %arg15[%add3A_23, %and3A_1579] : memref<144x128xf32, #tpu.memory_space<vmem>>[vector<16xi32>, vector<16xi32>], vector<16xf32>,
        %sub3A_1587 = arith.subf %gather3A, %gather3A_1586 : vector<16xf32>
        %mul3A_1588 = arith.mulf %gather3A_1580, %sub3A_1587 : vector<16xf32>
        %mul3A_1589 = arith.mulf %mul3A_1588, %sub3A_1587 : vector<16xf32>
        %add3A_1590 = arith.addf %scan3A_1569, %mul3A_1589 : vector<16xf32>
        %gather3A_1591 = tpu.vector_load_idx %arg15[%add3A_29, %and3A_1579] : memref<144x128xf32, #tpu.memory_space<vmem>>[vector<16xi32>, vector<16xi32>], vector<16xf32>,
        %sub3A_1592 = arith.subf %gather3A, %gather3A_1591 : vector<16xf32>
        %mul3A_1593 = arith.mulf %gather3A_1580, %sub3A_1592 : vector<16xf32>
        %mul3A_1594 = arith.mulf %mul3A_1593, %sub3A_1592 : vector<16xf32>
        %add3A_1595 = arith.addf %scan3A_1570, %mul3A_1594 : vector<16xf32>
        %gather3A_1596 = tpu.vector_load_idx %arg15[%add3A_35, %and3A_1579] : memref<144x128xf32, #tpu.memory_space<vmem>>[vector<16xi32>, vector<16xi32>], vector<16xf32>,
        %sub3A_1597 = arith.subf %gather3A, %gather3A_1596 : vector<16xf32>
        %mul3A_1598 = arith.mulf %gather3A_1580, %sub3A_1597 : vector<16xf32>
        %mul3A_1599 = arith.mulf %mul3A_1598, %sub3A_1597 : vector<16xf32>
        %add3A_1600 = arith.addf %scan3A_1571, %mul3A_1599 : vector<16xf32>
        %gather3A_1601 = tpu.vector_load_idx %arg15[%add3A_41, %and3A_1579] : memref<144x128xf32, #tpu.memory_space<vmem>>[vector<16xi32>, vector<16xi32>], vector<16xf32>,
        %sub3A_1602 = arith.subf %gather3A, %gather3A_1601 : vector<16xf32>
        %mul3A_1603 = arith.mulf %gather3A_1580, %sub3A_1602 : vector<16xf32>
        %mul3A_1604 = arith.mulf %mul3A_1603, %sub3A_1602 : vector<16xf32>
        %add3A_1605 = arith.addf %scan3A_1572, %mul3A_1604 : vector<16xf32>
        %gather3A_1606 = tpu.vector_load_idx %arg15[%add3A_47, %and3A_1579] : memref<144x128xf32, #tpu.memory_space<vmem>>[vector<16xi32>, vector<16xi32>], vector<16xf32>,
        %sub3A_1607 = arith.subf %gather3A, %gather3A_1606 : vector<16xf32>
        %mul3A_1608 = arith.mulf %gather3A_1580, %sub3A_1607 : vector<16xf32>
        %mul3A_1609 = arith.mulf %mul3A_1608, %sub3A_1607 : vector<16xf32>
        %add3A_1610 = arith.addf %scan3A_1573, %mul3A_1609 : vector<16xf32>
        %gather3A_1611 = tpu.vector_load_idx %arg15[%add3A_53, %and3A_1579] : memref<144x128xf32, #tpu.memory_space<vmem>>[vector<16xi32>, vector<16xi32>], vector<16xf32>,
        %sub3A_1612 = arith.subf %gather3A, %gather3A_1611 : vector<16xf32>
        %mul3A_1613 = arith.mulf %gather3A_1580, %sub3A_1612 : vector<16xf32>
        %mul3A_1614 = arith.mulf %mul3A_1613, %sub3A_1612 : vector<16xf32>
        %add3A_1615 = arith.addf %scan3A_1574, %mul3A_1614 : vector<16xf32>
        %gather3A_1616 = tpu.vector_load_idx %arg15[%add3A_59, %and3A_1579] : memref<144x128xf32, #tpu.memory_space<vmem>>[vector<16xi32>, vector<16xi32>], vector<16xf32>,
        %sub3A_1617 = arith.subf %gather3A, %gather3A_1616 : vector<16xf32>
        %mul3A_1618 = arith.mulf %gather3A_1580, %sub3A_1617 : vector<16xf32>
        %mul3A_1619 = arith.mulf %mul3A_1618, %sub3A_1617 : vector<16xf32>
        %add3A_1620 = arith.addf %scan3A_1575, %mul3A_1619 : vector<16xf32>
        scf.yield %add3A_1585, %add3A_1590, %add3A_1595, %add3A_1600, %add3A_1605, %add3A_1610, %add3A_1615, %add3A_1620 : vector<16xf32>, vector<16xf32>, vector<16xf32>, vector<16xf32>, vector<16xf32>, vector<16xf32>, vector<16xf32>, vector<16xf32>
      }
      %scan3A_1245 = arith.constant 128 : i32
      %bitcast3A_1246 = vector.bitcast %scan3A_1244#0 : vector<16xf32> to vector<16xi32>
      %shift_right_arithmetic3A_1247 = arith.constant 1 : i32
      %shift_right_arithmetic3A_1248 = vector.broadcast %shift_right_arithmetic3A_1247 : i32 to vector<16xi32>
      %shift_right_arithmetic3A_1249 = arith.shrsi %bitcast3A_1246, %shift_right_arithmetic3A_1248 : vector<16xi32>
      %sub3A_1250 = arith.constant 1597463007 : i32
      %sub3A_1251 = vector.broadcast %sub3A_1250 : i32 to vector<16xi32>
      %sub3A_1252 = arith.subi %sub3A_1251, %shift_right_arithmetic3A_1249 : vector<16xi32>
      %bitcast3A_1253 = vector.bitcast %sub3A_1252 : vector<16xi32> to vector<16xf32>
      %mul3A_1254 = arith.constant 5.000000e-01 : f32
      %mul3A_1255 = vector.broadcast %mul3A_1254 : f32 to vector<16xf32>
      %mul3A_1256 = arith.mulf %mul3A_1255, %scan3A_1244#0 : vector<16xf32>
      %mul3A_1257 = arith.mulf %mul3A_1256, %bitcast3A_1253 : vector<16xf32>
      %mul3A_1258 = arith.mulf %mul3A_1257, %bitcast3A_1253 : vector<16xf32>
      %sub3A_1259 = arith.constant 1.500000e+00 : f32
      %sub3A_1260 = vector.broadcast %sub3A_1259 : f32 to vector<16xf32>
      %sub3A_1261 = arith.subf %sub3A_1260, %mul3A_1258 : vector<16xf32>
      %mul3A_1262 = arith.mulf %bitcast3A_1253, %sub3A_1261 : vector<16xf32>
      %mul3A_1263 = arith.mulf %mul3A_1256, %mul3A_1262 : vector<16xf32>
      %mul3A_1264 = arith.mulf %mul3A_1263, %mul3A_1262 : vector<16xf32>
      %sub3A_1265 = arith.constant 1.500000e+00 : f32
      %sub3A_1266 = vector.broadcast %sub3A_1265 : f32 to vector<16xf32>
      %sub3A_1267 = arith.subf %sub3A_1266, %mul3A_1264 : vector<16xf32>
      %mul3A_1268 = arith.mulf %mul3A_1262, %sub3A_1267 : vector<16xf32>
      %mul3A_1269 = arith.mulf %mul3A_1256, %mul3A_1268 : vector<16xf32>
      %mul3A_1270 = arith.mulf %mul3A_1269, %mul3A_1268 : vector<16xf32>
      %sub3A_1271 = arith.constant 1.500000e+00 : f32
      %sub3A_1272 = vector.broadcast %sub3A_1271 : f32 to vector<16xf32>
      %sub3A_1273 = arith.subf %sub3A_1272, %mul3A_1270 : vector<16xf32>
      %mul3A_1274 = arith.mulf %mul3A_1268, %sub3A_1273 : vector<16xf32>
      %mul3A_1275 = arith.mulf %scan3A_1244#0, %mul3A_1274 : vector<16xf32>
      %neg3A_1276 = arith.constant 0.000000e+00 : f32
      %neg3A_1277 = vector.broadcast %neg3A_1276 : f32 to vector<16xf32>
      %neg3A_1278 = arith.subf %neg3A_1277, %mul3A_1275 : vector<16xf32>
      %exp3A_1279 = math.exp %neg3A_1278 : vector<16xf32>
      %add3A_1280 = arith.constant 1.000000e-03 : f32
      %add3A_1281 = vector.broadcast %add3A_1280 : f32 to vector<16xf32>
      %add3A_1282 = arith.addf %exp3A_1279, %add3A_1281 : vector<16xf32>
      %bitcast3A_1283 = vector.bitcast %scan3A_1244#1 : vector<16xf32> to vector<16xi32>
      %shift_right_arithmetic3A_1284 = arith.constant 1 : i32
      %shift_right_arithmetic3A_1285 = vector.broadcast %shift_right_arithmetic3A_1284 : i32 to vector<16xi32>
      %shift_right_arithmetic3A_1286 = arith.shrsi %bitcast3A_1283, %shift_right_arithmetic3A_1285 : vector<16xi32>
      %sub3A_1287 = arith.constant 1597463007 : i32
      %sub3A_1288 = vector.broadcast %sub3A_1287 : i32 to vector<16xi32>
      %sub3A_1289 = arith.subi %sub3A_1288, %shift_right_arithmetic3A_1286 : vector<16xi32>
      %bitcast3A_1290 = vector.bitcast %sub3A_1289 : vector<16xi32> to vector<16xf32>
      %mul3A_1291 = arith.constant 5.000000e-01 : f32
      %mul3A_1292 = vector.broadcast %mul3A_1291 : f32 to vector<16xf32>
      %mul3A_1293 = arith.mulf %mul3A_1292, %scan3A_1244#1 : vector<16xf32>
      %mul3A_1294 = arith.mulf %mul3A_1293, %bitcast3A_1290 : vector<16xf32>
      %mul3A_1295 = arith.mulf %mul3A_1294, %bitcast3A_1290 : vector<16xf32>
      %sub3A_1296 = arith.constant 1.500000e+00 : f32
      %sub3A_1297 = vector.broadcast %sub3A_1296 : f32 to vector<16xf32>
      %sub3A_1298 = arith.subf %sub3A_1297, %mul3A_1295 : vector<16xf32>
      %mul3A_1299 = arith.mulf %bitcast3A_1290, %sub3A_1298 : vector<16xf32>
      %mul3A_1300 = arith.mulf %mul3A_1293, %mul3A_1299 : vector<16xf32>
      %mul3A_1301 = arith.mulf %mul3A_1300, %mul3A_1299 : vector<16xf32>
      %sub3A_1302 = arith.constant 1.500000e+00 : f32
      %sub3A_1303 = vector.broadcast %sub3A_1302 : f32 to vector<16xf32>
      %sub3A_1304 = arith.subf %sub3A_1303, %mul3A_1301 : vector<16xf32>
      %mul3A_1305 = arith.mulf %mul3A_1299, %sub3A_1304 : vector<16xf32>
      %mul3A_1306 = arith.mulf %mul3A_1293, %mul3A_1305 : vector<16xf32>
      %mul3A_1307 = arith.mulf %mul3A_1306, %mul3A_1305 : vector<16xf32>
      %sub3A_1308 = arith.constant 1.500000e+00 : f32
      %sub3A_1309 = vector.broadcast %sub3A_1308 : f32 to vector<16xf32>
      %sub3A_1310 = arith.subf %sub3A_1309, %mul3A_1307 : vector<16xf32>
      %mul3A_1311 = arith.mulf %mul3A_1305, %sub3A_1310 : vector<16xf32>
      %mul3A_1312 = arith.mulf %scan3A_1244#1, %mul3A_1311 : vector<16xf32>
      %neg3A_1313 = arith.constant 0.000000e+00 : f32
      %neg3A_1314 = vector.broadcast %neg3A_1313 : f32 to vector<16xf32>
      %neg3A_1315 = arith.subf %neg3A_1314, %mul3A_1312 : vector<16xf32>
      %exp3A_1316 = math.exp %neg3A_1315 : vector<16xf32>
      %add3A_1317 = arith.constant 1.000000e-03 : f32
      %add3A_1318 = vector.broadcast %add3A_1317 : f32 to vector<16xf32>
      %add3A_1319 = arith.addf %exp3A_1316, %add3A_1318 : vector<16xf32>
      %bitcast3A_1320 = vector.bitcast %scan3A_1244#2 : vector<16xf32> to vector<16xi32>
      %shift_right_arithmetic3A_1321 = arith.constant 1 : i32
      %shift_right_arithmetic3A_1322 = vector.broadcast %shift_right_arithmetic3A_1321 : i32 to vector<16xi32>
      %shift_right_arithmetic3A_1323 = arith.shrsi %bitcast3A_1320, %shift_right_arithmetic3A_1322 : vector<16xi32>
      %sub3A_1324 = arith.constant 1597463007 : i32
      %sub3A_1325 = vector.broadcast %sub3A_1324 : i32 to vector<16xi32>
      %sub3A_1326 = arith.subi %sub3A_1325, %shift_right_arithmetic3A_1323 : vector<16xi32>
      %bitcast3A_1327 = vector.bitcast %sub3A_1326 : vector<16xi32> to vector<16xf32>
      %mul3A_1328 = arith.constant 5.000000e-01 : f32
      %mul3A_1329 = vector.broadcast %mul3A_1328 : f32 to vector<16xf32>
      %mul3A_1330 = arith.mulf %mul3A_1329, %scan3A_1244#2 : vector<16xf32>
      %mul3A_1331 = arith.mulf %mul3A_1330, %bitcast3A_1327 : vector<16xf32>
      %mul3A_1332 = arith.mulf %mul3A_1331, %bitcast3A_1327 : vector<16xf32>
      %sub3A_1333 = arith.constant 1.500000e+00 : f32
      %sub3A_1334 = vector.broadcast %sub3A_1333 : f32 to vector<16xf32>
      %sub3A_1335 = arith.subf %sub3A_1334, %mul3A_1332 : vector<16xf32>
      %mul3A_1336 = arith.mulf %bitcast3A_1327, %sub3A_1335 : vector<16xf32>
      %mul3A_1337 = arith.mulf %mul3A_1330, %mul3A_1336 : vector<16xf32>
      %mul3A_1338 = arith.mulf %mul3A_1337, %mul3A_1336 : vector<16xf32>
      %sub3A_1339 = arith.constant 1.500000e+00 : f32
      %sub3A_1340 = vector.broadcast %sub3A_1339 : f32 to vector<16xf32>
      %sub3A_1341 = arith.subf %sub3A_1340, %mul3A_1338 : vector<16xf32>
      %mul3A_1342 = arith.mulf %mul3A_1336, %sub3A_1341 : vector<16xf32>
      %mul3A_1343 = arith.mulf %mul3A_1330, %mul3A_1342 : vector<16xf32>
      %mul3A_1344 = arith.mulf %mul3A_1343, %mul3A_1342 : vector<16xf32>
      %sub3A_1345 = arith.constant 1.500000e+00 : f32
      %sub3A_1346 = vector.broadcast %sub3A_1345 : f32 to vector<16xf32>
      %sub3A_1347 = arith.subf %sub3A_1346, %mul3A_1344 : vector<16xf32>
      %mul3A_1348 = arith.mulf %mul3A_1342, %sub3A_1347 : vector<16xf32>
      %mul3A_1349 = arith.mulf %scan3A_1244#2, %mul3A_1348 : vector<16xf32>
      %neg3A_1350 = arith.constant 0.000000e+00 : f32
      %neg3A_1351 = vector.broadcast %neg3A_1350 : f32 to vector<16xf32>
      %neg3A_1352 = arith.subf %neg3A_1351, %mul3A_1349 : vector<16xf32>
      %exp3A_1353 = math.exp %neg3A_1352 : vector<16xf32>
      %add3A_1354 = arith.constant 1.000000e-03 : f32
      %add3A_1355 = vector.broadcast %add3A_1354 : f32 to vector<16xf32>
      %add3A_1356 = arith.addf %exp3A_1353, %add3A_1355 : vector<16xf32>
      %bitcast3A_1357 = vector.bitcast %scan3A_1244#3 : vector<16xf32> to vector<16xi32>
      %shift_right_arithmetic3A_1358 = arith.constant 1 : i32
      %shift_right_arithmetic3A_1359 = vector.broadcast %shift_right_arithmetic3A_1358 : i32 to vector<16xi32>
      %shift_right_arithmetic3A_1360 = arith.shrsi %bitcast3A_1357, %shift_right_arithmetic3A_1359 : vector<16xi32>
      %sub3A_1361 = arith.constant 1597463007 : i32
      %sub3A_1362 = vector.broadcast %sub3A_1361 : i32 to vector<16xi32>
      %sub3A_1363 = arith.subi %sub3A_1362, %shift_right_arithmetic3A_1360 : vector<16xi32>
      %bitcast3A_1364 = vector.bitcast %sub3A_1363 : vector<16xi32> to vector<16xf32>
      %mul3A_1365 = arith.constant 5.000000e-01 : f32
      %mul3A_1366 = vector.broadcast %mul3A_1365 : f32 to vector<16xf32>
      %mul3A_1367 = arith.mulf %mul3A_1366, %scan3A_1244#3 : vector<16xf32>
      %mul3A_1368 = arith.mulf %mul3A_1367, %bitcast3A_1364 : vector<16xf32>
      %mul3A_1369 = arith.mulf %mul3A_1368, %bitcast3A_1364 : vector<16xf32>
      %sub3A_1370 = arith.constant 1.500000e+00 : f32
      %sub3A_1371 = vector.broadcast %sub3A_1370 : f32 to vector<16xf32>
      %sub3A_1372 = arith.subf %sub3A_1371, %mul3A_1369 : vector<16xf32>
      %mul3A_1373 = arith.mulf %bitcast3A_1364, %sub3A_1372 : vector<16xf32>
      %mul3A_1374 = arith.mulf %mul3A_1367, %mul3A_1373 : vector<16xf32>
      %mul3A_1375 = arith.mulf %mul3A_1374, %mul3A_1373 : vector<16xf32>
      %sub3A_1376 = arith.constant 1.500000e+00 : f32
      %sub3A_1377 = vector.broadcast %sub3A_1376 : f32 to vector<16xf32>
      %sub3A_1378 = arith.subf %sub3A_1377, %mul3A_1375 : vector<16xf32>
      %mul3A_1379 = arith.mulf %mul3A_1373, %sub3A_1378 : vector<16xf32>
      %mul3A_1380 = arith.mulf %mul3A_1367, %mul3A_1379 : vector<16xf32>
      %mul3A_1381 = arith.mulf %mul3A_1380, %mul3A_1379 : vector<16xf32>
      %sub3A_1382 = arith.constant 1.500000e+00 : f32
      %sub3A_1383 = vector.broadcast %sub3A_1382 : f32 to vector<16xf32>
      %sub3A_1384 = arith.subf %sub3A_1383, %mul3A_1381 : vector<16xf32>
      %mul3A_1385 = arith.mulf %mul3A_1379, %sub3A_1384 : vector<16xf32>
      %mul3A_1386 = arith.mulf %scan3A_1244#3, %mul3A_1385 : vector<16xf32>
      %neg3A_1387 = arith.constant 0.000000e+00 : f32
      %neg3A_1388 = vector.broadcast %neg3A_1387 : f32 to vector<16xf32>
      %neg3A_1389 = arith.subf %neg3A_1388, %mul3A_1386 : vector<16xf32>
      %exp3A_1390 = math.exp %neg3A_1389 : vector<16xf32>
      %add3A_1391 = arith.constant 1.000000e-03 : f32
      %add3A_1392 = vector.broadcast %add3A_1391 : f32 to vector<16xf32>
      %add3A_1393 = arith.addf %exp3A_1390, %add3A_1392 : vector<16xf32>
      %bitcast3A_1394 = vector.bitcast %scan3A_1244#4 : vector<16xf32> to vector<16xi32>
      %shift_right_arithmetic3A_1395 = arith.constant 1 : i32
      %shift_right_arithmetic3A_1396 = vector.broadcast %shift_right_arithmetic3A_1395 : i32 to vector<16xi32>
      %shift_right_arithmetic3A_1397 = arith.shrsi %bitcast3A_1394, %shift_right_arithmetic3A_1396 : vector<16xi32>
      %sub3A_1398 = arith.constant 1597463007 : i32
      %sub3A_1399 = vector.broadcast %sub3A_1398 : i32 to vector<16xi32>
      %sub3A_1400 = arith.subi %sub3A_1399, %shift_right_arithmetic3A_1397 : vector<16xi32>
      %bitcast3A_1401 = vector.bitcast %sub3A_1400 : vector<16xi32> to vector<16xf32>
      %mul3A_1402 = arith.constant 5.000000e-01 : f32
      %mul3A_1403 = vector.broadcast %mul3A_1402 : f32 to vector<16xf32>
      %mul3A_1404 = arith.mulf %mul3A_1403, %scan3A_1244#4 : vector<16xf32>
      %mul3A_1405 = arith.mulf %mul3A_1404, %bitcast3A_1401 : vector<16xf32>
      %mul3A_1406 = arith.mulf %mul3A_1405, %bitcast3A_1401 : vector<16xf32>
      %sub3A_1407 = arith.constant 1.500000e+00 : f32
      %sub3A_1408 = vector.broadcast %sub3A_1407 : f32 to vector<16xf32>
      %sub3A_1409 = arith.subf %sub3A_1408, %mul3A_1406 : vector<16xf32>
      %mul3A_1410 = arith.mulf %bitcast3A_1401, %sub3A_1409 : vector<16xf32>
      %mul3A_1411 = arith.mulf %mul3A_1404, %mul3A_1410 : vector<16xf32>
      %mul3A_1412 = arith.mulf %mul3A_1411, %mul3A_1410 : vector<16xf32>
      %sub3A_1413 = arith.constant 1.500000e+00 : f32
      %sub3A_1414 = vector.broadcast %sub3A_1413 : f32 to vector<16xf32>
      %sub3A_1415 = arith.subf %sub3A_1414, %mul3A_1412 : vector<16xf32>
      %mul3A_1416 = arith.mulf %mul3A_1410, %sub3A_1415 : vector<16xf32>
      %mul3A_1417 = arith.mulf %mul3A_1404, %mul3A_1416 : vector<16xf32>
      %mul3A_1418 = arith.mulf %mul3A_1417, %mul3A_1416 : vector<16xf32>
      %sub3A_1419 = arith.constant 1.500000e+00 : f32
      %sub3A_1420 = vector.broadcast %sub3A_1419 : f32 to vector<16xf32>
      %sub3A_1421 = arith.subf %sub3A_1420, %mul3A_1418 : vector<16xf32>
      %mul3A_1422 = arith.mulf %mul3A_1416, %sub3A_1421 : vector<16xf32>
      %mul3A_1423 = arith.mulf %scan3A_1244#4, %mul3A_1422 : vector<16xf32>
      %neg3A_1424 = arith.constant 0.000000e+00 : f32
      %neg3A_1425 = vector.broadcast %neg3A_1424 : f32 to vector<16xf32>
      %neg3A_1426 = arith.subf %neg3A_1425, %mul3A_1423 : vector<16xf32>
      %exp3A_1427 = math.exp %neg3A_1426 : vector<16xf32>
      %add3A_1428 = arith.constant 1.000000e-03 : f32
      %add3A_1429 = vector.broadcast %add3A_1428 : f32 to vector<16xf32>
      %add3A_1430 = arith.addf %exp3A_1427, %add3A_1429 : vector<16xf32>
      %bitcast3A_1431 = vector.bitcast %scan3A_1244#5 : vector<16xf32> to vector<16xi32>
      %shift_right_arithmetic3A_1432 = arith.constant 1 : i32
      %shift_right_arithmetic3A_1433 = vector.broadcast %shift_right_arithmetic3A_1432 : i32 to vector<16xi32>
      %shift_right_arithmetic3A_1434 = arith.shrsi %bitcast3A_1431, %shift_right_arithmetic3A_1433 : vector<16xi32>
      %sub3A_1435 = arith.constant 1597463007 : i32
      %sub3A_1436 = vector.broadcast %sub3A_1435 : i32 to vector<16xi32>
      %sub3A_1437 = arith.subi %sub3A_1436, %shift_right_arithmetic3A_1434 : vector<16xi32>
      %bitcast3A_1438 = vector.bitcast %sub3A_1437 : vector<16xi32> to vector<16xf32>
      %mul3A_1439 = arith.constant 5.000000e-01 : f32
      %mul3A_1440 = vector.broadcast %mul3A_1439 : f32 to vector<16xf32>
      %mul3A_1441 = arith.mulf %mul3A_1440, %scan3A_1244#5 : vector<16xf32>
      %mul3A_1442 = arith.mulf %mul3A_1441, %bitcast3A_1438 : vector<16xf32>
      %mul3A_1443 = arith.mulf %mul3A_1442, %bitcast3A_1438 : vector<16xf32>
      %sub3A_1444 = arith.constant 1.500000e+00 : f32
      %sub3A_1445 = vector.broadcast %sub3A_1444 : f32 to vector<16xf32>
      %sub3A_1446 = arith.subf %sub3A_1445, %mul3A_1443 : vector<16xf32>
      %mul3A_1447 = arith.mulf %bitcast3A_1438, %sub3A_1446 : vector<16xf32>
      %mul3A_1448 = arith.mulf %mul3A_1441, %mul3A_1447 : vector<16xf32>
      %mul3A_1449 = arith.mulf %mul3A_1448, %mul3A_1447 : vector<16xf32>
      %sub3A_1450 = arith.constant 1.500000e+00 : f32
      %sub3A_1451 = vector.broadcast %sub3A_1450 : f32 to vector<16xf32>
      %sub3A_1452 = arith.subf %sub3A_1451, %mul3A_1449 : vector<16xf32>
      %mul3A_1453 = arith.mulf %mul3A_1447, %sub3A_1452 : vector<16xf32>
      %mul3A_1454 = arith.mulf %mul3A_1441, %mul3A_1453 : vector<16xf32>
      %mul3A_1455 = arith.mulf %mul3A_1454, %mul3A_1453 : vector<16xf32>
      %sub3A_1456 = arith.constant 1.500000e+00 : f32
      %sub3A_1457 = vector.broadcast %sub3A_1456 : f32 to vector<16xf32>
      %sub3A_1458 = arith.subf %sub3A_1457, %mul3A_1455 : vector<16xf32>
      %mul3A_1459 = arith.mulf %mul3A_1453, %sub3A_1458 : vector<16xf32>
      %mul3A_1460 = arith.mulf %scan3A_1244#5, %mul3A_1459 : vector<16xf32>
      %neg3A_1461 = arith.constant 0.000000e+00 : f32
      %neg3A_1462 = vector.broadcast %neg3A_1461 : f32 to vector<16xf32>
      %neg3A_1463 = arith.subf %neg3A_1462, %mul3A_1460 : vector<16xf32>
      %exp3A_1464 = math.exp %neg3A_1463 : vector<16xf32>
      %add3A_1465 = arith.constant 1.000000e-03 : f32
      %add3A_1466 = vector.broadcast %add3A_1465 : f32 to vector<16xf32>
      %add3A_1467 = arith.addf %exp3A_1464, %add3A_1466 : vector<16xf32>
      %bitcast3A_1468 = vector.bitcast %scan3A_1244#6 : vector<16xf32> to vector<16xi32>
      %shift_right_arithmetic3A_1469 = arith.constant 1 : i32
      %shift_right_arithmetic3A_1470 = vector.broadcast %shift_right_arithmetic3A_1469 : i32 to vector<16xi32>
      %shift_right_arithmetic3A_1471 = arith.shrsi %bitcast3A_1468, %shift_right_arithmetic3A_1470 : vector<16xi32>
      %sub3A_1472 = arith.constant 1597463007 : i32
      %sub3A_1473 = vector.broadcast %sub3A_1472 : i32 to vector<16xi32>
      %sub3A_1474 = arith.subi %sub3A_1473, %shift_right_arithmetic3A_1471 : vector<16xi32>
      %bitcast3A_1475 = vector.bitcast %sub3A_1474 : vector<16xi32> to vector<16xf32>
      %mul3A_1476 = arith.constant 5.000000e-01 : f32
      %mul3A_1477 = vector.broadcast %mul3A_1476 : f32 to vector<16xf32>
      %mul3A_1478 = arith.mulf %mul3A_1477, %scan3A_1244#6 : vector<16xf32>
      %mul3A_1479 = arith.mulf %mul3A_1478, %bitcast3A_1475 : vector<16xf32>
      %mul3A_1480 = arith.mulf %mul3A_1479, %bitcast3A_1475 : vector<16xf32>
      %sub3A_1481 = arith.constant 1.500000e+00 : f32
      %sub3A_1482 = vector.broadcast %sub3A_1481 : f32 to vector<16xf32>
      %sub3A_1483 = arith.subf %sub3A_1482, %mul3A_1480 : vector<16xf32>
      %mul3A_1484 = arith.mulf %bitcast3A_1475, %sub3A_1483 : vector<16xf32>
      %mul3A_1485 = arith.mulf %mul3A_1478, %mul3A_1484 : vector<16xf32>
      %mul3A_1486 = arith.mulf %mul3A_1485, %mul3A_1484 : vector<16xf32>
      %sub3A_1487 = arith.constant 1.500000e+00 : f32
      %sub3A_1488 = vector.broadcast %sub3A_1487 : f32 to vector<16xf32>
      %sub3A_1489 = arith.subf %sub3A_1488, %mul3A_1486 : vector<16xf32>
      %mul3A_1490 = arith.mulf %mul3A_1484, %sub3A_1489 : vector<16xf32>
      %mul3A_1491 = arith.mulf %mul3A_1478, %mul3A_1490 : vector<16xf32>
      %mul3A_1492 = arith.mulf %mul3A_1491, %mul3A_1490 : vector<16xf32>
      %sub3A_1493 = arith.constant 1.500000e+00 : f32
      %sub3A_1494 = vector.broadcast %sub3A_1493 : f32 to vector<16xf32>
      %sub3A_1495 = arith.subf %sub3A_1494, %mul3A_1492 : vector<16xf32>
      %mul3A_1496 = arith.mulf %mul3A_1490, %sub3A_1495 : vector<16xf32>
      %mul3A_1497 = arith.mulf %scan3A_1244#6, %mul3A_1496 : vector<16xf32>
      %neg3A_1498 = arith.constant 0.000000e+00 : f32
      %neg3A_1499 = vector.broadcast %neg3A_1498 : f32 to vector<16xf32>
      %neg3A_1500 = arith.subf %neg3A_1499, %mul3A_1497 : vector<16xf32>
      %exp3A_1501 = math.exp %neg3A_1500 : vector<16xf32>
      %add3A_1502 = arith.constant 1.000000e-03 : f32
      %add3A_1503 = vector.broadcast %add3A_1502 : f32 to vector<16xf32>
      %add3A_1504 = arith.addf %exp3A_1501, %add3A_1503 : vector<16xf32>
      %bitcast3A_1505 = vector.bitcast %scan3A_1244#7 : vector<16xf32> to vector<16xi32>
      %shift_right_arithmetic3A_1506 = arith.constant 1 : i32
      %shift_right_arithmetic3A_1507 = vector.broadcast %shift_right_arithmetic3A_1506 : i32 to vector<16xi32>
      %shift_right_arithmetic3A_1508 = arith.shrsi %bitcast3A_1505, %shift_right_arithmetic3A_1507 : vector<16xi32>
      %sub3A_1509 = arith.constant 1597463007 : i32
      %sub3A_1510 = vector.broadcast %sub3A_1509 : i32 to vector<16xi32>
      %sub3A_1511 = arith.subi %sub3A_1510, %shift_right_arithmetic3A_1508 : vector<16xi32>
      %bitcast3A_1512 = vector.bitcast %sub3A_1511 : vector<16xi32> to vector<16xf32>
      %mul3A_1513 = arith.constant 5.000000e-01 : f32
      %mul3A_1514 = vector.broadcast %mul3A_1513 : f32 to vector<16xf32>
      %mul3A_1515 = arith.mulf %mul3A_1514, %scan3A_1244#7 : vector<16xf32>
      %mul3A_1516 = arith.mulf %mul3A_1515, %bitcast3A_1512 : vector<16xf32>
      %mul3A_1517 = arith.mulf %mul3A_1516, %bitcast3A_1512 : vector<16xf32>
      %sub3A_1518 = arith.constant 1.500000e+00 : f32
      %sub3A_1519 = vector.broadcast %sub3A_1518 : f32 to vector<16xf32>
      %sub3A_1520 = arith.subf %sub3A_1519, %mul3A_1517 : vector<16xf32>
      %mul3A_1521 = arith.mulf %bitcast3A_1512, %sub3A_1520 : vector<16xf32>
      %mul3A_1522 = arith.mulf %mul3A_1515, %mul3A_1521 : vector<16xf32>
      %mul3A_1523 = arith.mulf %mul3A_1522, %mul3A_1521 : vector<16xf32>
      %sub3A_1524 = arith.constant 1.500000e+00 : f32
      %sub3A_1525 = vector.broadcast %sub3A_1524 : f32 to vector<16xf32>
      %sub3A_1526 = arith.subf %sub3A_1525, %mul3A_1523 : vector<16xf32>
      %mul3A_1527 = arith.mulf %mul3A_1521, %sub3A_1526 : vector<16xf32>
      %mul3A_1528 = arith.mulf %mul3A_1515, %mul3A_1527 : vector<16xf32>
      %mul3A_1529 = arith.mulf %mul3A_1528, %mul3A_1527 : vector<16xf32>
      %sub3A_1530 = arith.constant 1.500000e+00 : f32
      %sub3A_1531 = vector.broadcast %sub3A_1530 : f32 to vector<16xf32>
      %sub3A_1532 = arith.subf %sub3A_1531, %mul3A_1529 : vector<16xf32>
      %mul3A_1533 = arith.mulf %mul3A_1527, %sub3A_1532 : vector<16xf32>
      %mul3A_1534 = arith.mulf %scan3A_1244#7, %mul3A_1533 : vector<16xf32>
      %neg3A_1535 = arith.constant 0.000000e+00 : f32
      %neg3A_1536 = vector.broadcast %neg3A_1535 : f32 to vector<16xf32>
      %neg3A_1537 = arith.subf %neg3A_1536, %mul3A_1534 : vector<16xf32>
      %exp3A_1538 = math.exp %neg3A_1537 : vector<16xf32>
      %add3A_1539 = arith.constant 1.000000e-03 : f32
      %add3A_1540 = vector.broadcast %add3A_1539 : f32 to vector<16xf32>
      %add3A_1541 = arith.addf %exp3A_1538, %add3A_1540 : vector<16xf32>
      %add3A_1542 = arith.addf %add3A_1282, %add3A_1319 : vector<16xf32>
      %add3A_1543 = arith.addf %add3A_1542, %add3A_1356 : vector<16xf32>
      %add3A_1544 = arith.addf %add3A_1543, %add3A_1393 : vector<16xf32>
      %add3A_1545 = arith.addf %add3A_1544, %add3A_1430 : vector<16xf32>
      %add3A_1546 = arith.addf %add3A_1545, %add3A_1467 : vector<16xf32>
      %add3A_1547 = arith.addf %add3A_1546, %add3A_1504 : vector<16xf32>
      %add3A_1548 = arith.addf %add3A_1547, %add3A_1541 : vector<16xf32>
      %div3A_1549 = arith.divf %add3A_1282, %add3A_1548 : vector<16xf32>
      %mul3A_1550 = arith.mulf %div3A_1549, %add3A_1319 : vector<16xf32>
      %sub3A_1551 = arith.subf %add3A_1548, %add3A_1282 : vector<16xf32>
      %div3A_1552 = arith.divf %mul3A_1550, %sub3A_1551 : vector<16xf32>
      %eq3A_1553 = arith.constant 1 : i32
      %eq3A_1554 = vector.broadcast %eq3A_1553 : i32 to vector<16xi32>
      %eq3A_1555 = arith.cmpi eq, %get3A_1237, %eq3A_1554 : vector<16xi32>
      %select_n3A_1556 = arith.select %eq3A_1555, %div3A_1552, %div3A_1549 : vector<16xi1>, vector<16xf32>
      %swap3A_1557 = arith.index_cast %multiple_of3A_1233 : i32 to index
      %swap3A_1558 = tpu.vector_load %arg16[%swap3A_1557] {strides = array<i32>} : memref<512xf32, #tpu.memory_space<vmem>>, vector<16xf32>,
      tpu.vector_store %arg16[%swap3A_1557], %select_n3A_1556 {strides = array<i32>} : memref<512xf32, #tpu.memory_space<vmem>>, vector<16xf32>,
      %add3A_1559 = arith.constant 4 : i32
      %add3A_1560 = arith.addi %add3A_1209, %add3A_1559 : i32
      %lt3A_1561 = arith.constant 32 : i32
      %lt3A_1562 = arith.cmpi slt, %add3A_1560, %lt3A_1561 : i32
      %convert_element_type3A_1563 = arith.extui %lt3A_1562 : i1 to i32
      %cond3A_1564 = arith.constant 0 : i32
      %cond3A_1565 = arith.cmpi ne, %convert_element_type3A_1563, %cond3A_1564 : i32
      scf.if %cond3A_1565 {
        %add3A_1567 = arith.constant 4 : i32
        %add3A_1568 = arith.addi %add3A_1209, %add3A_1567 : i32
        %mul3A_1569 = arith.constant 144 : i32
        %mul3A_1570 = arith.muli %add3A_1568, %mul3A_1569 : i32
        %multiple_of3A_1571 = tpu.assume_multiple %mul3A_1570, 8 : i32
        %add3A_1572 = arith.constant 0 : i32
        %add3A_1573 = arith.addi %multiple_of3A_1571, %add3A_1572 : i32
        %add3A_1574 = arith.constant 72 : i32
        %add3A_1575 = arith.addi %multiple_of3A_1571, %add3A_1574 : i32
        %dma_start3A_1576 = arith.constant 0 : i32
        %dma_start3A_1577 = arith.constant 0 : i32
        %dma_start3A_1578 = tpu.memref_slice %arg15[%dma_start3A_1576, %dma_start3A_1577] : memref<144x128xf32, #tpu.memory_space<vmem>> -> memref<72x128xf32, #tpu.memory_space<vmem>>
        %dma_start3A_1579 = tpu.memref_slice %arg8[%add3A_1573] : memref<4608xi32, #tpu.memory_space<vmem>> -> memref<72xi32, #tpu.memory_space<vmem>>
        %dma_start3A_1580 = arith.constant 0 : i32
        %dma_start3A_1581 = arith.constant 0 : i32
        %dma_start3A_1582 = tpu.memref_slice %arg6[%dma_start3A_1580, %dma_start3A_1581] : memref<100000x128xf32, #tpu.memory_space<hbm>> -> memref<100000x128xf32, #tpu.memory_space<hbm>>
        tpu.enqueue_indirect_dma source(%dma_start3A_1582 : memref<100000x128xf32, #tpu.memory_space<hbm>>) target(%dma_start3A_1578 : memref<72x128xf32, #tpu.memory_space<vmem>>) offsets(%dma_start3A_1579 : memref<72xi32, #tpu.memory_space<vmem>>) semaphore(%arg20 : memref<!tpu.dma_semaphore, #tpu.memory_space<semaphore_mem>>)
        %dma_start3A_1583 = arith.constant 72 : i32
        %dma_start3A_1584 = arith.constant 0 : i32
        %dma_start3A_1585 = tpu.memref_slice %arg15[%dma_start3A_1583, %dma_start3A_1584] : memref<144x128xf32, #tpu.memory_space<vmem>> -> memref<72x128xf32, #tpu.memory_space<vmem>>
        %dma_start3A_1586 = tpu.memref_slice %arg8[%add3A_1575] : memref<4608xi32, #tpu.memory_space<vmem>> -> memref<72xi32, #tpu.memory_space<vmem>>
        %dma_start3A_1587 = arith.constant 0 : i32
        %dma_start3A_1588 = arith.constant 0 : i32
        %dma_start3A_1589 = tpu.memref_slice %arg6[%dma_start3A_1587, %dma_start3A_1588] : memref<100000x128xf32, #tpu.memory_space<hbm>> -> memref<100000x128xf32, #tpu.memory_space<hbm>>
        tpu.enqueue_indirect_dma source(%dma_start3A_1589 : memref<100000x128xf32, #tpu.memory_space<hbm>>) target(%dma_start3A_1585 : memref<72x128xf32, #tpu.memory_space<vmem>>) offsets(%dma_start3A_1586 : memref<72xi32, #tpu.memory_space<vmem>>) semaphore(%arg20 : memref<!tpu.dma_semaphore, #tpu.memory_space<semaphore_mem>>)
      } else {
      }
      %scan3A_1566 = arith.constant 0 : i32
      scf.yield %scan3A_1566 : i32
    }
    %scan3A_144 = arith.constant 8 : i32
    "tpu.region"() ({
      %run_scoped3A = tpu.sem_alloc : memref<!tpu.dma_semaphore, #tpu.memory_space<semaphore_mem>>
      %dma_start3A_145 = tpu.memref_slice %arg7[%multiple_of3A] : memref<16384xf32, #tpu.memory_space<hbm>> -> memref<512xf32, #tpu.memory_space<hbm>>
      %dma_start3A_146 = tpu.memref_slice %arg7[%multiple_of3A] : memref<16384xf32, #tpu.memory_space<hbm>> -> memref<512xf32, #tpu.memory_space<hbm>>
      tpu.enqueue_dma source(%arg16 : memref<512xf32, #tpu.memory_space<vmem>>) target(%dma_start3A_146 : memref<512xf32, #tpu.memory_space<hbm>>) target_semaphore(%run_scoped3A : memref<!tpu.dma_semaphore, #tpu.memory_space<semaphore_mem>>)
      %dma_wait3A = tpu.memref_slice %arg7[%multiple_of3A] : memref<16384xf32, #tpu.memory_space<hbm>> -> memref<512xf32, #tpu.memory_space<hbm>>
      %dma_wait3A_147 = tpu.memref_slice %arg7[%multiple_of3A] : memref<16384xf32, #tpu.memory_space<hbm>> -> memref<512xf32, #tpu.memory_space<hbm>>
      tpu.wait_dma2 semaphore(%run_scoped3A : memref<!tpu.dma_semaphore, #tpu.memory_space<semaphore_mem>>) src(%arg16 : memref<512xf32, #tpu.memory_space<vmem>>) dst(%dma_wait3A_147 : memref<512xf32, #tpu.memory_space<hbm>>)
      tpu.yield
    }) : () -> ()
    return
  }
}

</mosaic_0001>

<sc_bundles>
// kernel: kernel.3.cloned.1.call-start
scs
__scs_entry_jumppad:
0x0: {  	(pc) =	sbr.rel $0x88, $3  }
0x1: {  	(tag) =	ssettag $0x0;
	lr =	simm.s32 $0x1  }
0x2: {  	[smem:$0x3F9C] =	sst lr;
	_ =	strace $0xD0000000  }
0x3: {  	_ = 	snop  }
0x4: {  	_ = 	snop  }
0x5: {  	_ = 	snop  }
0x6: {  	_ = 	snop  }
0x7: {  	_ = 	snop  }
__scs_overlays_trampoline_lowered:
0x8: {  	[smem:$0x3FAB] =	sst s0  }
0x9: {  	[smem:$0x3FAC] =	sst s1  }
0xa: {  	[smem:$0x3FAD] =	sst s2  }
0xb: {  	[smem:$0x3FAE] =	sst s3  }
0xc: {  	[smem:$0x3FAF] =	sst s4  }
0xd: {  	[smem:$0x3FB0] =	sst s5  }
0xe: {  	[smem:$0x3FB1] =	sst s6  }
0xf: {  	[smem:$0x3FB2] =	sst s7  }
0x10: {  	[smem:$0x3FB3] =	sst s8  }
0x11: {  	[smem:$0x3FB4] =	sst s9;
	s0 =	simm.s32 @!p0 $0x0  }
0x12: {  	s1 =	sld [smem:$0x3F9A];
	s0 =	simm.s32 @p0 $0x1  }
0x13: {  	[smem:$0x3FB5] =	sst s0;
	s0 =	simm.s32 @!p1 $0x0  }
0x14: {  	s2 =	sld [smem:$0x3F99];
	s0 =	simm.s32 @p1 $0x1  }
0x15: {  	[smem:$0x3FB6] =	sst s0;
	s0 =	simm.s32 @!p2 $0x0  }
0x16: {  	s3 =	sld [smem:$0x3FDB];
	s0 =	simm.s32 @p2 $0x1  }
0x17: {  	s4 =	simm.s32 $0x1BF5;
	[smem:$0x3FB8] =	sst s0  }
0x18: {  	s0 =	sld [smem:$0x3F9B];
	_ =	swait.ge [sflag:s4], $0x0  }
0x19: {  	s7 =	sld [smem:$0x3F9C]  }
0x1a: {  	s8 =	sadd.s32 $0xFFFFE003, lr  }
0x1b: {  	s9 =	sadd.s32 $0xFFFFFEF7, lr;
	s5 =	simm.s32 $0xFFFFFFFF;
	p2 =	slt.u32 s8, $0xFFFFF086  }
0x1c: {  	p1 =	slt.u32 s9, $0xF7A;
	s5 =	simm.s32 @!p2 $0x0  }
0x1d: {  	s5 =	simm.s32 @p1 $0x1;
	p0 =	seq.s32 s7, s2  }
0x1e: {  	s7 =	smul.u32 @!p0 $0xF7A, s2;
	p2 =	seq.s32 @!p0 s5, $0x0  }
0x1f: {  	s9 =	smul.u32 $0xF7A, s1;
	s8 =	simm.s32 @!p0 $0x1BF5;
	p2 =	por !p2, p0  }
0x20: {  	[sflag:s8] =	ssyncset.s32 @!p0 $0xFFFFF086;
	s6 =	sadd.s32 @!p0 s3, s7;
	s7 =	simm.s32 @!p0 $0x108  }
0x21: {  	s3 =	sadd.s32 s3, s9;
	s6 =	sadd.s32 @!p0 $0x88, s6;
	s7 =	simm.s32 @p2 $0x1082  }
0x22: {  	[simem:s7], [sflag:s8] =	dma.local @!p0 [hbm:s6], $0xF7A  }
0x23: {  	s9 =	sor.u32 $0xD0000000, s2;
	s6 =	simm.s32 $0x108;
	_ =	swait.ge @!p0 [sflag:s8], $0x0  }
0x24: {  	s3 =	sadd.s32 $0x88, s3;
	s6 =	simm.s32 @!p1 $0x1082;
	[sflag:s4] =	ssyncset.s32 $0xFFFFF086  }
0x25: {  	[simem:s6], [sflag:s4] =	dma.local [hbm:s3], $0xF7A  }
0x26: {  	[smem:$0x3F9C] =	sst s1;
	(tag) =	ssettag s2;
	_ =	strace s9  }
0x27: {  	s1 =	sld [smem:$0x3FAC]  }
0x28: {  	s2 =	sld [smem:$0x3FAD]  }
0x29: {  	s4 =	sld [smem:$0x3FAF]  }
0x2a: {  	p0 =	seq.s32 s5, $0x0;
	s5 =	sld [smem:$0x3FB0]  }
0x2b: {  	s6 =	sld [smem:$0x3FB1]  }
0x2c: {  	s7 =	sld [smem:$0x3FB2]  }
0x2d: {  	s3 =	simm.s32 $0x108;
	s8 =	sld [smem:$0x3FB3]  }
0x2e: {  	s3 =	simm.s32 @!p0 $0x1082;
	s9 =	sld [smem:$0x3FB4]  }
0x2f: {  	lr =	sadd.s32 s0, s3;
	s0 =	sld [smem:$0x3FAB]  }
0x30: {  	s3 =	sld [smem:$0x3FAE]  }
0x31: {  	[smem:$0x3FB7] =	sst s10  }
0x32: {  	s10 =	sld [smem:$0x3FB5];
	_ =	sdelay $0x3  }
0x33: {  	p0 =	seq.s32 s10, $0x1;
	s10 =	sld [smem:$0x3FB7];
	_ =	sdelay $0x3  }
0x34: {  	[smem:$0x3FB7] =	sst s10  }
0x35: {  	s10 =	sld [smem:$0x3FB6];
	_ =	sdelay $0x3  }
0x36: {  	p1 =	seq.s32 s10, $0x1;
	s10 =	sld [smem:$0x3FB7];
	_ =	sdelay $0x3  }
0x37: {  	[smem:$0x3FB7] =	sst s10  }
0x38: {  	s10 =	sld [smem:$0x3FB8]  }
0x39: {  	_ = 	snop;
	(pc) =	sbr.ind lr, $3  }
0x3a: {  	_ = 	snop  }
0x3b: {  	_ = 	snop  }
0x3c: {  	p2 =	seq.s32 s10, $0x1;
	s10 =	sld [smem:$0x3FB7]  }
0x3d: {  	_ =	shalt  }
0x3e: {  	_ =	shalt  }
0x3f: {  	_ =	shalt  }
0x40: {  	_ =	shalt  }
0x41: {  	_ =	shalt  }
0x42: {  	_ =	shalt  }
0x43: {  	_ =	shalt  }
0x44: {  	_ =	shalt  }
0x45: {  	_ =	shalt  }
0x46: {  	_ =	shalt  }
0x47: {  	_ =	shalt  }
0x48: {  	_ =	shalt  }
0x49: {  	_ =	shalt  }
0x4a: {  	_ =	shalt  }
0x4b: {  	_ =	shalt  }
0x4c: {  	_ =	shalt  }
0x4d: {  	_ =	shalt  }
0x4e: {  	_ =	shalt  }
0x4f: {  	_ =	shalt  }
0x50: {  	_ =	shalt  }
0x51: {  	_ =	shalt  }
0x52: {  	_ =	shalt  }
0x53: {  	_ =	shalt  }
0x54: {  	_ =	shalt  }
0x55: {  	_ =	shalt  }
0x56: {  	_ =	shalt  }
0x57: {  	_ =	shalt  }
0x58: {  	_ =	shalt  }
0x59: {  	_ =	shalt  }
0x5a: {  	_ =	shalt  }
0x5b: {  	_ =	shalt  }
0x5c: {  	_ =	shalt  }
0x5d: {  	_ =	shalt  }
0x5e: {  	_ =	shalt  }
0x5f: {  	_ =	shalt  }
0x60: {  	_ =	shalt  }
0x61: {  	_ =	shalt  }
0x62: {  	_ =	shalt  }
0x63: {  	_ =	shalt  }
0x64: {  	_ =	shalt  }
0x65: {  	_ =	shalt  }
0x66: {  	_ =	shalt  }
0x67: {  	_ =	shalt  }
0x68: {  	_ =	shalt  }
0x69: {  	_ =	shalt  }
0x6a: {  	_ =	shalt  }
0x6b: {  	_ =	shalt  }
0x6c: {  	_ =	shalt  }
0x6d: {  	_ =	shalt  }
0x6e: {  	_ =	shalt  }
0x6f: {  	_ =	shalt  }
0x70: {  	_ =	shalt  }
0x71: {  	_ =	shalt  }
0x72: {  	_ =	shalt  }
0x73: {  	_ =	shalt  }
0x74: {  	_ =	shalt  }
0x75: {  	_ =	shalt  }
0x76: {  	_ =	shalt  }
0x77: {  	_ =	shalt  }
0x78: {  	_ =	shalt  }
0x79: {  	_ =	shalt  }
0x7a: {  	_ =	shalt  }
0x7b: {  	_ =	shalt  }
0x7c: {  	_ =	shalt  }
0x7d: {  	_ =	shalt  }
0x7e: {  	_ =	shalt  }
0x7f: {  	_ =	shalt  }
0x80: {  	_ =	shalt  }
0x81: {  	_ =	shalt  }
0x82: {  	_ =	shalt  }
0x83: {  	_ =	shalt  }
0x84: {  	_ =	shalt  }
0x85: {  	_ =	shalt  }
0x86: {  	_ =	shalt  }
0x87: {  	_ =	shalt  }
.Lfunc_end0:
.L_simem_size_0:
called_computation_lowered:
.L_overlay_start_0:
0x88: {  	s2 =	sld [smem:$0x3FD9]  }
0x89: {  	s3 =	sld [smem:$0x3FFE];
	_ =	sdelay $0x1  }
0x8a: {  	s1 =	srdreg.scid  }
0x8b: {  	s0 =	sand.u32 $0x1, s1  }
0x8c: {  	s17 =	sshll.u32 s0, $0xA;
	s2 =	sadd.s32 s3, s2  }
0x8d: {  	s2 =	sadd.s32 s2, s17  }
0x8e: {  	[smem:$0x3FC3] =	sst s2  }
0x8f: {  	_ = 	snop  }
0x90: {  	s2 =	sld [smem:$0x3FC8]  }
0x91: {  	s18 =	sld [smem:$0x3FC7]  }
0x92: {  	s4 =	sld [smem:$0x3FC6]  }
0x93: {  	s5 =	sld [smem:$0x3FC5]  }
0x94: {  	s6 =	sld [smem:$0x3FD0];
	(tm) =	ssettm $0x1  }
0x95: {  	s7 =	sld [smem:$0x3FFB];
	_ =	sdelay $0x3  }
0x96: {  	_ =	strace s7  }
0x97: {  	s7 =	sld [smem:$0x3FFC];
	_ =	sdelay $0x3  }
0x98: {  	_ =	strace s7  }
0x99: {  	s7 =	sld [smem:$0x3FFD];
	_ =	sdelay $0x3  }
0x9a: {  	_ =	strace s7  }
0x9b: {  	_ =	strace $0x8FFFFFFF  }
0x9c: {  	s19 =	sld [smem:$0x3FDB];
	_ =	sdelay $0x1  }
0x9d: {  	s8 =	simm.s32 $_scs_section_size  }
0x9e: {  	s9 =	simm.s32 $_size__tile_overlayer_lowered;
	s10 =	simm.s32 $_tile_overlayer_lowered  }
0x9f: {  	s22 =	simm.s32 $0x1BFF;
	s21 =	sshll.u32 s10, $0x1;
	s7 =	sadd.s32 s8, s19  }
0xa0: {  	s11 =	simm.s32 $0x0;
	s20 =	sshll.u32 s9, $0x1;
	s9 =	sadd.s32 s21, s7  }
0xa1: {  	[timem:s11], [sflag:s22] =	dma.local [hbm:s9], s20  }
0xa2: {  	_ =	swait.ge [sflag:s22], s20  }
0xa3: {  	s8 =	ssub.s32 $0x0, s20;
	[sflag:s22] =	ssyncset.done $0x0  }
0xa4: {  	[sflag:s22] =	ssyncadd.s32 s8;
	_ =	sdelay $0x1  }
0xa5: {  	s23 =	simm.s32 $0x1B8B  }
0xa6: {  	_ =	swait.ge [sflag:s23], $0x1  }
0xa7: {  	[sflag:s23] =	ssyncset.done $0x0  }
0xa8: {  	s25 =	simm.s32 $0x1B8E;
	s24 =	sld [smem:$0x3FFE];
	[sflag:s23] =	ssyncadd.s32 $0xFFFFFFFF  }
0xa9: {  	s26 =	simm.s32 $execute0_lowered;
	[smem:$0x3FD2] =	sst s25  }
0xaa: {  	s9 =	sshll.u32 s26, $0x1;
	_ =	strace $0x80000046;
	[dreg:$0x1] =	wrdreg $0xFFFFFFFF  }
0xab: {  	s28 =	simm.s32 $_size_execute0_lowered;
	s7 =	sadd.s32 s7, s9;
	[dreg:$0x0] =	wrdreg $0x0  }
0xac: {  	s9 =	sshll.u32 s28, $0x1;
	[dreg:$0x2] =	wrdreg s7  }
0xad: {  	[dreg:$0x3] =	wrdreg s9  }
0xae: {  	[dreg:$0x4] =	wrdreg $0xC0  }
0xaf: {  	_ =	task [dreg:s11], $0x5FFFF  }
0xb0: {  	[dreg:$0x1] =	wrdreg $0xFFFFFFFF  }
0xb1: {  	[dreg:$0x0] =	wrdreg $0x60  }
0xb2: {  	[dreg:$0x2] =	wrdreg s24  }
0xb3: {  	[dreg:$0x3] =	wrdreg s18  }
0xb4: {  	[dreg:$0x4] =	wrdreg s2  }
0xb5: {  	[dreg:$0x5] =	wrdreg s5  }
0xb6: {  	[dreg:$0x6] =	wrdreg s4  }
0xb7: {  	[dreg:$0x7] =	wrdreg s6  }
0xb8: {  	[dreg:$0x8] =	wrdreg $0x9  }
0xb9: {  	_ =	task.clear_ibuf [dreg:s11], $0x9FFFF;
	_ =	strace $0x90000046  }
0xba: {  	s29 =	simm.s32 $0x9;
	_ =	strace $0x80000048  }
0xbb: {  	_ =	swait.ge [sflag:s29], $0x1  }
0xbc: {  	[sflag:s29] =	ssyncadd.s32 $0xFFFFFFFF  }
0xbd: {  	_ =	strace $0x90000048  }
0xbe: {  	_ =	sfence  }
0xbf: {  	s30 =	sld [smem:$0x0];
	_ =	sdelay $0x2  }
0xc0: {  	s31 =	sshll.u32 s1, $0xD;
	s1 =	sshrl.u32 s1, $0x2  }
0xc1: {  	s3 =	sand.u32 $0x4000, s31;
	s1 =	sadd.s32 s1, s30  }
0xc2: {  	s0 =	sor.u32 s3, s0;
	s1 =	sshll.u32 s1, $0x11  }
0xc3: {  	s0 =	sor.u32 s1, s0  }
0xc4: {  	s0 =	sadd.s32 $0x8F2B, s0  }
0xc5: {  	[sflag:s0] =	ssyncadd.remote.s32 $0x1  }
0xc6: {  	_ =	sfence.sel $0xFFFF  }
0xc7: {  	[dreg:$0x0] =	wrdreg $0xFFFFFFFF;
	(pc) =	sbr.abs _section_cstart, $3  }
0xc8: {  	[dreg:$0x1] =	wrdreg $0xFFFFFFFF  }
0xc9: {  	_ =	task.clear_ibuf [dreg:s11], $0x2FFFF;
	_ =	strace $0x9FFFFFFF  }
0xca: {  	(tm) =	ssettm $0x7FFFFFFF  }
0xcb: {  	_ =	shalt  }
tec
execute0_lowered:
.L_overlay_start_1:
0x0: {  	(tag) =	ssettag $0x1  }
0x1: {  	s0 =	rddreg [dreg:$0x0]  }
0x2: {  	s1 =	rddreg [dreg:$0x1]  }
0x3: {  	s2 =	rddreg [dreg:$0x2]  }
0x4: {  	s3 =	rddreg [dreg:$0x4];
	s4 =	srdreg.scid  }
0x5: {  	s6 =	stileid.u32;
	s8 =	rddreg [dreg:$0x5]  }
0x6: {  	s11 =	simm.s32 $0x48;
	s12 =	simm.s32 $0x1800;
	s15 =	simm.s32 $0x6000  }
0x7: {  	s19 =	simm.s32 $0xA800;
	s22 =	simm.s32 $0x1B0;
	s23 =	simm.s32 $0xF000  }
0x8: {  	s24 =	simm.s32 $0x1F8;
	s25 =	simm.s32 $0x11400;
	s26 =	simm.s32 $0x1200  }
0x9: {  	s28 =	simm.s32 $0x1400;
	s29 =	simm.s32 $0x1600;
	s30 =	simm.s32 $0x1  }
0xa: {  	s31 =	simm.s32 $0x2;
	s5 =	sand.u32 $0x1, s4;
	s6 =	sshll.u32 s6, $0x1  }
0xb: {  	s13 =	simm.s32 $0x0;
	s4 =	simm.s32 $0x0;
	s6 =	sor.u32 s5, s6  }
0xc: {  	v0 =	vlaneseq.u32;
	[smem:$0x7FF] =	sst s4;
	s5 =	ssub.s32 $0x2, s5;
	s7 =	smul.u32 $0x240, s6  }
.Ltmp0:
0xd: {  	v1 =	vmul.u32 $0x480, v0;
	s9 =	sshrl.u32 s5, $0x1;
	s10 =	sshll.u32 s6, $0x6;
	(pc) =	sbr.rel .LBB2_1-.Ltmp0, $4  }
0xe: {  	_ =	strace $0x80000047;
	s9 =	ssub.s32 s5, s9;
	s6 =	sadd.s32 s1, s10  }
0xf: {  	v2 =	vadd.s32 $0x80, v1;
	v3 =	vadd.s32 $0x100, v1;
	s8 =	sadd.s32 s8, s10;
	s1 =	simm.s32 $0x13800;
	s0 =	sadd.s32 s7, s0  }
0x10: {  	v4 =	vadd.s32 $0x180, v1;
	v5 =	vadd.s32 $0x200, v1;
	v6 =	vadd.s32 $0x280, v1;
	s7 =	sadd.s32 s2, s10;
	s9 =	smax.u32 s9, $0x1;
	s10 =	simm.s32 $0x5  }
0x11: {  	v7 =	vadd.s32 $0x300, v1;
	v8 =	vadd.s32 $0x380, v1;
	v9 =	vadd.s32 $0x400, v1;
	s2 =	simm.s32 $0x3;
	s5 =	sadd.s32 $0x400, s0;
	s0 =	simm.s32 $0x4  }
.LBB2_12:
0x12: {  	s13 =	sadd.s32 $0x1, s13  }
0x13: {  	p0 =	sne.s32 s13, s9  }
.Ltmp1:
0x14: {  	_ = 	snop;
	(pc) =	sbr.rel @!p0 .LBB2_13-.Ltmp1, $4  }
0x15: {  	[hbm4b:s8+s4] =	stream.linear.scatter [tilespmem:s1], [sflag:$0x5], $0x200, $0x38;
	[tilespmem:$0x13A00] =	vst v63  }
0x16: {  	_ =	swait.ge [sflag:s10], $0x200  }
0x17: {  	[sflag:s10] =	ssyncset.done $0x0  }
0x18: {  	[sflag:s10] =	ssyncadd.s32 $0xFFFFFE00  }
.LBB2_1:
0x19: {  	[tilespmem:s4], [sflag:$0x5] =	stream.linear.gather [hbm4b:s5+s4], $0x1200, $0x38;
	[tilespmem:$0x13A00] =	vst v63  }
0x1a: {  	_ =	swait.ge [sflag:s10], $0x1200  }
0x1b: {  	[sflag:s10] =	ssyncset.done $0x0  }
0x1c: {  	[sflag:s10] =	ssyncadd.s32 $0xFFFFEE00  }
0x1d: {  	[tilespmem:s12], [sflag:$0x1] =	stream.indirect.gather [hbm4b:s3+s11], $0x80, s4, s11, $0xb8;
	[tilespmem:$0x13A00] =	vst v63  }
0x1e: {  	s14 =	simm.s32 $0x3C00  }
0x1f: {  	[tilespmem:s14], [sflag:$0x1] =	stream.indirect.gather [hbm4b:s3+s11], $0x80, s11, s11, $0xb8;
	[tilespmem:$0x13A00] =	vst v63  }
0x20: {  	s20 =	simm.s32 $0x90  }
0x21: {  	[tilespmem:s15], [sflag:$0x2] =	stream.indirect.gather [hbm4b:s3+s11], $0x80, s20, s11, $0xb8;
	[tilespmem:$0x13A00] =	vst v63  }
0x22: {  	s21 =	simm.s32 $0xD8;
	s16 =	simm.s32 $0x8400  }
0x23: {  	[tilespmem:s16], [sflag:$0x2] =	stream.indirect.gather [hbm4b:s3+s11], $0x80, s21, s11, $0xb8;
	[tilespmem:$0x13A00] =	vst v63  }
0x24: {  	s17 =	simm.s32 $0x120  }
0x25: {  	[tilespmem:s19], [sflag:$0x3] =	stream.indirect.gather [hbm4b:s3+s11], $0x80, s17, s11, $0xb8;
	[tilespmem:$0x13A00] =	vst v63  }
0x26: {  	s18 =	simm.s32 $0x168;
	s20 =	simm.s32 $0xCC00  }
0x27: {  	[tilespmem:s20], [sflag:$0x3] =	stream.indirect.gather [hbm4b:s3+s11], $0x80, s18, s11, $0xb8;
	[tilespmem:$0x13A00] =	vst v63  }
0x28: {  	_ = 	snop  }
0x29: {  	[tilespmem:s23], [sflag:$0x4] =	stream.indirect.gather [hbm4b:s3+s11], $0x80, s22, s11, $0xb8;
	[tilespmem:$0x13A00] =	vst v63  }
0x2a: {  	_ = 	snop  }
0x2b: {  	[tilespmem:s25], [sflag:$0x4] =	stream.indirect.gather [hbm4b:s3+s11], $0x80, s24, s11, $0xb8;
	[tilespmem:$0x13A00] =	vst v63  }
0x2c: {  	_ = 	snop  }
0x2d: {  	[tilespmem:s26], [sflag:$0x5] =	stream.linear.gather [hbm4b:s6+s4], $0x200, $0x38;
	[tilespmem:$0x13A00] =	vst v63  }
0x2e: {  	_ =	swait.ge [sflag:s10], $0x200  }
0x2f: {  	[sflag:s10] =	ssyncset.done $0x0  }
0x30: {  	[sflag:s10] =	ssyncadd.s32 $0xFFFFFE00  }
0x31: {  	[tilespmem:s28], [sflag:$0x5] =	stream.linear.gather [hbm4b:s7+s4], $0x200, $0x38;
	[tilespmem:$0x13A00] =	vst v63  }
0x32: {  	_ =	swait.ge [sflag:s10], $0x200  }
0x33: {  	[sflag:s10] =	ssyncset.done $0x0  }
0x34: {  	[sflag:s10] =	ssyncadd.s32 $0xFFFFFE00  }
0x35: {  	s21 =	rddreg [dreg:$0x3]  }
0x36: {  	[tilespmem:s29], [sflag:$0x5] =	stream.linear.gather [hbm4b:s21+s4], $0x200, $0x38;
	[tilespmem:$0x13A00] =	vst v63  }
0x37: {  	_ =	swait.ge [sflag:s10], $0x200  }
0x38: {  	[sflag:s10] =	ssyncset.done $0x0  }
0x39: {  	s14 =	simm.s32 $0x0;
	[sflag:s10] =	ssyncadd.s32 $0xFFFFFE00  }
.LBB2_2:
0x3a: {  	_ =	swait.ge [sflag:s30], $0x2400  }
0x3b: {  	s17 =	simm.s32 $0x0;
	[sflag:s30] =	ssyncset.done $0x0  }
0x3c: {  	v11 =	vadd.s32 s17, v0;
	[sflag:s30] =	ssyncadd.s32 $0xFFFFDC00  }
0x3d: {  	v11 =	vand.u32 $0x7F, v11;
	_ =	swait.ge [sflag:s30], $0x2400  }
0x3e: {  	v13 =	vor.u32 v1, v11;
	[sflag:s30] =	ssyncset.done $0x0  }
0x3f: {  	s16 =	sshll.u32 s14, $0x6;
	v14 =	vor.u32 v9, v11;
	[sflag:s30] =	ssyncadd.s32 $0xFFFFDC00  }
0x40: {  	v16 =	vor.u32 v3, v11;
	v10 =	vld [tilespmem:s16+$0x1200]  }
0x41: {  	v17 =	vor.u32 v4, v11  }
0x42: {  	v18 =	vor.u32 v5, v11  }
0x43: {  	v19 =	vor.u32 v6, v11;
	v13 =	vld.idx.msk [tilespmem:v13+s12+$0x0], $0xffff  }
0x44: {  	v20 =	vor.u32 v7, v11;
	v14 =	vld.idx.msk [tilespmem:v14+s12+$0x0], $0xffff  }
0x45: {  	v16 =	vld.idx.msk [tilespmem:v16+s12+$0x0], $0xffff;
	v12 =	vshll.u32 v10, $0x7;
	v10 =	vor.u32 v2, v11  }
0x46: {  	v17 =	vld.idx.msk [tilespmem:v17+s12+$0x0], $0xffff;
	v15 =	vor.u32 v12, v11  }
0x47: {  	s20 =	simm.s32 $0x1;
	v21 =	vor.u32 v8, v11;
	v18 =	vld.idx.msk [tilespmem:v18+s12+$0x0], $0xffff  }
0x48: {  	v22 =	vadd.s32 s20, v0;
	v19 =	vld.idx.msk [tilespmem:v19+s12+$0x0], $0xffff  }
0x49: {  	v22 =	vand.u32 $0x7F, v22;
	v20 =	vld.idx.msk [tilespmem:v20+s12+$0x0], $0xffff  }
0x4a: {  	v23 =	vor.u32 v1, v22;
	v10 =	vld.idx.msk [tilespmem:v10+s12+$0x0], $0xffff  }
0x4b: {  	v27 =	vor.u32 v9, v22;
	v15 =	vld.idx.msk [tilespmem:v15+s29+$0x0], $0xffff  }
0x4c: {  	v25 =	vor.u32 v2, v22;
	v26 =	vor.u32 v3, v22;
	v28 =	vor.u32 v4, v22;
	v21 =	vld.idx.msk [tilespmem:v21+s12+$0x0], $0xffff  }
0x4d: {  	v29 =	vor.u32 v5, v22;
	v14 =	vsub.f32 v13, v14;
	v16 =	vsub.f32 v13, v16  }
0x4e: {  	v30 =	vor.u32 v12, v22;
	v17 =	vsub.f32 v13, v17;
	v18 =	vsub.f32 v13, v18  }
0x4f: {  	v31 =	vor.u32 v6, v22;
	v23 =	vld.idx.msk [tilespmem:v23+s12+$0x0], $0xffff;
	v19 =	vsub.f32 v13, v19;
	v34 =	vsub.f32 v13, v20  }
0x50: {  	v35 =	vld.idx.msk [tilespmem:v27+s12+$0x0], $0xffff;
	v24 =	vsub.f32 v13, v10;
	v10 =	vmul.f32 v14, v15;
	v33 =	vmul.f32 v16, v15  }
0x51: {  	v25 =	vld.idx.msk [tilespmem:v25+s12+$0x0], $0xffff;
	v13 =	vsub.f32 v13, v21;
	v27 =	vmul.f32 v17, v15;
	v36 =	vmul.f32 v18, v15  }
0x52: {  	v40 =	vor.u32 v8, v22;
	v38 =	vmul.f32 v19, v15;
	v39 =	vmul.f32 v34, v15  }
0x53: {  	v37 =	vor.u32 v7, v22;
	v21 =	vld.idx.msk [tilespmem:v30+s29+$0x0], $0xffff;
	v32 =	vmul.f32 v24, v15;
	v15 =	vmul.f32 v13, v15  }
0x54: {  	v11 =	vimm.f32 $0.0e+00;
	v30 =	vld.idx.msk [tilespmem:v26+s12+$0x0], $0xffff;
	v14 =	vmul.f32 v10, v14;
	v16 =	vmul.f32 v33, v16  }
0x55: {  	v26 =	vld.idx.msk [tilespmem:v28+s12+$0x0], $0xffff;
	v41 =	vmul.f32 v27, v17;
	v33 =	vsub.f32 v23, v35;
	v17 =	vmul.f32 v39, v34  }
0x56: {  	s21 =	simm.s32 $0x2;
	v28 =	vld.idx.msk [tilespmem:v31+s12+$0x0], $0xffff;
	v22 =	vmul.f32 v32, v24;
	v32 =	vsub.f32 v23, v25;
	v20 =	vadd.f32 v14, v11  }
0x57: {  	v31 =	vld.idx.msk [tilespmem:v40+s12+$0x0], $0xffff;
	v14 =	vmul.f32 v15, v13;
	v13 =	vadd.s32 s21, v0;
	v25 =	vadd.f32 v16, v11  }
0x58: {  	v10 =	vld [tilespmem:s16+$0x1400];
	v35 =	vmul.f32 v33, v21;
	v16 =	vimm.f32 $0.0e+00;
	v15 =	vimm.f32 $0.0e+00  }
0x59: {  	v27 =	vld.idx.msk [tilespmem:v29+s12+$0x0], $0xffff;
	v24 =	vadd.f32 v22, v11;
	v22 =	vmul.f32 v36, v18;
	v18 =	vmul.f32 v38, v19  }
0x5a: {  	s17 =	simm.s32 $0x3;
	v29 =	vld.idx.msk [tilespmem:v37+s12+$0x0], $0xffff;
	v34 =	vand.u32 $0x7F, v13;
	v13 =	vadd.f32 v41, v11;
	v19 =	vimm.f32 $0.0e+00  }
.LBB2_3:
0x5b: {  	p0 =	sne.s32 s17, $0x7F;
	v36 =	vor.u32 v1, v34;
	v37 =	vor.u32 v2, v34;
	v38 =	vor.u32 v3, v34  }
0x5c: {  	v39 =	vor.u32 v4, v34;
	v40 =	vor.u32 v9, v34;
	v33 =	vmul.f32 v35, v33  }
0x5d: {  	v41 =	vor.u32 v6, v34;
	v42 =	vor.u32 v7, v34;
	v35 =	vor.u32 v5, v34  }
0x5e: {  	v43 =	vor.u32 v12, v34;
	v44 =	vor.u32 v8, v34;
	v20 =	vadd.f32 v33, v20  }
0x5f: {  	v45 =	vsub.f32 v23, v26;
	v34 =	vsub.f32 v23, v30;
	v33 =	vmul.f32 v32, v21  }
0x60: {  	v46 =	vsub.f32 v23, v27;
	v28 =	vsub.f32 v23, v28;
	v36 =	vld.idx.msk [tilespmem:v36+s12+$0x0], $0xffff  }
0x61: {  	v27 =	vmul.f32 v34, v21;
	v29 =	vsub.f32 v23, v29;
	v23 =	vsub.f32 v23, v31;
	v40 =	vld.idx.msk [tilespmem:v40+s12+$0x0], $0xffff  }
0x62: {  	v11 =	vadd.f32 v22, v11;
	v47 =	vmul.f32 v46, v21;
	v31 =	vld.idx.msk [tilespmem:v37+s12+$0x0], $0xffff;
	v37 =	vmul.f32 v45, v21  }
0x63: {  	v19 =	vadd.f32 v18, v19;
	v48 =	vmul.f32 v28, v21;
	v49 =	vmul.f32 v29, v21;
	v43 =	vld.idx.msk [tilespmem:v43+s29+$0x0], $0xffff  }
0x64: {  	v16 =	vadd.f32 v17, v16;
	v18 =	vmul.f32 v33, v32;
	v21 =	vmul.f32 v23, v21;
	v30 =	vld.idx.msk [tilespmem:v38+s12+$0x0], $0xffff  }
.Ltmp2:
0x65: {  	v15 =	vadd.f32 v14, v15;
	v34 =	vmul.f32 v27, v34;
	v37 =	vmul.f32 v37, v45;
	v26 =	vld.idx.msk [tilespmem:v39+s12+$0x0], $0xffff;
	(pc) =	sbr.rel @p0 .LBB2_3-.Ltmp2, $4  }
0x66: {  	v22 =	vmul.f32 v47, v46;
	v24 =	vadd.f32 v18, v24;
	v18 =	vmul.f32 v48, v28;
	v27 =	vld.idx.msk [tilespmem:v35+s12+$0x0], $0xffff  }
0x67: {  	v17 =	vmul.f32 v49, v29;
	v14 =	vmul.f32 v21, v23;
	v33 =	vsub.f32 v36, v40;
	v28 =	vld.idx.msk [tilespmem:v41+s12+$0x0], $0xffff  }
0x68: {  	v25 =	vadd.f32 v34, v25;
	v38 =	vadd.s32 s17, v0;
	v23 =	vmovc v36;
	v32 =	vsub.f32 v36, v31;
	v29 =	vld.idx.msk [tilespmem:v42+s12+$0x0], $0xffff  }
0x69: {  	s17 =	sadd.s32 $0x1, s17;
	v34 =	vand.u32 $0x7F, v38;
	v13 =	vadd.f32 v37, v13;
	v35 =	vmul.f32 v33, v43;
	v21 =	vmovc v43;
	v31 =	vld.idx.msk [tilespmem:v44+s12+$0x0], $0xffff  }
0x6a: {  	v36 =	vor.u32 v1, v34  }
0x6b: {  	v37 =	vor.u32 v2, v34  }
0x6c: {  	v12 =	vor.u32 v12, v34  }
0x6d: {  	v38 =	vor.u32 v3, v34;
	_ =	sdelay $0x1  }
0x6e: {  	v36 =	vld.idx.msk [tilespmem:v36+s12+$0x0], $0xffff  }
0x6f: {  	v37 =	vld.idx.msk [tilespmem:v37+s12+$0x0], $0xffff  }
0x70: {  	v12 =	vld.idx.msk [tilespmem:v12+s29+$0x0], $0xffff  }
0x71: {  	v38 =	vld.idx.msk [tilespmem:v38+s12+$0x0], $0xffff;
	_ =	sdelay $0x1  }
0x72: {  	v30 =	vsub.f32 v23, v30  }
0x73: {  	v39 =	vmul.f32 v32, v21;
	v37 =	vsub.f32 v36, v37  }
0x74: {  	v41 =	vor.u32 v4, v34;
	v40 =	vmul.f32 v30, v21  }
0x75: {  	v32 =	vmul.f32 v39, v32;
	v38 =	vsub.f32 v36, v38;
	v54 =	vmul.f32 v37, v12  }
0x76: {  	v56 =	vor.u32 v9, v34;
	v57 =	vor.u32 v5, v34;
	v30 =	vmul.f32 v40, v30  }
0x77: {  	v24 =	vadd.f32 v32, v24;
	v55 =	vmul.f32 v38, v12;
	v37 =	vmul.f32 v54, v37  }
0x78: {  	v58 =	vor.u32 v6, v34;
	v59 =	vor.u32 v7, v34;
	v26 =	vsub.f32 v23, v26  }
0x79: {  	v25 =	vadd.f32 v30, v25;
	v30 =	vmul.f32 v55, v38;
	v24 =	vadd.f32 v37, v24  }
0x7a: {  	v11 =	vadd.f32 v22, v11;
	v18 =	vadd.f32 v18, v19;
	v33 =	vmul.f32 v35, v33  }
0x7b: {  	v25 =	vadd.f32 v30, v25;
	v30 =	vshra.s32 v24, $0x1;
	v61 =	vmul.f32 $5.000000000e-01, v24  }
0x7c: {  	v27 =	vsub.f32 v23, v27;
	v28 =	vsub.f32 v23, v28;
	v30 =	vsub.s32 $0x5F3759DF, v30  }
0x7d: {  	v63 =	vshra.s32 v25, $0x1;
	v42 =	vmul.f32 $5.000000000e-01, v25;
	v62 =	vmul.f32 v30, v61  }
0x7e: {  	v20 =	vadd.f32 v33, v20;
	v44 =	vmul.f32 v27, v21;
	v40 =	vsub.s32 $0x5F3759DF, v63  }
0x7f: {  	v29 =	vsub.f32 v23, v29;
	v41 =	vld.idx.msk [tilespmem:v41+s12+$0x0], $0xffff;
	v43 =	vmul.f32 v40, v42;
	v33 =	vmul.f32 v30, v62  }
0x80: {  	v23 =	vsub.f32 v23, v31;
	v31 =	vmul.f32 v26, v21;
	v45 =	vmul.f32 v28, v21  }
0x81: {  	v22 =	vmul.f32 v29, v21;
	v43 =	vmul.f32 v40, v43;
	v33 =	vsub.f32 $1.500000000e+00, v33  }
0x82: {  	v16 =	vadd.f32 v17, v16;
	v19 =	vmul.f32 v44, v27;
	v21 =	vmul.f32 v23, v21  }
0x83: {  	v26 =	vmul.f32 v31, v26;
	v31 =	vsub.f32 $1.500000000e+00, v43;
	v30 =	vmul.f32 v30, v33  }
0x84: {  	v17 =	vld.idx.msk [tilespmem:v59+s12+$0x0], $0xffff;
	v27 =	vmul.f32 v45, v28;
	v21 =	vmul.f32 v21, v23;
	v23 =	vsub.f32 v36, v41  }
0x85: {  	v60 =	vor.u32 v8, v34;
	v32 =	vld.idx.msk [tilespmem:v58+s12+$0x0], $0xffff;
	v31 =	vmul.f32 v40, v31;
	v44 =	vmul.f32 v30, v61  }
0x86: {  	v14 =	vadd.f32 v14, v15;
	v22 =	vmul.f32 v22, v29;
	v47 =	vmul.f32 v23, v12  }
0x87: {  	v39 =	vld.idx.msk [tilespmem:v56+s12+$0x0], $0xffff;
	v11 =	vadd.f32 v19, v11;
	v45 =	vmul.f32 v31, v42;
	v29 =	vmul.f32 v44, v30  }
0x88: {  	v13 =	vadd.f32 v26, v13;
	v18 =	vadd.f32 v27, v18;
	v23 =	vmul.f32 v47, v23  }
0x89: {  	v28 =	vld.idx.msk [tilespmem:v57+s12+$0x0], $0xffff;
	v17 =	vsub.f32 v36, v17;
	v26 =	vsub.f32 $1.500000000e+00, v29;
	v29 =	vmul.f32 v45, v31  }
0x8a: {  	v15 =	vld.idx.msk [tilespmem:v60+s12+$0x0], $0xffff;
	v32 =	vsub.f32 v36, v32;
	v13 =	vadd.f32 v23, v13  }
0x8b: {  	v19 =	vmul.f32 v17, v12;
	v26 =	vmul.f32 v26, v30;
	v29 =	vsub.f32 $1.500000000e+00, v29  }
0x8c: {  	v48 =	vshra.s32 v13, $0x1;
	v49 =	vmul.f32 $5.000000000e-01, v13;
	v43 =	vsub.f32 v36, v39  }
0x8d: {  	v34 =	vsub.s32 $0x5F3759DF, v48;
	v23 =	vmul.f32 v26, v61;
	v29 =	vmul.f32 v29, v31  }
0x8e: {  	v28 =	vsub.f32 v36, v28;
	v51 =	vmul.f32 v34, v49;
	v46 =	vmul.f32 v43, v12  }
0x8f: {  	v15 =	vsub.f32 v36, v15;
	v23 =	vmul.f32 v23, v26;
	v50 =	vmul.f32 v29, v42  }
0x90: {  	v16 =	vadd.f32 v22, v16;
	v30 =	vmul.f32 v28, v12;
	v31 =	vmul.f32 v32, v12  }
0x91: {  	v12 =	vmul.f32 v15, v12;
	v23 =	vsub.f32 $1.500000000e+00, v23;
	v36 =	vmul.f32 v50, v29  }
0x92: {  	v14 =	vadd.f32 v21, v14;
	v27 =	vmul.f32 v30, v28;
	v28 =	vmul.f32 v34, v51  }
0x93: {  	v17 =	vmul.f32 v19, v17;
	v23 =	vmul.f32 v23, v26;
	v26 =	vsub.f32 $1.500000000e+00, v36  }
0x94: {  	v33 =	vmul.f32 v46, v43;
	v19 =	vsub.f32 $1.500000000e+00, v28;
	v12 =	vmul.f32 v12, v15  }
0x95: {  	v16 =	vadd.f32 v17, v16;
	v22 =	vmul.f32 v23, v24;
	v23 =	vmul.f32 v26, v29  }
0x96: {  	v30 =	vmul.f32 v31, v32;
	v11 =	vadd.f32 v27, v11;
	v19 =	vmul.f32 v34, v19  }
0x97: {  	v12 =	vadd.f32 v12, v14;
	v22 =	vsub.f32 $0.0e+00, v22;
	v23 =	vmul.f32 v23, v25  }
0x98: {  	v21 =	vmul.f32 v19, v49;
	v24 =	vshra.s32 v11, $0x1;
	v26 =	vmul.f32 $5.000000000e-01, v11  }
0x99: {  	v24 =	vsub.s32 $0x5F3759DF, v24;
	v15 =	vmul.f32 $1.442695020e+00, v22;
	v22 =	vsub.f32 $0.0e+00, v23  }
0x9a: {  	v20 =	vadd.f32 v33, v20;
	v21 =	vmul.f32 v21, v19;
	v25 =	vmul.f32 v24, v26  }
0x9b: {  	v18 =	vadd.f32 v30, v18;
	v28 =	vshra.s32 v12, $0x1;
	v14 =	vmul.f32 $1.442695020e+00, v22  }
0x9c: {  	v23 =	vmul.f32 v24, v25;
	(erf) = vpow2.f32 v15;
	v15 =	vsub.f32 $1.500000000e+00, v21  }
0x9d: {  	v21 =	vmul.f32 $5.000000000e-01, v18;
	(erf) = vpow2.f32 v14;
	v14 =	vshra.s32 v18, $0x1  }
0x9e: {  	v17 =	vsub.f32 $1.500000000e+00, v23;
	v23 =	vmul.f32 $5.000000000e-01, v16;
	v14 =	vsub.s32 $0x5F3759DF, v14  }
0x9f: {  	v22 =	vshra.s32 v16, $0x1;
	v15 =	vmul.f32 v15, v19;
	v19 =	vmul.f32 v14, v21  }
0xa0: {  	v29 =	vmul.f32 $5.000000000e-01, v12;
	v22 =	vsub.s32 $0x5F3759DF, v22;
	v17 =	vmul.f32 v24, v17  }
0xa1: {  	v28 =	vsub.s32 $0x5F3759DF, v28;
	v27 =	vmul.f32 v22, v23;
	v19 =	vmul.f32 v14, v19  }
0xa2: {  	v30 =	vmul.f32 v28, v29;
	v25 =	vmul.f32 v17, v26  }
0xa3: {  	v52 =	vmul.f32 $5.000000000e-01, v20;
	v27 =	vmul.f32 v22, v27;
	v19 =	vsub.f32 $1.500000000e+00, v19  }
0xa4: {  	v31 =	vshra.s32 v20, $0x1;
	v30 =	vmul.f32 v28, v30;
	v25 =	vmul.f32 v25, v17  }
0xa5: {  	v14 =	vmul.f32 v14, v19;
	v19 =	vsub.f32 $1.500000000e+00, v27;
	v27 =	vsub.s32 $0x5F3759DF, v31  }
0xa6: {  	v24 =	vmul.f32 v15, v49;
	v25 =	vsub.f32 $1.500000000e+00, v25;
	v31 =	vmul.f32 v27, v52  }
0xa7: {  	v53 =	vmul.f32 v14, v21;
	v19 =	vmul.f32 v22, v19  }
0xa8: {  	v17 =	vmul.f32 v25, v17;
	v22 =	vsub.f32 $1.500000000e+00, v30;
	v25 =	vmul.f32 v27, v31  }
0xa9: {  	v30 =	vmul.f32 v53, v14;
	v31 =	vmul.f32 v19, v23  }
0xaa: {  	v24 =	vmul.f32 v24, v15;
	v22 =	vmul.f32 v28, v22;
	v25 =	vsub.f32 $1.500000000e+00, v25  }
0xab: {  	v26 =	vmul.f32 v17, v26;
	v28 =	vsub.f32 $1.500000000e+00, v30;
	v30 =	vmul.f32 v31, v19  }
0xac: {  	v31 =	vmul.f32 v22, v29;
	v25 =	vmul.f32 v27, v25  }
0xad: {  	v26 =	vmul.f32 v26, v17;
	v14 =	vmul.f32 v28, v14;
	v27 =	vsub.f32 $1.500000000e+00, v30  }
0xae: {  	v24 =	vsub.f32 $1.500000000e+00, v24;
	v28 =	vmul.f32 v31, v22;
	v30 =	vmul.f32 v25, v52  }
0xaf: {  	v21 =	vmul.f32 v14, v21;
	v19 =	vmul.f32 v27, v19  }
0xb0: {  	v15 =	vmul.f32 v24, v15;
	v24 =	vsub.f32 $1.500000000e+00, v28;
	v27 =	vmul.f32 v30, v25  }
0xb1: {  	v26 =	vsub.f32 $1.500000000e+00, v26;
	v21 =	vmul.f32 v21, v14;
	v23 =	vmul.f32 v19, v23  }
0xb2: {  	v13 =	vmul.f32 v15, v13;
	v15 =	vmul.f32 v24, v22;
	v22 =	vsub.f32 $1.500000000e+00, v27  }
0xb3: {  	v17 =	vmul.f32 v26, v17;
	v21 =	vsub.f32 $1.500000000e+00, v21;
	v23 =	vmul.f32 v23, v19  }
0xb4: {  	v24 =	vmul.f32 v15, v29;
	v22 =	vmul.f32 v22, v25  }
0xb5: {  	v13 =	vsub.f32 $0.0e+00, v13;
	v11 =	vmul.f32 v17, v11;
	v14 =	vmul.f32 v21, v14  }
0xb6: {  	v17 =	vsub.f32 $1.500000000e+00, v23;
	v21 =	vmul.f32 v24, v15;
	v23 =	vmul.f32 v22, v52  }
0xb7: {  	v13 =	vmul.f32 $1.442695020e+00, v13;
	v11 =	vsub.f32 $0.0e+00, v11;
	v14 =	vmul.f32 v14, v18  }
0xb8: {  	v17 =	vmul.f32 v17, v19;
	v18 =	vsub.f32 $1.500000000e+00, v21;
	v19 =	vmul.f32 v23, v22  }
0xb9: {  	(erf) = vpow2.f32 v13;
	v11 =	vmul.f32 $1.442695020e+00, v11;
	v13 =	vsub.f32 $0.0e+00, v14  }
0xba: {  	v14 =	vmul.f32 v17, v16;
	v15 =	vmul.f32 v18, v15;
	v16 =	vsub.f32 $1.500000000e+00, v19  }
0xbb: {  	(erf) = vpow2.f32 v11;
	v11 =	vmul.f32 $1.442695020e+00, v13  }
0xbc: {  	v13 =	vsub.f32 $0.0e+00, v14;
	v12 =	vmul.f32 v15, v12;
	v14 =	vmul.f32 v16, v22  }
0xbd: {  	(erf) = vpow2.f32 v11  }
0xbe: {  	v11 =	vmul.f32 $1.442695020e+00, v13;
	v12 =	vsub.f32 $0.0e+00, v12;
	v13 =	vmul.f32 v14, v20;
	_ =	sdelay $0x1  }
0xbf: {  	v14 =	vpop (erf);
	(erf) = vpow2.f32 v11;
	v11 =	vmul.f32 $1.442695020e+00, v12;
	v12 =	vsub.f32 $0.0e+00, v13;
	_ =	sdelay $0x2  }
0xc0: {  	v13 =	vadd.f32 $1.000000050e-03, v14;
	v14 =	vpop (erf)  }
0xc1: {  	(erf) = vpow2.f32 v11;
	v11 =	vmul.f32 $1.442695020e+00, v12;
	v12 =	vpop (erf)  }
0xc2: {  	v14 =	vadd.f32 $1.000000050e-03, v14;
	v12 =	vadd.f32 $1.000000050e-03, v12  }
0xc3: {  	v15 =	vpop (erf)  }
0xc4: {  	(erf) = vpow2.f32 v11;
	v11 =	vadd.f32 v14, v13;
	v15 =	vadd.f32 $1.000000050e-03, v15;
	_ =	sdelay $0x1  }
0xc5: {  	v11 =	vadd.f32 v12, v11;
	v12 =	vpop (erf)  }
0xc6: {  	v12 =	vadd.f32 $1.000000050e-03, v12  }
0xc7: {  	v11 =	vadd.f32 v15, v11;
	v15 =	vpop (erf)  }
0xc8: {  	v15 =	vadd.f32 $1.000000050e-03, v15  }
0xc9: {  	v11 =	vadd.f32 v12, v11  }
0xca: {  	v12 =	vpop (erf)  }
0xcb: {  	v11 =	vadd.f32 v15, v11;
	v12 =	vadd.f32 $1.000000050e-03, v12  }
0xcc: {  	v15 =	vpop (erf)  }
0xcd: {  	v15 =	vadd.f32 $1.000000050e-03, v15;
	v11 =	vadd.f32 v12, v11;
	_ =	sdelay $0x1  }
0xce: {  	v11 =	vadd.f32 v15, v11;
	_ =	sdelay $0x1  }
0xcf: {  	(erf) = vrcp.f32 v11;
	_ =	sdelay $0x1  }
0xd0: {  	v11 =	vsub.f32 v11, v13;
	_ =	sdelay $0x1  }
0xd1: {  	(erf) = vrcp.f32 v11;
	_ =	sdelay $0x4  }
0xd2: {  	v11 =	vpop (erf)  }
0xd3: {  	v11 =	vmul.f32 v11, v13;
	_ =	sdelay $0x1  }
0xd4: {  	v12 =	vmul.f32 v11, v14  }
0xd5: {  	p0 =	seq.s32 s14, $0x7;
	v13 =	vpop (erf)  }
0xd6: {  	s17 =	smul.u32 @!p0 $0x900, s14;
	v12 =	vmul.f32 v12, v13  }
0xd7: {  	vm0 =	veq.s32 v10, $0x1  }
0xd8: {  	s17 =	sshra.s32 @!p0 s17, $0x2;
	v10 =	vsel vm0, v12, v11  }
0xd9: {  	s20 =	simm.s32 @!p0 $0x48;
	s21 =	simm.s32 @!p0 $0x1800;
	s18 =	sadd.s32 @!p0 $0x240, s17;
	[tilespmem:s16+$0x13800] =	vst v10  }
0xda: {  	[tilespmem:s21], [sflag:$0x1] =	stream.indirect.gather @!p0 [hbm4b:s3+s20], $0x80, s18, s20, $0xb8;
	[tilespmem:$0x13A00] =	vst v63  }
0xdb: {  	s18 =	sadd.s32 @!p0 $0x288, s17;
	s21 =	simm.s32 @!p0 $0x3C00  }
0xdc: {  	[tilespmem:s21], [sflag:$0x1] =	stream.indirect.gather @!p0 [hbm4b:s3+s20], $0x80, s18, s20, $0xb8;
	[tilespmem:$0x13A00] =	vst v63  }
0xdd: {  	_ =	swait.ge [sflag:s31], $0x2400  }
0xde: {  	[sflag:s31] =	ssyncset.done $0x0  }
0xdf: {  	s21 =	simm.s32 $0x0;
	[sflag:s31] =	ssyncadd.s32 $0xFFFFDC00  }
0xe0: {  	v11 =	vadd.s32 s21, v0;
	_ =	swait.ge [sflag:s31], $0x2400  }
0xe1: {  	v11 =	vand.u32 $0x7F, v11;
	[sflag:s31] =	ssyncset.done $0x0  }
0xe2: {  	v13 =	vor.u32 v1, v11;
	[sflag:s31] =	ssyncadd.s32 $0xFFFFDC00  }
0xe3: {  	v14 =	vor.u32 v9, v11;
	v10 =	vld [tilespmem:s16+$0x1210]  }
0xe4: {  	v16 =	vor.u32 v3, v11  }
0xe5: {  	v17 =	vor.u32 v4, v11  }
0xe6: {  	v18 =	vor.u32 v5, v11  }
0xe7: {  	v19 =	vor.u32 v6, v11;
	v13 =	vld.idx.msk [tilespmem:v13+s15+$0x0], $0xffff  }
0xe8: {  	v14 =	vld.idx.msk [tilespmem:v14+s15+$0x0], $0xffff;
	v12 =	vshll.u32 v10, $0x7;
	v10 =	vor.u32 v2, v11  }
0xe9: {  	s20 =	simm.s32 $0x1;
	v16 =	vld.idx.msk [tilespmem:v16+s15+$0x0], $0xffff;
	v15 =	vor.u32 v12, v11  }
0xea: {  	v22 =	vadd.s32 s20, v0;
	v20 =	vor.u32 v7, v11;
	v17 =	vld.idx.msk [tilespmem:v17+s15+$0x0], $0xffff  }
0xeb: {  	v22 =	vand.u32 $0x7F, v22;
	v21 =	vor.u32 v8, v11;
	v18 =	vld.idx.msk [tilespmem:v18+s15+$0x0], $0xffff  }
0xec: {  	v23 =	vor.u32 v1, v22;
	v19 =	vld.idx.msk [tilespmem:v19+s15+$0x0], $0xffff  }
0xed: {  	v27 =	vor.u32 v9, v22;
	v10 =	vld.idx.msk [tilespmem:v10+s15+$0x0], $0xffff  }
0xee: {  	v25 =	vor.u32 v2, v22;
	v15 =	vld.idx.msk [tilespmem:v15+s29+$0x0], $0xffff  }
0xef: {  	v26 =	vor.u32 v3, v22;
	v28 =	vor.u32 v4, v22;
	v20 =	vld.idx.msk [tilespmem:v20+s15+$0x0], $0xffff  }
0xf0: {  	v29 =	vor.u32 v5, v22;
	v31 =	vor.u32 v6, v22;
	v59 =	vor.u32 v7, v22;
	v21 =	vld.idx.msk [tilespmem:v21+s15+$0x0], $0xffff  }
0xf1: {  	v23 =	vld.idx.msk [tilespmem:v23+s15+$0x0], $0xffff;
	v14 =	vsub.f32 v13, v14;
	v30 =	vor.u32 v12, v22;
	v16 =	vsub.f32 v13, v16  }
0xf2: {  	v62 =	vor.u32 v8, v22;
	v57 =	vld.idx.msk [tilespmem:v27+s15+$0x0], $0xffff;
	v17 =	vsub.f32 v13, v17;
	v18 =	vsub.f32 v13, v18  }
0xf3: {  	v25 =	vld.idx.msk [tilespmem:v25+s15+$0x0], $0xffff;
	v19 =	vsub.f32 v13, v19;
	v24 =	vsub.f32 v13, v10;
	v10 =	vmul.f32 v14, v15  }
0xf4: {  	v56 =	vsub.f32 v13, v20;
	v55 =	vmul.f32 v16, v15;
	v27 =	vmul.f32 v17, v15  }
0xf5: {  	v13 =	vsub.f32 v13, v21;
	v58 =	vmul.f32 v18, v15;
	v60 =	vmul.f32 v19, v15  }
0xf6: {  	v11 =	vimm.f32 $0.0e+00;
	v21 =	vld.idx.msk [tilespmem:v30+s29+$0x0], $0xffff;
	v61 =	vmul.f32 v56, v15;
	v54 =	vmul.f32 v24, v15  }
0xf7: {  	v33 =	vsub.f32 v23, v57;
	v30 =	vld.idx.msk [tilespmem:v26+s15+$0x0], $0xffff;
	v15 =	vmul.f32 v13, v15;
	v14 =	vmul.f32 v10, v14  }
0xf8: {  	v32 =	vsub.f32 v23, v25;
	v26 =	vld.idx.msk [tilespmem:v28+s15+$0x0], $0xffff;
	v16 =	vmul.f32 v55, v16;
	v63 =	vmul.f32 v27, v17  }
0xf9: {  	s21 =	simm.s32 $0x2;
	v28 =	vld.idx.msk [tilespmem:v31+s15+$0x0], $0xffff;
	v17 =	vmul.f32 v61, v56;
	v22 =	vmul.f32 v54, v24;
	v20 =	vadd.f32 v14, v11  }
0xfa: {  	v31 =	vld.idx.msk [tilespmem:v62+s15+$0x0], $0xffff;
	v14 =	vmul.f32 v15, v13;
	v13 =	vadd.s32 s21, v0;
	v25 =	vadd.f32 v16, v11  }
0xfb: {  	v10 =	vld [tilespmem:s16+$0x1410];
	v35 =	vmul.f32 v33, v21;
	v16 =	vimm.f32 $0.0e+00;
	v15 =	vimm.f32 $0.0e+00  }
0xfc: {  	v27 =	vld.idx.msk [tilespmem:v29+s15+$0x0], $0xffff;
	v24 =	vadd.f32 v22, v11;
	v22 =	vmul.f32 v58, v18;
	v18 =	vmul.f32 v60, v19  }
0xfd: {  	s18 =	sor.u32 $0x10, s16;
	s20 =	simm.s32 $0x3;
	v29 =	vld.idx.msk [tilespmem:v59+s15+$0x0], $0xffff;
	v34 =	vand.u32 $0x7F, v13;
	v13 =	vadd.f32 v63, v11;
	v19 =	vimm.f32 $0.0e+00  }
.LBB2_5:
0xfe: {  	p1 =	sne.s32 s20, $0x7F;
	v36 =	vor.u32 v1, v34;
	v37 =	vor.u32 v2, v34;
	v38 =	vor.u32 v3, v34  }
0xff: {  	v39 =	vor.u32 v4, v34;
	v40 =	vor.u32 v9, v34;
	v33 =	vmul.f32 v35, v33  }
0x100: {  	v41 =	vor.u32 v6, v34;
	v42 =	vor.u32 v7, v34;
	v35 =	vor.u32 v5, v34  }
0x101: {  	v43 =	vor.u32 v12, v34;
	v44 =	vor.u32 v8, v34;
	v20 =	vadd.f32 v33, v20  }
0x102: {  	v45 =	vsub.f32 v23, v26;
	v34 =	vsub.f32 v23, v30;
	v33 =	vmul.f32 v32, v21  }
0x103: {  	v46 =	vsub.f32 v23, v27;
	v28 =	vsub.f32 v23, v28;
	v36 =	vld.idx.msk [tilespmem:v36+s15+$0x0], $0xffff  }
0x104: {  	v27 =	vmul.f32 v34, v21;
	v29 =	vsub.f32 v23, v29;
	v23 =	vsub.f32 v23, v31;
	v40 =	vld.idx.msk [tilespmem:v40+s15+$0x0], $0xffff  }
0x105: {  	v11 =	vadd.f32 v22, v11;
	v47 =	vmul.f32 v46, v21;
	v31 =	vld.idx.msk [tilespmem:v37+s15+$0x0], $0xffff;
	v37 =	vmul.f32 v45, v21  }
0x106: {  	v19 =	vadd.f32 v18, v19;
	v48 =	vmul.f32 v28, v21;
	v49 =	vmul.f32 v29, v21;
	v43 =	vld.idx.msk [tilespmem:v43+s29+$0x0], $0xffff  }
0x107: {  	v16 =	vadd.f32 v17, v16;
	v18 =	vmul.f32 v33, v32;
	v21 =	vmul.f32 v23, v21;
	v30 =	vld.idx.msk [tilespmem:v38+s15+$0x0], $0xffff  }
.Ltmp3:
0x108: {  	v15 =	vadd.f32 v14, v15;
	v34 =	vmul.f32 v27, v34;
	v37 =	vmul.f32 v37, v45;
	v26 =	vld.idx.msk [tilespmem:v39+s15+$0x0], $0xffff;
	(pc) =	sbr.rel @p1 .LBB2_5-.Ltmp3, $4  }
0x109: {  	v22 =	vmul.f32 v47, v46;
	v24 =	vadd.f32 v18, v24;
	v18 =	vmul.f32 v48, v28;
	v27 =	vld.idx.msk [tilespmem:v35+s15+$0x0], $0xffff  }
0x10a: {  	v17 =	vmul.f32 v49, v29;
	v14 =	vmul.f32 v21, v23;
	v33 =	vsub.f32 v36, v40;
	v28 =	vld.idx.msk [tilespmem:v41+s15+$0x0], $0xffff  }
0x10b: {  	v25 =	vadd.f32 v34, v25;
	v38 =	vadd.s32 s20, v0;
	v23 =	vmovc v36;
	v32 =	vsub.f32 v36, v31;
	v29 =	vld.idx.msk [tilespmem:v42+s15+$0x0], $0xffff  }
0x10c: {  	s20 =	sadd.s32 $0x1, s20;
	v34 =	vand.u32 $0x7F, v38;
	v13 =	vadd.f32 v37, v13;
	v35 =	vmul.f32 v33, v43;
	v21 =	vmovc v43;
	v31 =	vld.idx.msk [tilespmem:v44+s15+$0x0], $0xffff  }
0x10d: {  	v36 =	vor.u32 v1, v34  }
0x10e: {  	v37 =	vor.u32 v2, v34  }
0x10f: {  	v12 =	vor.u32 v12, v34  }
0x110: {  	v38 =	vor.u32 v3, v34;
	_ =	sdelay $0x1  }
0x111: {  	v36 =	vld.idx.msk [tilespmem:v36+s15+$0x0], $0xffff  }
0x112: {  	v37 =	vld.idx.msk [tilespmem:v37+s15+$0x0], $0xffff  }
0x113: {  	v12 =	vld.idx.msk [tilespmem:v12+s29+$0x0], $0xffff  }
0x114: {  	v38 =	vld.idx.msk [tilespmem:v38+s15+$0x0], $0xffff;
	_ =	sdelay $0x1  }
0x115: {  	v30 =	vsub.f32 v23, v30  }
0x116: {  	v39 =	vmul.f32 v32, v21;
	v37 =	vsub.f32 v36, v37  }
0x117: {  	v41 =	vor.u32 v4, v34;
	v40 =	vmul.f32 v30, v21  }
0x118: {  	v32 =	vmul.f32 v39, v32;
	v38 =	vsub.f32 v36, v38;
	v54 =	vmul.f32 v37, v12  }
0x119: {  	v56 =	vor.u32 v9, v34;
	v57 =	vor.u32 v5, v34;
	v30 =	vmul.f32 v40, v30  }
0x11a: {  	v24 =	vadd.f32 v32, v24;
	v55 =	vmul.f32 v38, v12;
	v37 =	vmul.f32 v54, v37  }
0x11b: {  	v58 =	vor.u32 v6, v34;
	v59 =	vor.u32 v7, v34;
	v26 =	vsub.f32 v23, v26  }
0x11c: {  	v25 =	vadd.f32 v30, v25;
	v30 =	vmul.f32 v55, v38;
	v24 =	vadd.f32 v37, v24  }
0x11d: {  	v11 =	vadd.f32 v22, v11;
	v18 =	vadd.f32 v18, v19;
	v33 =	vmul.f32 v35, v33  }
0x11e: {  	v25 =	vadd.f32 v30, v25;
	v30 =	vshra.s32 v24, $0x1;
	v61 =	vmul.f32 $5.000000000e-01, v24  }
0x11f: {  	v27 =	vsub.f32 v23, v27;
	v28 =	vsub.f32 v23, v28;
	v30 =	vsub.s32 $0x5F3759DF, v30  }
0x120: {  	v63 =	vshra.s32 v25, $0x1;
	v42 =	vmul.f32 $5.000000000e-01, v25;
	v62 =	vmul.f32 v30, v61  }
0x121: {  	v20 =	vadd.f32 v33, v20;
	v44 =	vmul.f32 v27, v21;
	v40 =	vsub.s32 $0x5F3759DF, v63  }
0x122: {  	v29 =	vsub.f32 v23, v29;
	v41 =	vld.idx.msk [tilespmem:v41+s15+$0x0], $0xffff;
	v43 =	vmul.f32 v40, v42;
	v33 =	vmul.f32 v30, v62  }
0x123: {  	v23 =	vsub.f32 v23, v31;
	v31 =	vmul.f32 v26, v21;
	v45 =	vmul.f32 v28, v21  }
0x124: {  	v22 =	vmul.f32 v29, v21;
	v43 =	vmul.f32 v40, v43;
	v33 =	vsub.f32 $1.500000000e+00, v33  }
0x125: {  	v16 =	vadd.f32 v17, v16;
	v19 =	vmul.f32 v44, v27;
	v21 =	vmul.f32 v23, v21  }
0x126: {  	v26 =	vmul.f32 v31, v26;
	v31 =	vsub.f32 $1.500000000e+00, v43;
	v30 =	vmul.f32 v30, v33  }
0x127: {  	v17 =	vld.idx.msk [tilespmem:v59+s15+$0x0], $0xffff;
	v27 =	vmul.f32 v45, v28;
	v21 =	vmul.f32 v21, v23;
	v23 =	vsub.f32 v36, v41  }
0x128: {  	v60 =	vor.u32 v8, v34;
	v32 =	vld.idx.msk [tilespmem:v58+s15+$0x0], $0xffff;
	v31 =	vmul.f32 v40, v31;
	v44 =	vmul.f32 v30, v61  }
0x129: {  	v14 =	vadd.f32 v14, v15;
	v22 =	vmul.f32 v22, v29;
	v47 =	vmul.f32 v23, v12  }
0x12a: {  	v39 =	vld.idx.msk [tilespmem:v56+s15+$0x0], $0xffff;
	v11 =	vadd.f32 v19, v11;
	v45 =	vmul.f32 v31, v42;
	v29 =	vmul.f32 v44, v30  }
0x12b: {  	v13 =	vadd.f32 v26, v13;
	v18 =	vadd.f32 v27, v18;
	v23 =	vmul.f32 v47, v23  }
0x12c: {  	v28 =	vld.idx.msk [tilespmem:v57+s15+$0x0], $0xffff;
	v17 =	vsub.f32 v36, v17;
	v26 =	vsub.f32 $1.500000000e+00, v29;
	v29 =	vmul.f32 v45, v31  }
0x12d: {  	v15 =	vld.idx.msk [tilespmem:v60+s15+$0x0], $0xffff;
	v32 =	vsub.f32 v36, v32;
	v13 =	vadd.f32 v23, v13  }
0x12e: {  	v19 =	vmul.f32 v17, v12;
	v26 =	vmul.f32 v26, v30;
	v29 =	vsub.f32 $1.500000000e+00, v29  }
0x12f: {  	v48 =	vshra.s32 v13, $0x1;
	v49 =	vmul.f32 $5.000000000e-01, v13;
	v43 =	vsub.f32 v36, v39  }
0x130: {  	v34 =	vsub.s32 $0x5F3759DF, v48;
	v23 =	vmul.f32 v26, v61;
	v29 =	vmul.f32 v29, v31  }
0x131: {  	v28 =	vsub.f32 v36, v28;
	v51 =	vmul.f32 v34, v49;
	v46 =	vmul.f32 v43, v12  }
0x132: {  	v15 =	vsub.f32 v36, v15;
	v23 =	vmul.f32 v23, v26;
	v50 =	vmul.f32 v29, v42  }
0x133: {  	v16 =	vadd.f32 v22, v16;
	v30 =	vmul.f32 v28, v12;
	v31 =	vmul.f32 v32, v12  }
0x134: {  	v12 =	vmul.f32 v15, v12;
	v23 =	vsub.f32 $1.500000000e+00, v23;
	v36 =	vmul.f32 v50, v29  }
0x135: {  	v14 =	vadd.f32 v21, v14;
	v27 =	vmul.f32 v30, v28;
	v28 =	vmul.f32 v34, v51  }
0x136: {  	v17 =	vmul.f32 v19, v17;
	v23 =	vmul.f32 v23, v26;
	v26 =	vsub.f32 $1.500000000e+00, v36  }
0x137: {  	v33 =	vmul.f32 v46, v43;
	v19 =	vsub.f32 $1.500000000e+00, v28;
	v12 =	vmul.f32 v12, v15  }
0x138: {  	v16 =	vadd.f32 v17, v16;
	v22 =	vmul.f32 v23, v24;
	v23 =	vmul.f32 v26, v29  }
0x139: {  	v30 =	vmul.f32 v31, v32;
	v11 =	vadd.f32 v27, v11;
	v19 =	vmul.f32 v34, v19  }
0x13a: {  	v12 =	vadd.f32 v12, v14;
	v22 =	vsub.f32 $0.0e+00, v22;
	v23 =	vmul.f32 v23, v25  }
0x13b: {  	v21 =	vmul.f32 v19, v49;
	v24 =	vshra.s32 v11, $0x1;
	v26 =	vmul.f32 $5.000000000e-01, v11  }
0x13c: {  	v24 =	vsub.s32 $0x5F3759DF, v24;
	v15 =	vmul.f32 $1.442695020e+00, v22;
	v22 =	vsub.f32 $0.0e+00, v23  }
0x13d: {  	v20 =	vadd.f32 v33, v20;
	v21 =	vmul.f32 v21, v19;
	v25 =	vmul.f32 v24, v26  }
0x13e: {  	v18 =	vadd.f32 v30, v18;
	v28 =	vshra.s32 v12, $0x1;
	v14 =	vmul.f32 $1.442695020e+00, v22  }
0x13f: {  	v23 =	vmul.f32 v24, v25;
	(erf) = vpow2.f32 v15;
	v15 =	vsub.f32 $1.500000000e+00, v21  }
0x140: {  	v21 =	vmul.f32 $5.000000000e-01, v18;
	(erf) = vpow2.f32 v14;
	v14 =	vshra.s32 v18, $0x1  }
0x141: {  	v17 =	vsub.f32 $1.500000000e+00, v23;
	v23 =	vmul.f32 $5.000000000e-01, v16;
	v14 =	vsub.s32 $0x5F3759DF, v14  }
0x142: {  	v22 =	vshra.s32 v16, $0x1;
	v15 =	vmul.f32 v15, v19;
	v19 =	vmul.f32 v14, v21  }
0x143: {  	v29 =	vmul.f32 $5.000000000e-01, v12;
	v22 =	vsub.s32 $0x5F3759DF, v22;
	v17 =	vmul.f32 v24, v17  }
0x144: {  	v28 =	vsub.s32 $0x5F3759DF, v28;
	v27 =	vmul.f32 v22, v23;
	v19 =	vmul.f32 v14, v19  }
0x145: {  	v30 =	vmul.f32 v28, v29;
	v25 =	vmul.f32 v17, v26  }
0x146: {  	v52 =	vmul.f32 $5.000000000e-01, v20;
	v27 =	vmul.f32 v22, v27;
	v19 =	vsub.f32 $1.500000000e+00, v19  }
0x147: {  	v31 =	vshra.s32 v20, $0x1;
	v30 =	vmul.f32 v28, v30;
	v25 =	vmul.f32 v25, v17  }
0x148: {  	v14 =	vmul.f32 v14, v19;
	v19 =	vsub.f32 $1.500000000e+00, v27;
	v27 =	vsub.s32 $0x5F3759DF, v31  }
0x149: {  	v24 =	vmul.f32 v15, v49;
	v25 =	vsub.f32 $1.500000000e+00, v25;
	v31 =	vmul.f32 v27, v52  }
0x14a: {  	v53 =	vmul.f32 v14, v21;
	v19 =	vmul.f32 v22, v19  }
0x14b: {  	v17 =	vmul.f32 v25, v17;
	v22 =	vsub.f32 $1.500000000e+00, v30;
	v25 =	vmul.f32 v27, v31  }
0x14c: {  	v30 =	vmul.f32 v53, v14;
	v31 =	vmul.f32 v19, v23  }
0x14d: {  	v24 =	vmul.f32 v24, v15;
	v22 =	vmul.f32 v28, v22;
	v25 =	vsub.f32 $1.500000000e+00, v25  }
0x14e: {  	v26 =	vmul.f32 v17, v26;
	v28 =	vsub.f32 $1.500000000e+00, v30;
	v30 =	vmul.f32 v31, v19  }
0x14f: {  	v31 =	vmul.f32 v22, v29;
	v25 =	vmul.f32 v27, v25  }
0x150: {  	v26 =	vmul.f32 v26, v17;
	v14 =	vmul.f32 v28, v14;
	v27 =	vsub.f32 $1.500000000e+00, v30  }
0x151: {  	v24 =	vsub.f32 $1.500000000e+00, v24;
	v28 =	vmul.f32 v31, v22;
	v30 =	vmul.f32 v25, v52  }
0x152: {  	v21 =	vmul.f32 v14, v21;
	v19 =	vmul.f32 v27, v19  }
0x153: {  	v15 =	vmul.f32 v24, v15;
	v24 =	vsub.f32 $1.500000000e+00, v28;
	v27 =	vmul.f32 v30, v25  }
0x154: {  	v26 =	vsub.f32 $1.500000000e+00, v26;
	v21 =	vmul.f32 v21, v14;
	v23 =	vmul.f32 v19, v23  }
0x155: {  	v13 =	vmul.f32 v15, v13;
	v15 =	vmul.f32 v24, v22;
	v22 =	vsub.f32 $1.500000000e+00, v27  }
0x156: {  	v17 =	vmul.f32 v26, v17;
	v21 =	vsub.f32 $1.500000000e+00, v21;
	v23 =	vmul.f32 v23, v19  }
0x157: {  	v24 =	vmul.f32 v15, v29;
	v22 =	vmul.f32 v22, v25  }
0x158: {  	v13 =	vsub.f32 $0.0e+00, v13;
	v11 =	vmul.f32 v17, v11;
	v14 =	vmul.f32 v21, v14  }
0x159: {  	v17 =	vsub.f32 $1.500000000e+00, v23;
	v21 =	vmul.f32 v24, v15;
	v23 =	vmul.f32 v22, v52  }
0x15a: {  	v13 =	vmul.f32 $1.442695020e+00, v13;
	v11 =	vsub.f32 $0.0e+00, v11;
	v14 =	vmul.f32 v14, v18  }
0x15b: {  	v17 =	vmul.f32 v17, v19;
	v18 =	vsub.f32 $1.500000000e+00, v21;
	v19 =	vmul.f32 v23, v22  }
0x15c: {  	(erf) = vpow2.f32 v13;
	v11 =	vmul.f32 $1.442695020e+00, v11;
	v13 =	vsub.f32 $0.0e+00, v14  }
0x15d: {  	v14 =	vmul.f32 v17, v16;
	v15 =	vmul.f32 v18, v15;
	v16 =	vsub.f32 $1.500000000e+00, v19  }
0x15e: {  	(erf) = vpow2.f32 v11;
	v11 =	vmul.f32 $1.442695020e+00, v13  }
0x15f: {  	v13 =	vsub.f32 $0.0e+00, v14;
	v12 =	vmul.f32 v15, v12;
	v14 =	vmul.f32 v16, v22  }
0x160: {  	(erf) = vpow2.f32 v11  }
0x161: {  	v11 =	vmul.f32 $1.442695020e+00, v13;
	v12 =	vsub.f32 $0.0e+00, v12;
	v13 =	vmul.f32 v14, v20;
	_ =	sdelay $0x1  }
0x162: {  	v14 =	vpop (erf);
	(erf) = vpow2.f32 v11;
	v11 =	vmul.f32 $1.442695020e+00, v12;
	v12 =	vsub.f32 $0.0e+00, v13;
	_ =	sdelay $0x2  }
0x163: {  	v13 =	vadd.f32 $1.000000050e-03, v14;
	v14 =	vpop (erf)  }
0x164: {  	(erf) = vpow2.f32 v11;
	v11 =	vmul.f32 $1.442695020e+00, v12;
	v12 =	vpop (erf)  }
0x165: {  	v14 =	vadd.f32 $1.000000050e-03, v14;
	v12 =	vadd.f32 $1.000000050e-03, v12  }
0x166: {  	v15 =	vpop (erf)  }
0x167: {  	(erf) = vpow2.f32 v11;
	v11 =	vadd.f32 v14, v13;
	v15 =	vadd.f32 $1.000000050e-03, v15;
	_ =	sdelay $0x1  }
0x168: {  	v11 =	vadd.f32 v12, v11;
	v12 =	vpop (erf)  }
0x169: {  	v12 =	vadd.f32 $1.000000050e-03, v12  }
0x16a: {  	v11 =	vadd.f32 v15, v11;
	v15 =	vpop (erf)  }
0x16b: {  	v15 =	vadd.f32 $1.000000050e-03, v15  }
0x16c: {  	v11 =	vadd.f32 v12, v11  }
0x16d: {  	v12 =	vpop (erf)  }
0x16e: {  	v11 =	vadd.f32 v15, v11;
	v12 =	vadd.f32 $1.000000050e-03, v12  }
0x16f: {  	v15 =	vpop (erf)  }
0x170: {  	v15 =	vadd.f32 $1.000000050e-03, v15;
	v11 =	vadd.f32 v12, v11;
	_ =	sdelay $0x1  }
0x171: {  	v11 =	vadd.f32 v15, v11;
	_ =	sdelay $0x1  }
0x172: {  	(erf) = vrcp.f32 v11;
	_ =	sdelay $0x1  }
0x173: {  	v11 =	vsub.f32 v11, v13;
	_ =	sdelay $0x1  }
0x174: {  	(erf) = vrcp.f32 v11;
	_ =	sdelay $0x4  }
0x175: {  	v11 =	vpop (erf)  }
0x176: {  	v11 =	vmul.f32 v11, v13;
	_ =	sdelay $0x1  }
0x177: {  	v12 =	vmul.f32 v11, v14  }
0x178: {  	v13 =	vpop (erf)  }
0x179: {  	v12 =	vmul.f32 v12, v13  }
0x17a: {  	vm0 =	veq.s32 v10, $0x1  }
0x17b: {  	v10 =	vsel vm0, v12, v11  }
0x17c: {  	s20 =	simm.s32 @!p0 $0x48;
	s21 =	simm.s32 @!p0 $0x6000;
	[tilespmem:s18+$0x13800] =	vst v10;
	s18 =	sadd.s32 @!p0 $0x2D0, s17  }
0x17d: {  	[tilespmem:s21], [sflag:$0x2] =	stream.indirect.gather @!p0 [hbm4b:s3+s20], $0x80, s18, s20, $0xb8;
	[tilespmem:$0x13A00] =	vst v63  }
0x17e: {  	s18 =	sadd.s32 @!p0 $0x318, s17;
	s21 =	simm.s32 @!p0 $0x8400  }
0x17f: {  	[tilespmem:s21], [sflag:$0x2] =	stream.indirect.gather @!p0 [hbm4b:s3+s20], $0x80, s18, s20, $0xb8;
	[tilespmem:$0x13A00] =	vst v63  }
0x180: {  	_ =	swait.ge [sflag:s2], $0x2400  }
0x181: {  	[sflag:s2] =	ssyncset.done $0x0  }
0x182: {  	s21 =	simm.s32 $0x0;
	[sflag:s2] =	ssyncadd.s32 $0xFFFFDC00  }
0x183: {  	v11 =	vadd.s32 s21, v0;
	_ =	swait.ge [sflag:s2], $0x2400  }
0x184: {  	v11 =	vand.u32 $0x7F, v11;
	[sflag:s2] =	ssyncset.done $0x0  }
0x185: {  	v13 =	vor.u32 v1, v11;
	[sflag:s2] =	ssyncadd.s32 $0xFFFFDC00  }
0x186: {  	v14 =	vor.u32 v9, v11;
	v10 =	vld [tilespmem:s16+$0x1220]  }
0x187: {  	v16 =	vor.u32 v3, v11  }
0x188: {  	v17 =	vor.u32 v4, v11  }
0x189: {  	v18 =	vor.u32 v5, v11  }
0x18a: {  	v19 =	vor.u32 v6, v11;
	v13 =	vld.idx.msk [tilespmem:v13+s19+$0x0], $0xffff  }
0x18b: {  	v14 =	vld.idx.msk [tilespmem:v14+s19+$0x0], $0xffff;
	v12 =	vshll.u32 v10, $0x7;
	v10 =	vor.u32 v2, v11  }
0x18c: {  	s20 =	simm.s32 $0x1;
	v16 =	vld.idx.msk [tilespmem:v16+s19+$0x0], $0xffff;
	v15 =	vor.u32 v12, v11  }
0x18d: {  	v22 =	vadd.s32 s20, v0;
	v20 =	vor.u32 v7, v11;
	v17 =	vld.idx.msk [tilespmem:v17+s19+$0x0], $0xffff  }
0x18e: {  	v22 =	vand.u32 $0x7F, v22;
	v21 =	vor.u32 v8, v11;
	v18 =	vld.idx.msk [tilespmem:v18+s19+$0x0], $0xffff  }
0x18f: {  	v23 =	vor.u32 v1, v22;
	v19 =	vld.idx.msk [tilespmem:v19+s19+$0x0], $0xffff  }
0x190: {  	v27 =	vor.u32 v9, v22;
	v10 =	vld.idx.msk [tilespmem:v10+s19+$0x0], $0xffff  }
0x191: {  	v25 =	vor.u32 v2, v22;
	v15 =	vld.idx.msk [tilespmem:v15+s29+$0x0], $0xffff  }
0x192: {  	v26 =	vor.u32 v3, v22;
	v28 =	vor.u32 v4, v22;
	v20 =	vld.idx.msk [tilespmem:v20+s19+$0x0], $0xffff  }
0x193: {  	v29 =	vor.u32 v5, v22;
	v31 =	vor.u32 v6, v22;
	v59 =	vor.u32 v7, v22;
	v21 =	vld.idx.msk [tilespmem:v21+s19+$0x0], $0xffff  }
0x194: {  	v23 =	vld.idx.msk [tilespmem:v23+s19+$0x0], $0xffff;
	v14 =	vsub.f32 v13, v14;
	v30 =	vor.u32 v12, v22;
	v16 =	vsub.f32 v13, v16  }
0x195: {  	v62 =	vor.u32 v8, v22;
	v57 =	vld.idx.msk [tilespmem:v27+s19+$0x0], $0xffff;
	v17 =	vsub.f32 v13, v17;
	v18 =	vsub.f32 v13, v18  }
0x196: {  	v25 =	vld.idx.msk [tilespmem:v25+s19+$0x0], $0xffff;
	v19 =	vsub.f32 v13, v19;
	v24 =	vsub.f32 v13, v10;
	v10 =	vmul.f32 v14, v15  }
0x197: {  	v56 =	vsub.f32 v13, v20;
	v55 =	vmul.f32 v16, v15;
	v27 =	vmul.f32 v17, v15  }
0x198: {  	v13 =	vsub.f32 v13, v21;
	v58 =	vmul.f32 v18, v15;
	v60 =	vmul.f32 v19, v15  }
0x199: {  	v11 =	vimm.f32 $0.0e+00;
	v21 =	vld.idx.msk [tilespmem:v30+s29+$0x0], $0xffff;
	v61 =	vmul.f32 v56, v15;
	v54 =	vmul.f32 v24, v15  }
0x19a: {  	v33 =	vsub.f32 v23, v57;
	v30 =	vld.idx.msk [tilespmem:v26+s19+$0x0], $0xffff;
	v15 =	vmul.f32 v13, v15;
	v14 =	vmul.f32 v10, v14  }
0x19b: {  	v32 =	vsub.f32 v23, v25;
	v26 =	vld.idx.msk [tilespmem:v28+s19+$0x0], $0xffff;
	v16 =	vmul.f32 v55, v16;
	v63 =	vmul.f32 v27, v17  }
0x19c: {  	s21 =	simm.s32 $0x2;
	v28 =	vld.idx.msk [tilespmem:v31+s19+$0x0], $0xffff;
	v17 =	vmul.f32 v61, v56;
	v22 =	vmul.f32 v54, v24;
	v20 =	vadd.f32 v14, v11  }
0x19d: {  	v31 =	vld.idx.msk [tilespmem:v62+s19+$0x0], $0xffff;
	v14 =	vmul.f32 v15, v13;
	v13 =	vadd.s32 s21, v0;
	v25 =	vadd.f32 v16, v11  }
0x19e: {  	v10 =	vld [tilespmem:s16+$0x1420];
	v35 =	vmul.f32 v33, v21;
	v16 =	vimm.f32 $0.0e+00;
	v15 =	vimm.f32 $0.0e+00  }
0x19f: {  	v27 =	vld.idx.msk [tilespmem:v29+s19+$0x0], $0xffff;
	v24 =	vadd.f32 v22, v11;
	v22 =	vmul.f32 v58, v18;
	v18 =	vmul.f32 v60, v19  }
0x1a0: {  	s18 =	sor.u32 $0x20, s16;
	s20 =	simm.s32 $0x3;
	v29 =	vld.idx.msk [tilespmem:v59+s19+$0x0], $0xffff;
	v34 =	vand.u32 $0x7F, v13;
	v13 =	vadd.f32 v63, v11;
	v19 =	vimm.f32 $0.0e+00  }
.LBB2_7:
0x1a1: {  	p1 =	sne.s32 s20, $0x7F;
	v36 =	vor.u32 v1, v34;
	v37 =	vor.u32 v2, v34;
	v38 =	vor.u32 v3, v34  }
0x1a2: {  	v39 =	vor.u32 v4, v34;
	v40 =	vor.u32 v9, v34;
	v33 =	vmul.f32 v35, v33  }
0x1a3: {  	v41 =	vor.u32 v6, v34;
	v42 =	vor.u32 v7, v34;
	v35 =	vor.u32 v5, v34  }
0x1a4: {  	v43 =	vor.u32 v12, v34;
	v44 =	vor.u32 v8, v34;
	v20 =	vadd.f32 v33, v20  }
0x1a5: {  	v45 =	vsub.f32 v23, v26;
	v34 =	vsub.f32 v23, v30;
	v33 =	vmul.f32 v32, v21  }
0x1a6: {  	v46 =	vsub.f32 v23, v27;
	v28 =	vsub.f32 v23, v28;
	v36 =	vld.idx.msk [tilespmem:v36+s19+$0x0], $0xffff  }
0x1a7: {  	v27 =	vmul.f32 v34, v21;
	v29 =	vsub.f32 v23, v29;
	v23 =	vsub.f32 v23, v31;
	v40 =	vld.idx.msk [tilespmem:v40+s19+$0x0], $0xffff  }
0x1a8: {  	v11 =	vadd.f32 v22, v11;
	v47 =	vmul.f32 v46, v21;
	v31 =	vld.idx.msk [tilespmem:v37+s19+$0x0], $0xffff;
	v37 =	vmul.f32 v45, v21  }
0x1a9: {  	v19 =	vadd.f32 v18, v19;
	v48 =	vmul.f32 v28, v21;
	v49 =	vmul.f32 v29, v21;
	v43 =	vld.idx.msk [tilespmem:v43+s29+$0x0], $0xffff  }
0x1aa: {  	v16 =	vadd.f32 v17, v16;
	v18 =	vmul.f32 v33, v32;
	v21 =	vmul.f32 v23, v21;
	v30 =	vld.idx.msk [tilespmem:v38+s19+$0x0], $0xffff  }
.Ltmp4:
0x1ab: {  	v15 =	vadd.f32 v14, v15;
	v34 =	vmul.f32 v27, v34;
	v37 =	vmul.f32 v37, v45;
	v26 =	vld.idx.msk [tilespmem:v39+s19+$0x0], $0xffff;
	(pc) =	sbr.rel @p1 .LBB2_7-.Ltmp4, $4  }
0x1ac: {  	v22 =	vmul.f32 v47, v46;
	v24 =	vadd.f32 v18, v24;
	v18 =	vmul.f32 v48, v28;
	v27 =	vld.idx.msk [tilespmem:v35+s19+$0x0], $0xffff  }
0x1ad: {  	v17 =	vmul.f32 v49, v29;
	v14 =	vmul.f32 v21, v23;
	v33 =	vsub.f32 v36, v40;
	v28 =	vld.idx.msk [tilespmem:v41+s19+$0x0], $0xffff  }
0x1ae: {  	v25 =	vadd.f32 v34, v25;
	v38 =	vadd.s32 s20, v0;
	v23 =	vmovc v36;
	v32 =	vsub.f32 v36, v31;
	v29 =	vld.idx.msk [tilespmem:v42+s19+$0x0], $0xffff  }
0x1af: {  	s20 =	sadd.s32 $0x1, s20;
	v34 =	vand.u32 $0x7F, v38;
	v13 =	vadd.f32 v37, v13;
	v35 =	vmul.f32 v33, v43;
	v21 =	vmovc v43;
	v31 =	vld.idx.msk [tilespmem:v44+s19+$0x0], $0xffff  }
0x1b0: {  	v36 =	vor.u32 v1, v34  }
0x1b1: {  	v37 =	vor.u32 v2, v34  }
0x1b2: {  	v12 =	vor.u32 v12, v34  }
0x1b3: {  	v38 =	vor.u32 v3, v34;
	_ =	sdelay $0x1  }
0x1b4: {  	v36 =	vld.idx.msk [tilespmem:v36+s19+$0x0], $0xffff  }
0x1b5: {  	v37 =	vld.idx.msk [tilespmem:v37+s19+$0x0], $0xffff  }
0x1b6: {  	v12 =	vld.idx.msk [tilespmem:v12+s29+$0x0], $0xffff  }
0x1b7: {  	v38 =	vld.idx.msk [tilespmem:v38+s19+$0x0], $0xffff;
	_ =	sdelay $0x1  }
0x1b8: {  	v30 =	vsub.f32 v23, v30  }
0x1b9: {  	v39 =	vmul.f32 v32, v21;
	v37 =	vsub.f32 v36, v37  }
0x1ba: {  	v41 =	vor.u32 v4, v34;
	v40 =	vmul.f32 v30, v21  }
0x1bb: {  	v32 =	vmul.f32 v39, v32;
	v38 =	vsub.f32 v36, v38;
	v54 =	vmul.f32 v37, v12  }
0x1bc: {  	v56 =	vor.u32 v9, v34;
	v57 =	vor.u32 v5, v34;
	v30 =	vmul.f32 v40, v30  }
0x1bd: {  	v24 =	vadd.f32 v32, v24;
	v55 =	vmul.f32 v38, v12;
	v37 =	vmul.f32 v54, v37  }
0x1be: {  	v58 =	vor.u32 v6, v34;
	v59 =	vor.u32 v7, v34;
	v26 =	vsub.f32 v23, v26  }
0x1bf: {  	v25 =	vadd.f32 v30, v25;
	v30 =	vmul.f32 v55, v38;
	v24 =	vadd.f32 v37, v24  }
0x1c0: {  	v11 =	vadd.f32 v22, v11;
	v18 =	vadd.f32 v18, v19;
	v33 =	vmul.f32 v35, v33  }
0x1c1: {  	v25 =	vadd.f32 v30, v25;
	v30 =	vshra.s32 v24, $0x1;
	v61 =	vmul.f32 $5.000000000e-01, v24  }
0x1c2: {  	v27 =	vsub.f32 v23, v27;
	v28 =	vsub.f32 v23, v28;
	v30 =	vsub.s32 $0x5F3759DF, v30  }
0x1c3: {  	v63 =	vshra.s32 v25, $0x1;
	v42 =	vmul.f32 $5.000000000e-01, v25;
	v62 =	vmul.f32 v30, v61  }
0x1c4: {  	v20 =	vadd.f32 v33, v20;
	v44 =	vmul.f32 v27, v21;
	v40 =	vsub.s32 $0x5F3759DF, v63  }
0x1c5: {  	v29 =	vsub.f32 v23, v29;
	v41 =	vld.idx.msk [tilespmem:v41+s19+$0x0], $0xffff;
	v43 =	vmul.f32 v40, v42;
	v33 =	vmul.f32 v30, v62  }
0x1c6: {  	v23 =	vsub.f32 v23, v31;
	v31 =	vmul.f32 v26, v21;
	v45 =	vmul.f32 v28, v21  }
0x1c7: {  	v22 =	vmul.f32 v29, v21;
	v43 =	vmul.f32 v40, v43;
	v33 =	vsub.f32 $1.500000000e+00, v33  }
0x1c8: {  	v16 =	vadd.f32 v17, v16;
	v19 =	vmul.f32 v44, v27;
	v21 =	vmul.f32 v23, v21  }
0x1c9: {  	v26 =	vmul.f32 v31, v26;
	v31 =	vsub.f32 $1.500000000e+00, v43;
	v30 =	vmul.f32 v30, v33  }
0x1ca: {  	v17 =	vld.idx.msk [tilespmem:v59+s19+$0x0], $0xffff;
	v27 =	vmul.f32 v45, v28;
	v21 =	vmul.f32 v21, v23;
	v23 =	vsub.f32 v36, v41  }
0x1cb: {  	v60 =	vor.u32 v8, v34;
	v32 =	vld.idx.msk [tilespmem:v58+s19+$0x0], $0xffff;
	v31 =	vmul.f32 v40, v31;
	v44 =	vmul.f32 v30, v61  }
0x1cc: {  	v14 =	vadd.f32 v14, v15;
	v22 =	vmul.f32 v22, v29;
	v47 =	vmul.f32 v23, v12  }
0x1cd: {  	v39 =	vld.idx.msk [tilespmem:v56+s19+$0x0], $0xffff;
	v11 =	vadd.f32 v19, v11;
	v45 =	vmul.f32 v31, v42;
	v29 =	vmul.f32 v44, v30  }
0x1ce: {  	v13 =	vadd.f32 v26, v13;
	v18 =	vadd.f32 v27, v18;
	v23 =	vmul.f32 v47, v23  }
0x1cf: {  	v28 =	vld.idx.msk [tilespmem:v57+s19+$0x0], $0xffff;
	v17 =	vsub.f32 v36, v17;
	v26 =	vsub.f32 $1.500000000e+00, v29;
	v29 =	vmul.f32 v45, v31  }
0x1d0: {  	v15 =	vld.idx.msk [tilespmem:v60+s19+$0x0], $0xffff;
	v32 =	vsub.f32 v36, v32;
	v13 =	vadd.f32 v23, v13  }
0x1d1: {  	v19 =	vmul.f32 v17, v12;
	v26 =	vmul.f32 v26, v30;
	v29 =	vsub.f32 $1.500000000e+00, v29  }
0x1d2: {  	v48 =	vshra.s32 v13, $0x1;
	v49 =	vmul.f32 $5.000000000e-01, v13;
	v43 =	vsub.f32 v36, v39  }
0x1d3: {  	v34 =	vsub.s32 $0x5F3759DF, v48;
	v23 =	vmul.f32 v26, v61;
	v29 =	vmul.f32 v29, v31  }
0x1d4: {  	v28 =	vsub.f32 v36, v28;
	v51 =	vmul.f32 v34, v49;
	v46 =	vmul.f32 v43, v12  }
0x1d5: {  	v15 =	vsub.f32 v36, v15;
	v23 =	vmul.f32 v23, v26;
	v50 =	vmul.f32 v29, v42  }
0x1d6: {  	v16 =	vadd.f32 v22, v16;
	v30 =	vmul.f32 v28, v12;
	v31 =	vmul.f32 v32, v12  }
0x1d7: {  	v12 =	vmul.f32 v15, v12;
	v23 =	vsub.f32 $1.500000000e+00, v23;
	v36 =	vmul.f32 v50, v29  }
0x1d8: {  	v14 =	vadd.f32 v21, v14;
	v27 =	vmul.f32 v30, v28;
	v28 =	vmul.f32 v34, v51  }
0x1d9: {  	v17 =	vmul.f32 v19, v17;
	v23 =	vmul.f32 v23, v26;
	v26 =	vsub.f32 $1.500000000e+00, v36  }
0x1da: {  	v33 =	vmul.f32 v46, v43;
	v19 =	vsub.f32 $1.500000000e+00, v28;
	v12 =	vmul.f32 v12, v15  }
0x1db: {  	v16 =	vadd.f32 v17, v16;
	v22 =	vmul.f32 v23, v24;
	v23 =	vmul.f32 v26, v29  }
0x1dc: {  	v30 =	vmul.f32 v31, v32;
	v11 =	vadd.f32 v27, v11;
	v19 =	vmul.f32 v34, v19  }
0x1dd: {  	v12 =	vadd.f32 v12, v14;
	v22 =	vsub.f32 $0.0e+00, v22;
	v23 =	vmul.f32 v23, v25  }
0x1de: {  	v21 =	vmul.f32 v19, v49;
	v24 =	vshra.s32 v11, $0x1;
	v26 =	vmul.f32 $5.000000000e-01, v11  }
0x1df: {  	v24 =	vsub.s32 $0x5F3759DF, v24;
	v15 =	vmul.f32 $1.442695020e+00, v22;
	v22 =	vsub.f32 $0.0e+00, v23  }
0x1e0: {  	v20 =	vadd.f32 v33, v20;
	v21 =	vmul.f32 v21, v19;
	v25 =	vmul.f32 v24, v26  }
0x1e1: {  	v18 =	vadd.f32 v30, v18;
	v28 =	vshra.s32 v12, $0x1;
	v14 =	vmul.f32 $1.442695020e+00, v22  }
0x1e2: {  	v23 =	vmul.f32 v24, v25;
	(erf) = vpow2.f32 v15;
	v15 =	vsub.f32 $1.500000000e+00, v21  }
0x1e3: {  	v21 =	vmul.f32 $5.000000000e-01, v18;
	(erf) = vpow2.f32 v14;
	v14 =	vshra.s32 v18, $0x1  }
0x1e4: {  	v17 =	vsub.f32 $1.500000000e+00, v23;
	v23 =	vmul.f32 $5.000000000e-01, v16;
	v14 =	vsub.s32 $0x5F3759DF, v14  }
0x1e5: {  	v22 =	vshra.s32 v16, $0x1;
	v15 =	vmul.f32 v15, v19;
	v19 =	vmul.f32 v14, v21  }
0x1e6: {  	v29 =	vmul.f32 $5.000000000e-01, v12;
	v22 =	vsub.s32 $0x5F3759DF, v22;
	v17 =	vmul.f32 v24, v17  }
0x1e7: {  	v28 =	vsub.s32 $0x5F3759DF, v28;
	v27 =	vmul.f32 v22, v23;
	v19 =	vmul.f32 v14, v19  }
0x1e8: {  	v30 =	vmul.f32 v28, v29;
	v25 =	vmul.f32 v17, v26  }
0x1e9: {  	v52 =	vmul.f32 $5.000000000e-01, v20;
	v27 =	vmul.f32 v22, v27;
	v19 =	vsub.f32 $1.500000000e+00, v19  }
0x1ea: {  	v31 =	vshra.s32 v20, $0x1;
	v30 =	vmul.f32 v28, v30;
	v25 =	vmul.f32 v25, v17  }
0x1eb: {  	v14 =	vmul.f32 v14, v19;
	v19 =	vsub.f32 $1.500000000e+00, v27;
	v27 =	vsub.s32 $0x5F3759DF, v31  }
0x1ec: {  	v24 =	vmul.f32 v15, v49;
	v25 =	vsub.f32 $1.500000000e+00, v25;
	v31 =	vmul.f32 v27, v52  }
0x1ed: {  	v53 =	vmul.f32 v14, v21;
	v19 =	vmul.f32 v22, v19  }
0x1ee: {  	v17 =	vmul.f32 v25, v17;
	v22 =	vsub.f32 $1.500000000e+00, v30;
	v25 =	vmul.f32 v27, v31  }
0x1ef: {  	v30 =	vmul.f32 v53, v14;
	v31 =	vmul.f32 v19, v23  }
0x1f0: {  	v24 =	vmul.f32 v24, v15;
	v22 =	vmul.f32 v28, v22;
	v25 =	vsub.f32 $1.500000000e+00, v25  }
0x1f1: {  	v26 =	vmul.f32 v17, v26;
	v28 =	vsub.f32 $1.500000000e+00, v30;
	v30 =	vmul.f32 v31, v19  }
0x1f2: {  	v31 =	vmul.f32 v22, v29;
	v25 =	vmul.f32 v27, v25  }
0x1f3: {  	v26 =	vmul.f32 v26, v17;
	v14 =	vmul.f32 v28, v14;
	v27 =	vsub.f32 $1.500000000e+00, v30  }
0x1f4: {  	v24 =	vsub.f32 $1.500000000e+00, v24;
	v28 =	vmul.f32 v31, v22;
	v30 =	vmul.f32 v25, v52  }
0x1f5: {  	v21 =	vmul.f32 v14, v21;
	v19 =	vmul.f32 v27, v19  }
0x1f6: {  	v15 =	vmul.f32 v24, v15;
	v24 =	vsub.f32 $1.500000000e+00, v28;
	v27 =	vmul.f32 v30, v25  }
0x1f7: {  	v26 =	vsub.f32 $1.500000000e+00, v26;
	v21 =	vmul.f32 v21, v14;
	v23 =	vmul.f32 v19, v23  }
0x1f8: {  	v13 =	vmul.f32 v15, v13;
	v15 =	vmul.f32 v24, v22;
	v22 =	vsub.f32 $1.500000000e+00, v27  }
0x1f9: {  	v17 =	vmul.f32 v26, v17;
	v21 =	vsub.f32 $1.500000000e+00, v21;
	v23 =	vmul.f32 v23, v19  }
0x1fa: {  	v24 =	vmul.f32 v15, v29;
	v22 =	vmul.f32 v22, v25  }
0x1fb: {  	v13 =	vsub.f32 $0.0e+00, v13;
	v11 =	vmul.f32 v17, v11;
	v14 =	vmul.f32 v21, v14  }
0x1fc: {  	v17 =	vsub.f32 $1.500000000e+00, v23;
	v21 =	vmul.f32 v24, v15;
	v23 =	vmul.f32 v22, v52  }
0x1fd: {  	v13 =	vmul.f32 $1.442695020e+00, v13;
	v11 =	vsub.f32 $0.0e+00, v11;
	v14 =	vmul.f32 v14, v18  }
0x1fe: {  	v17 =	vmul.f32 v17, v19;
	v18 =	vsub.f32 $1.500000000e+00, v21;
	v19 =	vmul.f32 v23, v22  }
0x1ff: {  	(erf) = vpow2.f32 v13;
	v11 =	vmul.f32 $1.442695020e+00, v11;
	v13 =	vsub.f32 $0.0e+00, v14  }
0x200: {  	v14 =	vmul.f32 v17, v16;
	v15 =	vmul.f32 v18, v15;
	v16 =	vsub.f32 $1.500000000e+00, v19  }
0x201: {  	(erf) = vpow2.f32 v11;
	v11 =	vmul.f32 $1.442695020e+00, v13  }
0x202: {  	v13 =	vsub.f32 $0.0e+00, v14;
	v12 =	vmul.f32 v15, v12;
	v14 =	vmul.f32 v16, v22  }
0x203: {  	(erf) = vpow2.f32 v11  }
0x204: {  	v11 =	vmul.f32 $1.442695020e+00, v13;
	v12 =	vsub.f32 $0.0e+00, v12;
	v13 =	vmul.f32 v14, v20;
	_ =	sdelay $0x1  }
0x205: {  	v14 =	vpop (erf);
	(erf) = vpow2.f32 v11;
	v11 =	vmul.f32 $1.442695020e+00, v12;
	v12 =	vsub.f32 $0.0e+00, v13;
	_ =	sdelay $0x2  }
0x206: {  	v13 =	vadd.f32 $1.000000050e-03, v14;
	v14 =	vpop (erf)  }
0x207: {  	(erf) = vpow2.f32 v11;
	v11 =	vmul.f32 $1.442695020e+00, v12;
	v12 =	vpop (erf)  }
0x208: {  	v14 =	vadd.f32 $1.000000050e-03, v14;
	v12 =	vadd.f32 $1.000000050e-03, v12  }
0x209: {  	v15 =	vpop (erf)  }
0x20a: {  	(erf) = vpow2.f32 v11;
	v11 =	vadd.f32 v14, v13;
	v15 =	vadd.f32 $1.000000050e-03, v15;
	_ =	sdelay $0x1  }
0x20b: {  	v11 =	vadd.f32 v12, v11;
	v12 =	vpop (erf)  }
0x20c: {  	v12 =	vadd.f32 $1.000000050e-03, v12  }
0x20d: {  	v11 =	vadd.f32 v15, v11;
	v15 =	vpop (erf)  }
0x20e: {  	v15 =	vadd.f32 $1.000000050e-03, v15  }
0x20f: {  	v11 =	vadd.f32 v12, v11  }
0x210: {  	v12 =	vpop (erf)  }
0x211: {  	v11 =	vadd.f32 v15, v11;
	v12 =	vadd.f32 $1.000000050e-03, v12  }
0x212: {  	v15 =	vpop (erf)  }
0x213: {  	v15 =	vadd.f32 $1.000000050e-03, v15;
	v11 =	vadd.f32 v12, v11;
	_ =	sdelay $0x1  }
0x214: {  	v11 =	vadd.f32 v15, v11;
	_ =	sdelay $0x1  }
0x215: {  	(erf) = vrcp.f32 v11;
	_ =	sdelay $0x1  }
0x216: {  	v11 =	vsub.f32 v11, v13;
	_ =	sdelay $0x1  }
0x217: {  	(erf) = vrcp.f32 v11;
	_ =	sdelay $0x4  }
0x218: {  	v11 =	vpop (erf)  }
0x219: {  	v11 =	vmul.f32 v11, v13;
	_ =	sdelay $0x1  }
0x21a: {  	v12 =	vmul.f32 v11, v14  }
0x21b: {  	v13 =	vpop (erf)  }
0x21c: {  	v12 =	vmul.f32 v12, v13  }
0x21d: {  	vm0 =	veq.s32 v10, $0x1  }
0x21e: {  	v10 =	vsel vm0, v12, v11  }
0x21f: {  	s20 =	simm.s32 @!p0 $0x48;
	s21 =	simm.s32 @!p0 $0xA800;
	[tilespmem:s18+$0x13800] =	vst v10;
	s18 =	sadd.s32 @!p0 $0x360, s17  }
0x220: {  	[tilespmem:s21], [sflag:$0x3] =	stream.indirect.gather @!p0 [hbm4b:s3+s20], $0x80, s18, s20, $0xb8;
	[tilespmem:$0x13A00] =	vst v63  }
0x221: {  	s17 =	sadd.s32 @!p0 $0x3A8, s17;
	s18 =	simm.s32 @!p0 $0xCC00  }
0x222: {  	[tilespmem:s18], [sflag:$0x3] =	stream.indirect.gather @!p0 [hbm4b:s3+s20], $0x80, s17, s20, $0xb8;
	[tilespmem:$0x13A00] =	vst v63  }
0x223: {  	_ =	swait.ge [sflag:s0], $0x2400  }
0x224: {  	[sflag:s0] =	ssyncset.done $0x0  }
0x225: {  	s18 =	simm.s32 $0x0;
	[sflag:s0] =	ssyncadd.s32 $0xFFFFDC00  }
0x226: {  	v11 =	vadd.s32 s18, v0;
	_ =	swait.ge [sflag:s0], $0x2400  }
0x227: {  	v11 =	vand.u32 $0x7F, v11;
	[sflag:s0] =	ssyncset.done $0x0  }
0x228: {  	v13 =	vor.u32 v1, v11;
	[sflag:s0] =	ssyncadd.s32 $0xFFFFDC00  }
0x229: {  	v14 =	vor.u32 v9, v11;
	v10 =	vld [tilespmem:s16+$0x1230]  }
0x22a: {  	v16 =	vor.u32 v3, v11  }
0x22b: {  	v17 =	vor.u32 v4, v11  }
0x22c: {  	v18 =	vor.u32 v5, v11  }
0x22d: {  	v19 =	vor.u32 v6, v11;
	v13 =	vld.idx.msk [tilespmem:v13+s23+$0x0], $0xffff  }
0x22e: {  	v14 =	vld.idx.msk [tilespmem:v14+s23+$0x0], $0xffff;
	v12 =	vshll.u32 v10, $0x7;
	v10 =	vor.u32 v2, v11  }
0x22f: {  	s20 =	simm.s32 $0x1;
	v16 =	vld.idx.msk [tilespmem:v16+s23+$0x0], $0xffff;
	v15 =	vor.u32 v12, v11  }
0x230: {  	v22 =	vadd.s32 s20, v0;
	v20 =	vor.u32 v7, v11;
	v17 =	vld.idx.msk [tilespmem:v17+s23+$0x0], $0xffff  }
0x231: {  	v22 =	vand.u32 $0x7F, v22;
	v21 =	vor.u32 v8, v11;
	v18 =	vld.idx.msk [tilespmem:v18+s23+$0x0], $0xffff  }
0x232: {  	v23 =	vor.u32 v1, v22;
	v19 =	vld.idx.msk [tilespmem:v19+s23+$0x0], $0xffff  }
0x233: {  	v27 =	vor.u32 v9, v22;
	v10 =	vld.idx.msk [tilespmem:v10+s23+$0x0], $0xffff  }
0x234: {  	v25 =	vor.u32 v2, v22;
	v15 =	vld.idx.msk [tilespmem:v15+s29+$0x0], $0xffff  }
0x235: {  	v26 =	vor.u32 v3, v22;
	v28 =	vor.u32 v4, v22;
	v20 =	vld.idx.msk [tilespmem:v20+s23+$0x0], $0xffff  }
0x236: {  	v29 =	vor.u32 v5, v22;
	v31 =	vor.u32 v6, v22;
	v59 =	vor.u32 v7, v22;
	v21 =	vld.idx.msk [tilespmem:v21+s23+$0x0], $0xffff  }
0x237: {  	v23 =	vld.idx.msk [tilespmem:v23+s23+$0x0], $0xffff;
	v14 =	vsub.f32 v13, v14;
	v30 =	vor.u32 v12, v22;
	v16 =	vsub.f32 v13, v16  }
0x238: {  	v62 =	vor.u32 v8, v22;
	v57 =	vld.idx.msk [tilespmem:v27+s23+$0x0], $0xffff;
	v17 =	vsub.f32 v13, v17;
	v18 =	vsub.f32 v13, v18  }
0x239: {  	v25 =	vld.idx.msk [tilespmem:v25+s23+$0x0], $0xffff;
	v19 =	vsub.f32 v13, v19;
	v24 =	vsub.f32 v13, v10;
	v10 =	vmul.f32 v14, v15  }
0x23a: {  	v56 =	vsub.f32 v13, v20;
	v55 =	vmul.f32 v16, v15;
	v27 =	vmul.f32 v17, v15  }
0x23b: {  	v13 =	vsub.f32 v13, v21;
	v58 =	vmul.f32 v18, v15;
	v60 =	vmul.f32 v19, v15  }
0x23c: {  	v11 =	vimm.f32 $0.0e+00;
	v21 =	vld.idx.msk [tilespmem:v30+s29+$0x0], $0xffff;
	v61 =	vmul.f32 v56, v15;
	v54 =	vmul.f32 v24, v15  }
0x23d: {  	v33 =	vsub.f32 v23, v57;
	v30 =	vld.idx.msk [tilespmem:v26+s23+$0x0], $0xffff;
	v15 =	vmul.f32 v13, v15;
	v14 =	vmul.f32 v10, v14  }
0x23e: {  	v32 =	vsub.f32 v23, v25;
	v26 =	vld.idx.msk [tilespmem:v28+s23+$0x0], $0xffff;
	v16 =	vmul.f32 v55, v16;
	v63 =	vmul.f32 v27, v17  }
0x23f: {  	s21 =	simm.s32 $0x2;
	v28 =	vld.idx.msk [tilespmem:v31+s23+$0x0], $0xffff;
	v17 =	vmul.f32 v61, v56;
	v22 =	vmul.f32 v54, v24;
	v20 =	vadd.f32 v14, v11  }
0x240: {  	v31 =	vld.idx.msk [tilespmem:v62+s23+$0x0], $0xffff;
	v14 =	vmul.f32 v15, v13;
	v13 =	vadd.s32 s21, v0;
	v25 =	vadd.f32 v16, v11  }
0x241: {  	v10 =	vld [tilespmem:s16+$0x1430];
	v35 =	vmul.f32 v33, v21;
	v16 =	vimm.f32 $0.0e+00;
	v15 =	vimm.f32 $0.0e+00  }
0x242: {  	v27 =	vld.idx.msk [tilespmem:v29+s23+$0x0], $0xffff;
	v24 =	vadd.f32 v22, v11;
	v22 =	vmul.f32 v58, v18;
	v18 =	vmul.f32 v60, v19  }
0x243: {  	s17 =	simm.s32 $0x3;
	v29 =	vld.idx.msk [tilespmem:v59+s23+$0x0], $0xffff;
	s16 =	sor.u32 $0x30, s16;
	v34 =	vand.u32 $0x7F, v13;
	v13 =	vadd.f32 v63, v11;
	v19 =	vimm.f32 $0.0e+00  }
.LBB2_9:
0x244: {  	p1 =	sne.s32 s17, $0x7F;
	v36 =	vor.u32 v1, v34;
	v37 =	vor.u32 v2, v34;
	v38 =	vor.u32 v3, v34  }
0x245: {  	v39 =	vor.u32 v4, v34;
	v40 =	vor.u32 v9, v34;
	v33 =	vmul.f32 v35, v33  }
0x246: {  	v41 =	vor.u32 v6, v34;
	v42 =	vor.u32 v7, v34;
	v35 =	vor.u32 v5, v34  }
0x247: {  	v43 =	vor.u32 v12, v34;
	v44 =	vor.u32 v8, v34;
	v20 =	vadd.f32 v33, v20  }
0x248: {  	v45 =	vsub.f32 v23, v26;
	v34 =	vsub.f32 v23, v30;
	v33 =	vmul.f32 v32, v21  }
0x249: {  	v46 =	vsub.f32 v23, v27;
	v28 =	vsub.f32 v23, v28;
	v36 =	vld.idx.msk [tilespmem:v36+s23+$0x0], $0xffff  }
0x24a: {  	v27 =	vmul.f32 v34, v21;
	v29 =	vsub.f32 v23, v29;
	v23 =	vsub.f32 v23, v31;
	v40 =	vld.idx.msk [tilespmem:v40+s23+$0x0], $0xffff  }
0x24b: {  	v11 =	vadd.f32 v22, v11;
	v47 =	vmul.f32 v46, v21;
	v31 =	vld.idx.msk [tilespmem:v37+s23+$0x0], $0xffff;
	v37 =	vmul.f32 v45, v21  }
0x24c: {  	v19 =	vadd.f32 v18, v19;
	v48 =	vmul.f32 v28, v21;
	v49 =	vmul.f32 v29, v21;
	v43 =	vld.idx.msk [tilespmem:v43+s29+$0x0], $0xffff  }
0x24d: {  	v16 =	vadd.f32 v17, v16;
	v18 =	vmul.f32 v33, v32;
	v21 =	vmul.f32 v23, v21;
	v30 =	vld.idx.msk [tilespmem:v38+s23+$0x0], $0xffff  }
.Ltmp5:
0x24e: {  	v15 =	vadd.f32 v14, v15;
	v34 =	vmul.f32 v27, v34;
	v37 =	vmul.f32 v37, v45;
	v26 =	vld.idx.msk [tilespmem:v39+s23+$0x0], $0xffff;
	(pc) =	sbr.rel @p1 .LBB2_9-.Ltmp5, $4  }
0x24f: {  	v22 =	vmul.f32 v47, v46;
	v24 =	vadd.f32 v18, v24;
	v18 =	vmul.f32 v48, v28;
	v27 =	vld.idx.msk [tilespmem:v35+s23+$0x0], $0xffff  }
0x250: {  	v17 =	vmul.f32 v49, v29;
	v14 =	vmul.f32 v21, v23;
	v33 =	vsub.f32 v36, v40;
	v28 =	vld.idx.msk [tilespmem:v41+s23+$0x0], $0xffff  }
0x251: {  	v25 =	vadd.f32 v34, v25;
	v38 =	vadd.s32 s17, v0;
	v23 =	vmovc v36;
	v32 =	vsub.f32 v36, v31;
	v29 =	vld.idx.msk [tilespmem:v42+s23+$0x0], $0xffff  }
0x252: {  	s17 =	sadd.s32 $0x1, s17;
	v34 =	vand.u32 $0x7F, v38;
	v13 =	vadd.f32 v37, v13;
	v35 =	vmul.f32 v33, v43;
	v21 =	vmovc v43;
	v31 =	vld.idx.msk [tilespmem:v44+s23+$0x0], $0xffff  }
0x253: {  	v36 =	vor.u32 v1, v34  }
0x254: {  	v37 =	vor.u32 v2, v34;
	_ =	sdelay $0x1  }
0x255: {  	v12 =	vor.u32 v12, v34;
	_ =	sdelay $0x1  }
0x256: {  	v38 =	vor.u32 v3, v34;
	v36 =	vld.idx.msk [tilespmem:v36+s23+$0x0], $0xffff  }
0x257: {  	v30 =	vsub.f32 v23, v30;
	v39 =	vmul.f32 v32, v21;
	v41 =	vor.u32 v4, v34;
	v37 =	vld.idx.msk [tilespmem:v37+s23+$0x0], $0xffff  }
0x258: {  	v59 =	vor.u32 v9, v34;
	v60 =	vor.u32 v5, v34;
	v62 =	vor.u32 v6, v34  }
0x259: {  	v63 =	vor.u32 v7, v34;
	v26 =	vsub.f32 v23, v26;
	v11 =	vadd.f32 v22, v11;
	v12 =	vld.idx.msk [tilespmem:v12+s29+$0x0], $0xffff  }
0x25a: {  	v34 =	vor.u32 v8, v34;
	v18 =	vadd.f32 v18, v19;
	v16 =	vadd.f32 v17, v16  }
0x25b: {  	v14 =	vadd.f32 v14, v15;
	v33 =	vmul.f32 v35, v33;
	v27 =	vsub.f32 v23, v27  }
0x25c: {  	v40 =	vmul.f32 v30, v21;
	v32 =	vmul.f32 v39, v32;
	v38 =	vld.idx.msk [tilespmem:v38+s23+$0x0], $0xffff;
	v37 =	vsub.f32 v36, v37  }
0x25d: {  	v28 =	vsub.f32 v23, v28;
	v52 =	vmul.f32 v26, v21;
	v20 =	vadd.f32 v33, v20  }
0x25e: {  	v29 =	vsub.f32 v23, v29;
	v44 =	vmul.f32 v27, v21;
	v57 =	vmul.f32 v37, v12  }
0x25f: {  	v30 =	vmul.f32 v40, v30;
	v24 =	vadd.f32 v32, v24;
	v45 =	vmul.f32 v28, v21;
	v39 =	vld.idx.msk [tilespmem:v59+s23+$0x0], $0xffff  }
0x260: {  	v51 =	vsub.f32 v23, v31;
	v26 =	vmul.f32 v52, v26;
	v32 =	vld.idx.msk [tilespmem:v62+s23+$0x0], $0xffff;
	v37 =	vmul.f32 v57, v37  }
0x261: {  	v53 =	vmul.f32 v29, v21;
	v56 =	vmul.f32 v44, v27;
	v62 =	vld.idx.msk [tilespmem:v63+s23+$0x0], $0xffff;
	v38 =	vsub.f32 v36, v38  }
0x262: {  	v41 =	vld.idx.msk [tilespmem:v41+s23+$0x0], $0xffff;
	v25 =	vadd.f32 v30, v25;
	v54 =	vmul.f32 v51, v21;
	v24 =	vadd.f32 v37, v24  }
0x263: {  	v13 =	vadd.f32 v26, v13;
	v22 =	vmul.f32 v53, v29;
	v58 =	vmul.f32 v38, v12  }
0x264: {  	v11 =	vadd.f32 v56, v11;
	v47 =	vshra.s32 v24, $0x1;
	v48 =	vmul.f32 $5.000000000e-01, v24  }
0x265: {  	v16 =	vadd.f32 v22, v16;
	v61 =	vmul.f32 v58, v38;
	v30 =	vsub.s32 $0x5F3759DF, v47  }
0x266: {  	v59 =	vsub.f32 v36, v39;
	v17 =	vsub.f32 v36, v62;
	v58 =	vld.idx.msk [tilespmem:v60+s23+$0x0], $0xffff;
	v49 =	vmul.f32 v30, v48  }
0x267: {  	v21 =	vmul.f32 v54, v51;
	v25 =	vadd.f32 v61, v25;
	v61 =	vsub.f32 v36, v41  }
0x268: {  	v32 =	vsub.f32 v36, v32;
	v53 =	vmul.f32 v17, v12;
	v33 =	vmul.f32 v30, v49  }
0x269: {  	v41 =	vld.idx.msk [tilespmem:v34+s23+$0x0], $0xffff;
	v50 =	vshra.s32 v25, $0x1;
	v42 =	vmul.f32 $5.000000000e-01, v25;
	v44 =	vmul.f32 v61, v12  }
0x26a: {  	v57 =	vmul.f32 v45, v28;
	v40 =	vsub.s32 $0x5F3759DF, v50;
	v33 =	vsub.f32 $1.500000000e+00, v33  }
0x26b: {  	v28 =	vsub.f32 v36, v58;
	v43 =	vmul.f32 v40, v42;
	v23 =	vmul.f32 v44, v61  }
0x26c: {  	v17 =	vmul.f32 v53, v17;
	v18 =	vadd.f32 v57, v18;
	v30 =	vmul.f32 v30, v33  }
0x26d: {  	v47 =	vmul.f32 v28, v12;
	v43 =	vmul.f32 v40, v43;
	v13 =	vadd.f32 v23, v13  }
0x26e: {  	v15 =	vsub.f32 v36, v41;
	v49 =	vmul.f32 v32, v12;
	v60 =	vmul.f32 v30, v48  }
0x26f: {  	v55 =	vsub.f32 $1.500000000e+00, v43;
	v43 =	vmul.f32 v59, v12;
	v51 =	vmul.f32 $5.000000000e-01, v13  }
0x270: {  	v50 =	vshra.s32 v13, $0x1;
	v12 =	vmul.f32 v15, v12;
	v63 =	vmul.f32 v60, v30  }
0x271: {  	v57 =	vmul.f32 v49, v32;
	v34 =	vsub.s32 $0x5F3759DF, v50;
	v31 =	vmul.f32 v40, v55  }
0x272: {  	v33 =	vmul.f32 v43, v59;
	v54 =	vmul.f32 v34, v51;
	v45 =	vsub.f32 $1.500000000e+00, v63  }
0x273: {  	v14 =	vadd.f32 v21, v14;
	v55 =	vmul.f32 v47, v28;
	v12 =	vmul.f32 v12, v15  }
0x274: {  	v16 =	vadd.f32 v17, v16;
	v40 =	vmul.f32 v31, v42;
	v26 =	vmul.f32 v45, v30  }
0x275: {  	v18 =	vadd.f32 v57, v18;
	v56 =	vmul.f32 v34, v54;
	v11 =	vadd.f32 v55, v11  }
0x276: {  	v12 =	vadd.f32 v12, v14;
	v46 =	vmul.f32 v40, v31;
	v48 =	vmul.f32 v26, v48  }
0x277: {  	v20 =	vadd.f32 v33, v20;
	v59 =	vsub.f32 $1.500000000e+00, v56  }
0x278: {  	v43 =	vmul.f32 $5.000000000e-01, v18;
	v29 =	vsub.f32 $1.500000000e+00, v46;
	v23 =	vmul.f32 v48, v26  }
0x279: {  	v62 =	vshra.s32 v11, $0x1;
	v54 =	vmul.f32 $5.000000000e-01, v20;
	v19 =	vmul.f32 v34, v59  }
0x27a: {  	v63 =	vmul.f32 $5.000000000e-01, v11;
	v29 =	vmul.f32 v29, v31;
	v23 =	vsub.f32 $1.500000000e+00, v23  }
0x27b: {  	v53 =	vshra.s32 v20, $0x1;
	v46 =	vmul.f32 $5.000000000e-01, v16;
	v32 =	vmul.f32 v19, v51  }
0x27c: {  	v56 =	vsub.s32 $0x5F3759DF, v53;
	v52 =	vmul.f32 v29, v42;
	v23 =	vmul.f32 v23, v26  }
0x27d: {  	v31 =	vmul.f32 v56, v54;
	v21 =	vmul.f32 v32, v19;
	v42 =	vshra.s32 v18, $0x1  }
0x27e: {  	v36 =	vmul.f32 v52, v29;
	v60 =	vmul.f32 v23, v24;
	v24 =	vsub.s32 $0x5F3759DF, v62  }
0x27f: {  	v14 =	vsub.s32 $0x5F3759DF, v42;
	v40 =	vsub.f32 $1.500000000e+00, v21;
	v34 =	vmul.f32 v24, v63  }
0x280: {  	v59 =	vmul.f32 v56, v31;
	v44 =	vmul.f32 v14, v43;
	v58 =	vsub.f32 $1.500000000e+00, v36  }
0x281: {  	v50 =	vshra.s32 v12, $0x1;
	v15 =	vmul.f32 v40, v19;
	v38 =	vmul.f32 v24, v34  }
0x282: {  	v45 =	vshra.s32 v16, $0x1;
	v19 =	vmul.f32 v14, v44;
	v61 =	vmul.f32 v58, v29  }
0x283: {  	v47 =	vmul.f32 v15, v51;
	v22 =	vsub.f32 $0.0e+00, v60;
	v41 =	vsub.f32 $1.500000000e+00, v38  }
0x284: {  	v51 =	vmul.f32 $5.000000000e-01, v12;
	v19 =	vsub.f32 $1.500000000e+00, v19;
	v23 =	vmul.f32 v61, v25  }
0x285: {  	v36 =	vmul.f32 $1.442695020e+00, v22;
	v22 =	vsub.s32 $0x5F3759DF, v45;
	v17 =	vmul.f32 v24, v41  }
0x286: {  	v28 =	vsub.s32 $0x5F3759DF, v50;
	v14 =	vmul.f32 v14, v19;
	v49 =	vmul.f32 v22, v46  }
0x287: {  	v52 =	vmul.f32 v28, v51;
	v48 =	vmul.f32 v17, v63  }
0x288: {  	v37 =	vsub.f32 $0.0e+00, v23;
	v57 =	vmul.f32 v14, v43;
	v27 =	vmul.f32 v22, v49  }
0x289: {  	v30 =	vmul.f32 v28, v52;
	v25 =	vmul.f32 v48, v17  }
0x28a: {  	v39 =	vmul.f32 $1.442695020e+00, v37;
	v60 =	vmul.f32 v57, v14;
	v55 =	vsub.f32 $1.500000000e+00, v27  }
0x28b: {  	v58 =	vsub.f32 $1.500000000e+00, v30;
	(erf) = vpow2.f32 v36;
	v25 =	vsub.f32 $1.500000000e+00, v25  }
0x28c: {  	v62 =	vsub.f32 $1.500000000e+00, v60;
	v24 =	vmul.f32 v47, v15;
	v19 =	vmul.f32 v22, v55  }
0x28d: {  	v22 =	vmul.f32 v28, v58;
	v17 =	vmul.f32 v25, v17  }
0x28e: {  	v14 =	vmul.f32 v62, v14;
	v61 =	vmul.f32 v19, v46;
	v25 =	vsub.f32 $1.500000000e+00, v59  }
0x28f: {  	v33 =	vmul.f32 v22, v51;
	v26 =	vmul.f32 v17, v63  }
0x290: {  	v63 =	vmul.f32 v61, v19;
	v25 =	vmul.f32 v56, v25  }
0x291: {  	(erf) = vpow2.f32 v39;
	v24 =	vsub.f32 $1.500000000e+00, v24;
	v35 =	vmul.f32 v33, v22  }
0x292: {  	v21 =	vmul.f32 v14, v43;
	v34 =	vsub.f32 $1.500000000e+00, v63;
	v36 =	vmul.f32 v25, v54  }
0x293: {  	v15 =	vmul.f32 v24, v15;
	v37 =	vsub.f32 $1.500000000e+00, v35;
	v26 =	vmul.f32 v26, v17  }
0x294: {  	v19 =	vmul.f32 v34, v19;
	v38 =	vmul.f32 v36, v25  }
0x295: {  	v21 =	vmul.f32 v21, v14;
	v39 =	vmul.f32 v37, v22;
	v26 =	vsub.f32 $1.500000000e+00, v26  }
0x296: {  	v13 =	vmul.f32 v15, v13;
	v23 =	vmul.f32 v19, v46;
	v40 =	vsub.f32 $1.500000000e+00, v38  }
0x297: {  	v21 =	vsub.f32 $1.500000000e+00, v21;
	v24 =	vmul.f32 v39, v51;
	v17 =	vmul.f32 v26, v17  }
0x298: {  	v23 =	vmul.f32 v23, v19;
	v22 =	vmul.f32 v40, v25  }
0x299: {  	v13 =	vsub.f32 $0.0e+00, v13;
	v14 =	vmul.f32 v21, v14;
	v11 =	vmul.f32 v17, v11  }
0x29a: {  	v42 =	vmul.f32 v24, v39;
	v41 =	vsub.f32 $1.500000000e+00, v23;
	v43 =	vmul.f32 v22, v54  }
0x29b: {  	v13 =	vmul.f32 $1.442695020e+00, v13;
	v14 =	vmul.f32 v14, v18;
	v11 =	vsub.f32 $0.0e+00, v11  }
0x29c: {  	v44 =	vsub.f32 $1.500000000e+00, v42;
	v17 =	vmul.f32 v41, v19;
	v45 =	vmul.f32 v43, v22  }
0x29d: {  	(erf) = vpow2.f32 v13;
	v46 =	vsub.f32 $0.0e+00, v14;
	v11 =	vmul.f32 $1.442695020e+00, v11  }
0x29e: {  	v15 =	vmul.f32 v44, v39;
	v47 =	vmul.f32 v17, v16;
	v48 =	vsub.f32 $1.500000000e+00, v45  }
0x29f: {  	(erf) = vpow2.f32 v11;
	v11 =	vmul.f32 $1.442695020e+00, v46  }
0x2a0: {  	v12 =	vmul.f32 v15, v12;
	v49 =	vsub.f32 $0.0e+00, v47;
	v50 =	vmul.f32 v48, v22  }
0x2a1: {  	(erf) = vpow2.f32 v11  }
0x2a2: {  	v12 =	vsub.f32 $0.0e+00, v12;
	v11 =	vmul.f32 $1.442695020e+00, v49;
	v51 =	vmul.f32 v50, v20  }
0x2a3: {  	v52 =	vpop (erf)  }
0x2a4: {  	v55 =	vpop (erf);
	(erf) = vpow2.f32 v11;
	v11 =	vmul.f32 $1.442695020e+00, v12;
	v53 =	vsub.f32 $0.0e+00, v51  }
0x2a5: {  	v14 =	vadd.f32 $1.000000050e-03, v55  }
0x2a6: {  	v54 =	vadd.f32 $1.000000050e-03, v52;
	(erf) = vpow2.f32 v11;
	v11 =	vmul.f32 $1.442695020e+00, v53  }
0x2a7: {  	v56 =	vpop (erf)  }
0x2a8: {  	v12 =	vadd.f32 $1.000000050e-03, v56;
	(erf) = vpow2.f32 v11;
	v11 =	vadd.f32 v14, v54  }
0x2a9: {  	v57 =	vpop (erf)  }
0x2aa: {  	v15 =	vadd.f32 $1.000000050e-03, v57;
	v11 =	vadd.f32 v12, v11  }
0x2ab: {  	v58 =	vpop (erf)  }
0x2ac: {  	v12 =	vadd.f32 $1.000000050e-03, v58;
	v11 =	vadd.f32 v15, v11  }
0x2ad: {  	v59 =	vpop (erf)  }
0x2ae: {  	v15 =	vadd.f32 $1.000000050e-03, v59;
	v11 =	vadd.f32 v12, v11  }
0x2af: {  	v60 =	vpop (erf)  }
0x2b0: {  	v12 =	vadd.f32 $1.000000050e-03, v60;
	v11 =	vadd.f32 v15, v11  }
0x2b1: {  	v61 =	vpop (erf)  }
0x2b2: {  	v15 =	vadd.f32 $1.000000050e-03, v61;
	v11 =	vadd.f32 v12, v11;
	_ =	sdelay $0x1  }
0x2b3: {  	v11 =	vadd.f32 v15, v11;
	_ =	sdelay $0x1  }
0x2b4: {  	(erf) = vrcp.f32 v11;
	_ =	sdelay $0x1  }
0x2b5: {  	v11 =	vsub.f32 v11, v54;
	_ =	sdelay $0x1  }
0x2b6: {  	(erf) = vrcp.f32 v11;
	_ =	sdelay $0x4  }
0x2b7: {  	v11 =	vpop (erf)  }
0x2b8: {  	v11 =	vmul.f32 v11, v54;
	_ =	sdelay $0x1  }
0x2b9: {  	v62 =	vmul.f32 v11, v14  }
.Ltmp6:
0x2ba: {  	v63 =	vpop (erf);
	(pc) =	sbr.rel @p0 .LBB2_12-.Ltmp6, $4  }
0x2bb: {  	v12 =	vmul.f32 v62, v63  }
0x2bc: {  	vm0 =	veq.s32 v10, $0x1  }
0x2bd: {  	v10 =	vsel vm0, v12, v11  }
0x2be: {  	[tilespmem:s16+$0x13800] =	vst v10  }
0x2bf: {  	s16 =	smul.u32 $0x900, s14;
	_ =	sdelay $0x1  }
.Ltmp7:
0x2c0: {  	s16 =	sshra.s32 s16, $0x2;
	(pc) =	sbr.rel .LBB2_2-.Ltmp7, $4  }
0x2c1: {  	s17 =	sadd.s32 $0x3F0, s16  }
0x2c2: {  	[tilespmem:s23], [sflag:$0x4] =	stream.indirect.gather [hbm4b:s3+s11], $0x80, s17, s11, $0xb8;
	[tilespmem:$0x13A00] =	vst v63  }
0x2c3: {  	s14 =	sadd.s32 $0x1, s14;
	s16 =	sadd.s32 $0x438, s16  }
0x2c4: {  	[tilespmem:s25], [sflag:$0x4] =	stream.indirect.gather [hbm4b:s3+s11], $0x80, s16, s11, $0xb8;
	[tilespmem:$0x13A00] =	vst v63  }
.LBB2_13:
0x2c5: {  	_ =	sfence.sel $0x180000  }
0x2c6: {  	[bflag:$0x0] =	sbarrier.arrive $0xFFFF  }
0x2c7: {  	_ =	strace $0x90000047  }
0x2c8: {  	s0 =	stileid.u32;
	[bflag:$0x2] =	sbarrier.arrive $0xFFFF  }
0x2c9: {  	p0 =	sne.s32 s0, $0x0;
	s0 =	rddreg [dreg:$0x6]  }
0x2ca: {  	s0 =	sadd.s32 @!p0 $0x100000, s0  }
0x2cb: {  	[sflag:s0] =	ssyncadd.tile.s32 @!p0 $0x1;
	_ =	shalt  }
.Lfunc_end2:
_tile_overlayer_lowered:
.L_overlay_start_2:
0x2cc: {  	(tag) =	ssettag $0x2  }
0x2cd: {  	s0 =	rddreg [dreg:$0x0];
	s2 =	stileid.u32  }
0x2ce: {  	s1 =	rddreg [dreg:$0x1];
	p0 =	sne.s32 s2, $0x0  }
0x2cf: {  	s3 =	rddreg [dreg:$0x2];
	[bflag:$0x3] =	sbarrier.arrive $0xFFFF;
	s2 =	simm.s32 @!p0 $0x1C05  }
0x2d0: {  	[timem:s3], [sflag:s2] =	dma.local @!p0 [hbm:s0], s1  }
0x2d1: {  	s0 =	simm.s32 @!p0 $0x5  }
0x2d2: {  	_ =	swait.ge @!p0 [sflag:s0], s1  }
0x2d3: {  	s1 =	ssub.s32 @!p0 $0x0, s1;
	[sflag:s0] =	ssyncset.done @!p0 $0x0  }
0x2d4: {  	[sflag:s0] =	ssyncadd.s32 @!p0 s1  }
0x2d5: {  	[bflag:$0x3] =	sbarrier.arrive $0xFFFF  }
0x2d6: {  	_ =	shalt  }

</sc_bundles>
